<compile_context>
chip_gen: v7x
topology: tpu7x:2x2x1
jax: 0.10.2.dev20260603
libtpu: 0.0.44.dev20260713+nightly
codegen_flags: <defaults>
</compile_context>

<pallas_src>
import functools

import jax
import jax.numpy as jnp
import numpy as np
from jax import lax
from jax.experimental import pallas as pl
from jax.experimental.pallas import tpu as pltpu
from jax.experimental.pallas import tpu_sc as plsc

_TINY = np.float32(np.finfo(np.float32).tiny)



def _threefry2x32(k0, k1, x0, x1):
    k2 = k0 ^ k1 ^ np.uint32(0x1BD11BDA)
    ks = (k0, k1, k2)
    rot = ((13, 15, 26, 6), (17, 29, 16, 24))
    x0 = x0 + k0
    x1 = x1 + k1
    for i in range(5):
        for d in rot[i % 2]:
            x0 = x0 + x1
            x1 = (x1 << np.uint32(d)) | (x1 >> np.uint32(32 - d))
            x1 = x1 ^ x0
        x0 = x0 + ks[(i + 1) % 3]
        x1 = x1 + ks[(i + 2) % 3] + np.uint32(i + 1)
    return x0, x1


with np.errstate(over="ignore"):
    _KQ = np.asarray(
        _threefry2x32(np.uint32(0), np.uint32(1), np.uint32(0), np.uint32(1)),
        dtype=np.uint32)


def _u_from_bits(bits):
    fb = (bits >> np.uint32(9)) | np.uint32(0x3F800000)
    return jax.lax.bitcast_convert_type(fb, jnp.float32) - jnp.float32(1.0)


def _scan_common(j0, cols, t, d, q, valid, tok_ref, run_max, run_idx,
                 acc_t, acc_d):
    f = jnp.maximum(t - d, _TINY)
    s = f / q
    if valid is not None:
        s = jnp.where(valid, s, jnp.float32(-1.0))

    cmax = jnp.max(s, axis=1, keepdims=True)
    carg = jnp.min(jnp.where(s == cmax, cols, jnp.int32(2**30)),
                   axis=1, keepdims=True)

    tok = tok_ref[:, 0:1]
    m = cols == tok
    st = jnp.sum(jnp.where(m, t, 0.0), axis=1, keepdims=True)
    sd = jnp.sum(jnp.where(m, d, 0.0), axis=1, keepdims=True)

    upd = cmax > run_max[:, 0:1]
    run_max[:, 0:1] = jnp.where(upd, cmax, run_max[:, 0:1])
    run_idx[:, 0:1] = jnp.where(upd, carg, run_idx[:, 0:1])
    acc_t[:, 0:1] = acc_t[:, 0:1] + st
    acc_d[:, 0:1] = acc_d[:, 0:1] + sd


def _scan_a_body(V, C, MASK_A, tok_ref, key_ref, t_ref, d_ref,
                 pm_out, pi_out, pt_out, pd_out,
                 run_max, run_idx, acc_t, acc_d):
    j = pl.program_id(0)
    R = t_ref.shape[0]

    @pl.when(j == 0)
    def _init():
        run_max[...] = jnp.full_like(run_max, -jnp.inf)
        run_idx[...] = jnp.zeros_like(run_idx)
        acc_t[...] = jnp.zeros_like(acc_t)
        acc_d[...] = jnp.zeros_like(acc_d)

    cols = jax.lax.broadcasted_iota(jnp.int32, (R, C), 1) + j * C
    rows = jax.lax.broadcasted_iota(jnp.int32, (R, C), 0)
    x1 = (rows * V + cols).astype(jnp.uint32)
    o0, o1 = _threefry2x32(key_ref[0], key_ref[1], np.uint32(0), x1)
    q = -jnp.log1p(-_u_from_bits(o0 ^ o1))

    valid = (cols < V) if MASK_A else None
    _scan_common(j, cols, t_ref[...], d_ref[...], q, valid, tok_ref,
                 run_max, run_idx, acc_t, acc_d)

    @pl.when(j == pl.num_programs(0) - 1)
    def _fin():
        pm_out[...] = run_max[...]
        pi_out[...] = run_idx[...]
        pt_out[...] = acc_t[...]
        pd_out[...] = acc_d[...]


def _scan_b_body(V, C, SPLIT, tok_ref, t_ref, d_ref, u_ref,
                 pm_ref, pi_ref, pt_ref, pd_ref,
                 idx_out, selt_out, seld_out,
                 run_max, run_idx, acc_t, acc_d):
    j = pl.program_id(0)
    R = t_ref.shape[0]

    @pl.when(j == 0)
    def _init():
        run_max[...] = pm_ref[...]
        run_idx[...] = pi_ref[...]
        acc_t[...] = pt_ref[...]
        acc_d[...] = pd_ref[...]

    cols = (jax.lax.broadcasted_iota(jnp.int32, (R, C), 1)
            + (SPLIT + j) * C)
    valid = cols < V
    q = -jnp.log1p(-u_ref[...])

    _scan_common(j, cols, t_ref[...], d_ref[...], q, valid, tok_ref,
                 run_max, run_idx, acc_t, acc_d)

    @pl.when(j == pl.num_programs(0) - 1)
    def _fin():
        idx_out[...] = run_idx[...]
        selt_out[...] = acc_t[...]
        seld_out[...] = acc_d[...]


def _sc_u_body(V, V0, W, u_hbm, buf, sem):
    wid = lax.axis_index("s") * 2 + lax.axis_index("c")
    row0 = wid * 16
    nvec = W // 16
    lane = lax.iota(jnp.int32, 16)
    k0 = np.uint32(_KQ[0])
    k1 = np.uint32(_KQ[1])

    def row_body(r, carry):
        base = (row0 + r) * V + V0

        def vec_body(k, c2):
            x1 = (base + 16 * k + lane).astype(jnp.uint32)
            o0, o1 = _threefry2x32(k0, k1, np.uint32(0), x1)
            buf[pl.ds(16 * k, 16)] = _u_from_bits(o0 ^ o1)
            return c2

        lax.fori_loop(0, nvec, vec_body, 0, unroll=8)
        pltpu.async_copy(buf, u_hbm.at[row0 + r], sem).wait()
        return carry

    lax.fori_loop(0, 16, row_body, 0)


def _out_body(B, K, u_ref, selt_ref, seld_ref, draft9_ref, rec9_ref,
              bonus_ref, out_ref):
    u = u_ref[...]
    ratio = jnp.minimum(selt_ref[...] / seld_ref[...], jnp.float32(1.0))
    rej = jnp.logical_not(u < ratio)
    kidx = jax.lax.broadcasted_iota(jnp.int32, (B, K), 1)
    limit = jnp.min(jnp.where(rej, kidx, jnp.int32(K)),
                    axis=1, keepdims=True)

    k9 = jax.lax.broadcasted_iota(jnp.int32, (B, K + 1), 1)
    draft9 = draft9_ref[...]
    rec9 = rec9_ref[...]
    bonus = jnp.broadcast_to(bonus_ref[...], (B, K + 1))
    neg1 = jnp.full((B, K + 1), -1, jnp.int32)

    inner = jnp.where(k9 < limit, draft9,
                      jnp.where(k9 == limit, rec9, neg1))
    out_ref[...] = jnp.where(k9 == K,
                             jnp.where(limit == K, bonus, neg1),
                             inner)


def kernel(target_probs, bonus_token_ids, draft_probs, draft_token_ids):
    B, K, V = target_probs.shape
    R = B * K

    rkey = jax.random.key(1)
    ku, kq = jax.random.split(rkey)
    u = jax.random.uniform(ku, (B, K), dtype=jnp.float32)
    kq_data = jax.random.key_data(kq)

    t2 = target_probs.reshape(R, V)
    d2 = draft_probs.reshape(R, V)
    tok_b = jnp.broadcast_to(draft_token_ids.reshape(R, 1), (R, 128))

    C = 2048 if V >= 2048 else ((V + 127) // 128) * 128
    nchunks = (V + C - 1) // C
    SPLIT = max(nchunks - 15, 1) if nchunks > 1 else nchunks
    NSC = nchunks - SPLIT

    part_spec = pl.BlockSpec((R, 128), lambda j: (0, 0))
    part_shape_f = jax.ShapeDtypeStruct((R, 128), jnp.float32)
    part_shape_i = jax.ShapeDtypeStruct((R, 128), jnp.int32)
    scratches = [
        pltpu.VMEM((R, 128), jnp.float32),
        pltpu.VMEM((R, 128), jnp.int32),
        pltpu.VMEM((R, 128), jnp.float32),
        pltpu.VMEM((R, 128), jnp.float32),
    ]

    if NSC > 0:
        W = NSC * C
        V0 = SPLIT * C
        sc_u = pl.kernel(
            functools.partial(_sc_u_body, V, V0, W),
            out_type=jax.ShapeDtypeStruct((R, W), jnp.float32),
            mesh=plsc.VectorSubcoreMesh(core_axis_name="c",
                                        subcore_axis_name="s"),
            scratch_types=[
                pltpu.VMEM((W,), jnp.float32),
                pltpu.SemaphoreType.DMA,
            ],
        )
        u_sc = sc_u()

    pm, pi, pt, pd = pl.pallas_call(
        functools.partial(_scan_a_body, V, C, SPLIT * C > V),
        grid=(SPLIT,),
        in_specs=[
            pl.BlockSpec((R, 128), lambda j: (0, 0)),
            pl.BlockSpec(memory_space=pltpu.SMEM),
            pl.BlockSpec((R, C), lambda j: (0, j)),
            pl.BlockSpec((R, C), lambda j: (0, j)),
        ],
        out_specs=[part_spec] * 4,
        out_shape=[part_shape_f, part_shape_i, part_shape_f, part_shape_f],
        scratch_shapes=scratches,
    )(tok_b, kq_data, t2, d2)

    if NSC > 0:
        idx, selt, seld = pl.pallas_call(
            functools.partial(_scan_b_body, V, C, SPLIT),
            grid=(NSC,),
            in_specs=[
                pl.BlockSpec((R, 128), lambda j: (0, 0)),
                pl.BlockSpec((R, C), lambda j: (0, j + SPLIT)),
                pl.BlockSpec((R, C), lambda j: (0, j + SPLIT)),
                pl.BlockSpec((R, C), lambda j: (0, j)),
                part_spec, part_spec, part_spec, part_spec,
            ],
            out_specs=[part_spec] * 3,
            out_shape=[part_shape_i, part_shape_f, part_shape_f],
            scratch_shapes=scratches,
        )(tok_b, t2, d2, u_sc, pm, pi, pt, pd)
    else:
        idx, selt, seld = pi, pt, pd

    rec = idx[:, 0].reshape(B, K)
    sel_t = selt[:, 0].reshape(B, K)
    sel_d = seld[:, 0].reshape(B, K)

    pad = ((0, 0), (0, 1))
    draft9 = jnp.pad(draft_token_ids, pad)
    rec9 = jnp.pad(rec, pad)

    out = pl.pallas_call(
        functools.partial(_out_body, B, K),
        out_shape=jax.ShapeDtypeStruct((B, K + 1), jnp.int32),
    )(u, sel_t, sel_d, draft9, rec9, bonus_token_ids)
    return out

# --- scband reference (transcript-rebuilt; emitter-appended) ---
"""Pipeline reference for scband-rejection-sampler-43267500540400 (READ-ONLY COPY).

The authoritative reference and input builder live on the scoring server;
editing this copy changes nothing except your own understanding.
"""

import jax, jax.numpy as jnp
import numpy as np


def setup_inputs(seed: int = 0) -> dict:
    key = jax.random.key(seed)
    k0, k1, k2, k3 = jax.random.split(key, 4)
    B, K, V = 64, 8, 100000
    target_probs = jax.random.uniform(k0, (B, K, V), dtype=jnp.float32)
    draft_probs = jax.random.uniform(k1, (B, K, V), dtype=jnp.float32)
    bonus_token_ids = jax.random.randint(k2, (B, 1), 0, V, dtype=jnp.int32)
    draft_token_ids = jax.random.randint(k3, (B, K), 0, V, dtype=jnp.int32)
    return {
        'target_probs': target_probs,
        'bonus_token_ids': bonus_token_ids,
        'draft_probs': draft_probs,
        'draft_token_ids': draft_token_ids,
    }


def reference(target_probs, bonus_token_ids, draft_probs, draft_token_ids):
    B, K, V = draft_probs.shape
    rkey = jax.random.key(1)
    ku, kq = jax.random.split(rkey)

    # _get_accepted: gather draft/target prob of each proposed token
    b_idx = jnp.arange(B)[:, None]
    k_idx = jnp.arange(K)[None, :]
    selected_draft_probs = draft_probs[b_idx, k_idx, draft_token_ids]
    selected_target_probs = target_probs[b_idx, k_idx, draft_token_ids]
    uniform_rand = jax.random.uniform(ku, (B, K), dtype=jnp.float32)
    capped_ratio = jnp.minimum(selected_target_probs / selected_draft_probs, 1.0)
    accepted = uniform_rand < capped_ratio

    # _get_recovered_probs: (q - p)_+ normalized, clamped to smallest positive value
    tiny = jnp.finfo(jnp.float32).tiny
    difference = target_probs - draft_probs
    f = jnp.maximum(difference, tiny)
    recovered_probs = f / jnp.sum(f, axis=-1, keepdims=True)

    # _multinomial via exponential trick: argmax(probs / Exp(1))
    rec_flat = recovered_probs.reshape(B * K, V)
    q = jax.random.exponential(kq, rec_flat.shape, dtype=jnp.float32)
    recovered_token_ids = jnp.argmax(rec_flat / q, axis=1).astype(jnp.int32).reshape(B, K)

    # _create_output
    rejected = ~accepted
    any_rejected = jnp.any(rejected, axis=1)
    first_rejected = jnp.argmax(rejected, axis=1)
    limits = jnp.where(any_rejected, first_rejected, K)

    indices = jnp.arange(K)[None, :]
    accepted_mask = indices < limits[:, None]
    after_false_mask = indices == limits[:, None]

    output = jnp.where(accepted_mask, draft_token_ids, -1)
    bonus_col = jnp.where(output[:, -1] != -1, bonus_token_ids[:, 0], -1)
    output = output * (~after_false_mask).astype(output.dtype) + recovered_token_ids * after_false_mask.astype(output.dtype)

    output_with_bonus_tokens = jnp.concatenate([output, bonus_col[:, None]], axis=1)
    return output_with_bonus_tokens

if __name__ == "__main__":
    import jax
    _d = setup_inputs()
    print(jax.jit(kernel)(*tuple(_d.values())))

</pallas_src>

<mosaic_0001>
#map = affine_map<(d0, d1) -> (0, 0)>
module attributes {stable_mosaic.version = 14 : i64} {
  func.func @_sc_u_body(%arg0: i32, %arg1: i32, %arg2: memref<512x30720xf32, #tpu.memory_space<hbm>>, %arg3: memref<30720xf32, #tpu.memory_space<vmem>>, %arg4: memref<!tpu.dma_semaphore, #tpu.memory_space<semaphore_mem>>) attributes {dimension_semantics = [#tpu.dimension_semantics<core_parallel>, #tpu.dimension_semantics<subcore_parallel>], iteration_bounds = array<i64: 2, 16>, scalar_prefetch = 0 : i64, scratch_operands = 2 : i64, tpu.core_type = #tpu.core_type<sc_vector_subcore>, window_params = [{transform_indices = #map}]} {
    %mul3A = arith.constant 2 : i32
    %mul3A_0 = arith.muli %arg1, %mul3A : i32
    %add3A = arith.addi %mul3A_0, %arg0 : i32
    %mul3A_1 = arith.constant 16 : i32
    %mul3A_2 = arith.muli %add3A, %mul3A_1 : i32
    %iota3A = tpu.iota {dimensions = array<i32: 0>} : vector<16xi32>
    %scan3A = arith.constant 0 : i32
    %scan3A_3 = arith.constant 0 : i32
    %scan3A_4 = arith.constant 16 : i32
    %scan3A_5 = arith.addi %scan3A_3, %scan3A_4 : i32
    %scan3A_6 = arith.constant 1 : i32
    scf.for %scan3A_8 = %scan3A_3 to %scan3A_5 step %scan3A_6  : i32 {
      %add3A_9 = arith.addi %mul3A_2, %scan3A_8 : i32
      %mul3A_10 = arith.constant 100000 : i32
      %mul3A_11 = arith.muli %add3A_9, %mul3A_10 : i32
      %add3A_12 = arith.constant 69632 : i32
      %add3A_13 = arith.addi %mul3A_11, %add3A_12 : i32
      %scan3A_14 = arith.constant 0 : i32
      %scan3A_15 = arith.constant 0 : i32
      %scan3A_16 = arith.constant 1920 : i32
      %scan3A_17 = arith.addi %scan3A_15, %scan3A_16 : i32
      %scan3A_18 = arith.constant 8 : i32
      scf.for %scan3A_31 = %scan3A_15 to %scan3A_17 step %scan3A_18  : i32 {
        %mul3A_32 = arith.constant 16 : i32
        %mul3A_33 = arith.muli %mul3A_32, %scan3A_31 : i32
        %add3A_34 = arith.addi %add3A_13, %mul3A_33 : i32
        %add3A_35 = vector.broadcast %add3A_34 : i32 to vector<16xi32>
        %add3A_36 = arith.addi %add3A_35, %iota3A : vector<16xi32>
        %add3A_37 = arith.constant -57835448 : i32
        %add3A_38 = vector.broadcast %add3A_37 : i32 to vector<16xi32>
        %add3A_39 = arith.addi %add3A_36, %add3A_38 : vector<16xi32>
        %add3A_40 = arith.constant 1948878966 : i32
        %add3A_41 = vector.broadcast %add3A_40 : i32 to vector<16xi32>
        %add3A_42 = arith.addi %add3A_41, %add3A_39 : vector<16xi32>
        %shift_left3A = arith.constant 13 : i32
        %shift_left3A_43 = vector.broadcast %shift_left3A : i32 to vector<16xi32>
        %shift_left3A_44 = arith.shli %add3A_39, %shift_left3A_43 : vector<16xi32>
        %shift_right_logical3A = arith.constant 19 : i32
        %shift_right_logical3A_45 = vector.broadcast %shift_right_logical3A : i32 to vector<16xi32>
        %shift_right_logical3A_46 = arith.shrui %add3A_39, %shift_right_logical3A_45 : vector<16xi32>
        %or3A = arith.ori %shift_left3A_44, %shift_right_logical3A_46 : vector<16xi32>
        %xor3A = arith.xori %or3A, %add3A_42 : vector<16xi32>
        %add3A_47 = arith.addi %add3A_42, %xor3A : vector<16xi32>
        %shift_left3A_48 = arith.constant 15 : i32
        %shift_left3A_49 = vector.broadcast %shift_left3A_48 : i32 to vector<16xi32>
        %shift_left3A_50 = arith.shli %xor3A, %shift_left3A_49 : vector<16xi32>
        %shift_right_logical3A_51 = arith.constant 17 : i32
        %shift_right_logical3A_52 = vector.broadcast %shift_right_logical3A_51 : i32 to vector<16xi32>
        %shift_right_logical3A_53 = arith.shrui %xor3A, %shift_right_logical3A_52 : vector<16xi32>
        %or3A_54 = arith.ori %shift_left3A_50, %shift_right_logical3A_53 : vector<16xi32>
        %xor3A_55 = arith.xori %or3A_54, %add3A_47 : vector<16xi32>
        %add3A_56 = arith.addi %add3A_47, %xor3A_55 : vector<16xi32>
        %shift_left3A_57 = arith.constant 26 : i32
        %shift_left3A_58 = vector.broadcast %shift_left3A_57 : i32 to vector<16xi32>
        %shift_left3A_59 = arith.shli %xor3A_55, %shift_left3A_58 : vector<16xi32>
        %shift_right_logical3A_60 = arith.constant 6 : i32
        %shift_right_logical3A_61 = vector.broadcast %shift_right_logical3A_60 : i32 to vector<16xi32>
        %shift_right_logical3A_62 = arith.shrui %xor3A_55, %shift_right_logical3A_61 : vector<16xi32>
        %or3A_63 = arith.ori %shift_left3A_59, %shift_right_logical3A_62 : vector<16xi32>
        %xor3A_64 = arith.xori %or3A_63, %add3A_56 : vector<16xi32>
        %add3A_65 = arith.addi %add3A_56, %xor3A_64 : vector<16xi32>
        %shift_left3A_66 = arith.constant 6 : i32
        %shift_left3A_67 = vector.broadcast %shift_left3A_66 : i32 to vector<16xi32>
        %shift_left3A_68 = arith.shli %xor3A_64, %shift_left3A_67 : vector<16xi32>
        %shift_right_logical3A_69 = arith.constant 26 : i32
        %shift_right_logical3A_70 = vector.broadcast %shift_right_logical3A_69 : i32 to vector<16xi32>
        %shift_right_logical3A_71 = arith.shrui %xor3A_64, %shift_right_logical3A_70 : vector<16xi32>
        %or3A_72 = arith.ori %shift_left3A_68, %shift_right_logical3A_71 : vector<16xi32>
        %xor3A_73 = arith.xori %or3A_72, %add3A_65 : vector<16xi32>
        %add3A_74 = arith.constant -57835448 : i32
        %add3A_75 = vector.broadcast %add3A_74 : i32 to vector<16xi32>
        %add3A_76 = arith.addi %add3A_65, %add3A_75 : vector<16xi32>
        %add3A_77 = arith.constant -1821043740 : i32
        %add3A_78 = vector.broadcast %add3A_77 : i32 to vector<16xi32>
        %add3A_79 = arith.addi %xor3A_73, %add3A_78 : vector<16xi32>
        %add3A_80 = arith.constant 1 : i32
        %add3A_81 = vector.broadcast %add3A_80 : i32 to vector<16xi32>
        %add3A_82 = arith.addi %add3A_79, %add3A_81 : vector<16xi32>
        %add3A_83 = arith.addi %add3A_76, %add3A_82 : vector<16xi32>
        %shift_left3A_84 = arith.constant 17 : i32
        %shift_left3A_85 = vector.broadcast %shift_left3A_84 : i32 to vector<16xi32>
        %shift_left3A_86 = arith.shli %add3A_82, %shift_left3A_85 : vector<16xi32>
        %shift_right_logical3A_87 = arith.constant 15 : i32
        %shift_right_logical3A_88 = vector.broadcast %shift_right_logical3A_87 : i32 to vector<16xi32>
        %shift_right_logical3A_89 = arith.shrui %add3A_82, %shift_right_logical3A_88 : vector<16xi32>
        %or3A_90 = arith.ori %shift_left3A_86, %shift_right_logical3A_89 : vector<16xi32>
        %xor3A_91 = arith.xori %or3A_90, %add3A_83 : vector<16xi32>
        %add3A_92 = arith.addi %add3A_83, %xor3A_91 : vector<16xi32>
        %shift_left3A_93 = arith.constant 29 : i32
        %shift_left3A_94 = vector.broadcast %shift_left3A_93 : i32 to vector<16xi32>
        %shift_left3A_95 = arith.shli %xor3A_91, %shift_left3A_94 : vector<16xi32>
        %shift_right_logical3A_96 = arith.constant 3 : i32
        %shift_right_logical3A_97 = vector.broadcast %shift_right_logical3A_96 : i32 to vector<16xi32>
        %shift_right_logical3A_98 = arith.shrui %xor3A_91, %shift_right_logical3A_97 : vector<16xi32>
        %or3A_99 = arith.ori %shift_left3A_95, %shift_right_logical3A_98 : vector<16xi32>
        %xor3A_100 = arith.xori %or3A_99, %add3A_92 : vector<16xi32>
        %add3A_101 = arith.addi %add3A_92, %xor3A_100 : vector<16xi32>
        %shift_left3A_102 = arith.constant 16 : i32
        %shift_left3A_103 = vector.broadcast %shift_left3A_102 : i32 to vector<16xi32>
        %shift_left3A_104 = arith.shli %xor3A_100, %shift_left3A_103 : vector<16xi32>
        %shift_right_logical3A_105 = arith.constant 16 : i32
        %shift_right_logical3A_106 = vector.broadcast %shift_right_logical3A_105 : i32 to vector<16xi32>
        %shift_right_logical3A_107 = arith.shrui %xor3A_100, %shift_right_logical3A_106 : vector<16xi32>
        %or3A_108 = arith.ori %shift_left3A_104, %shift_right_logical3A_107 : vector<16xi32>
        %xor3A_109 = arith.xori %or3A_108, %add3A_101 : vector<16xi32>
        %add3A_110 = arith.addi %add3A_101, %xor3A_109 : vector<16xi32>
        %shift_left3A_111 = arith.constant 24 : i32
        %shift_left3A_112 = vector.broadcast %shift_left3A_111 : i32 to vector<16xi32>
        %shift_left3A_113 = arith.shli %xor3A_109, %shift_left3A_112 : vector<16xi32>
        %shift_right_logical3A_114 = arith.constant 8 : i32
        %shift_right_logical3A_115 = vector.broadcast %shift_right_logical3A_114 : i32 to vector<16xi32>
        %shift_right_logical3A_116 = arith.shrui %xor3A_109, %shift_right_logical3A_115 : vector<16xi32>
        %or3A_117 = arith.ori %shift_left3A_113, %shift_right_logical3A_116 : vector<16xi32>
        %xor3A_118 = arith.xori %or3A_117, %add3A_110 : vector<16xi32>
        %add3A_119 = arith.constant -1821043740 : i32
        %add3A_120 = vector.broadcast %add3A_119 : i32 to vector<16xi32>
        %add3A_121 = arith.addi %add3A_110, %add3A_120 : vector<16xi32>
        %add3A_122 = arith.constant 1948878966 : i32
        %add3A_123 = vector.broadcast %add3A_122 : i32 to vector<16xi32>
        %add3A_124 = arith.addi %xor3A_118, %add3A_123 : vector<16xi32>
        %add3A_125 = arith.constant 2 : i32
        %add3A_126 = vector.broadcast %add3A_125 : i32 to vector<16xi32>
        %add3A_127 = arith.addi %add3A_124, %add3A_126 : vector<16xi32>
        %add3A_128 = arith.addi %add3A_121, %add3A_127 : vector<16xi32>
        %shift_left3A_129 = arith.constant 13 : i32
        %shift_left3A_130 = vector.broadcast %shift_left3A_129 : i32 to vector<16xi32>
        %shift_left3A_131 = arith.shli %add3A_127, %shift_left3A_130 : vector<16xi32>
        %shift_right_logical3A_132 = arith.constant 19 : i32
        %shift_right_logical3A_133 = vector.broadcast %shift_right_logical3A_132 : i32 to vector<16xi32>
        %shift_right_logical3A_134 = arith.shrui %add3A_127, %shift_right_logical3A_133 : vector<16xi32>
        %or3A_135 = arith.ori %shift_left3A_131, %shift_right_logical3A_134 : vector<16xi32>
        %xor3A_136 = arith.xori %or3A_135, %add3A_128 : vector<16xi32>
        %add3A_137 = arith.addi %add3A_128, %xor3A_136 : vector<16xi32>
        %shift_left3A_138 = arith.constant 15 : i32
        %shift_left3A_139 = vector.broadcast %shift_left3A_138 : i32 to vector<16xi32>
        %shift_left3A_140 = arith.shli %xor3A_136, %shift_left3A_139 : vector<16xi32>
        %shift_right_logical3A_141 = arith.constant 17 : i32
        %shift_right_logical3A_142 = vector.broadcast %shift_right_logical3A_141 : i32 to vector<16xi32>
        %shift_right_logical3A_143 = arith.shrui %xor3A_136, %shift_right_logical3A_142 : vector<16xi32>
        %or3A_144 = arith.ori %shift_left3A_140, %shift_right_logical3A_143 : vector<16xi32>
        %xor3A_145 = arith.xori %or3A_144, %add3A_137 : vector<16xi32>
        %add3A_146 = arith.addi %add3A_137, %xor3A_145 : vector<16xi32>
        %shift_left3A_147 = arith.constant 26 : i32
        %shift_left3A_148 = vector.broadcast %shift_left3A_147 : i32 to vector<16xi32>
        %shift_left3A_149 = arith.shli %xor3A_145, %shift_left3A_148 : vector<16xi32>
        %shift_right_logical3A_150 = arith.constant 6 : i32
        %shift_right_logical3A_151 = vector.broadcast %shift_right_logical3A_150 : i32 to vector<16xi32>
        %shift_right_logical3A_152 = arith.shrui %xor3A_145, %shift_right_logical3A_151 : vector<16xi32>
        %or3A_153 = arith.ori %shift_left3A_149, %shift_right_logical3A_152 : vector<16xi32>
        %xor3A_154 = arith.xori %or3A_153, %add3A_146 : vector<16xi32>
        %add3A_155 = arith.addi %add3A_146, %xor3A_154 : vector<16xi32>
        %shift_left3A_156 = arith.constant 6 : i32
        %shift_left3A_157 = vector.broadcast %shift_left3A_156 : i32 to vector<16xi32>
        %shift_left3A_158 = arith.shli %xor3A_154, %shift_left3A_157 : vector<16xi32>
        %shift_right_logical3A_159 = arith.constant 26 : i32
        %shift_right_logical3A_160 = vector.broadcast %shift_right_logical3A_159 : i32 to vector<16xi32>
        %shift_right_logical3A_161 = arith.shrui %xor3A_154, %shift_right_logical3A_160 : vector<16xi32>
        %or3A_162 = arith.ori %shift_left3A_158, %shift_right_logical3A_161 : vector<16xi32>
        %xor3A_163 = arith.xori %or3A_162, %add3A_155 : vector<16xi32>
        %add3A_164 = arith.constant 1948878966 : i32
        %add3A_165 = vector.broadcast %add3A_164 : i32 to vector<16xi32>
        %add3A_166 = arith.addi %add3A_155, %add3A_165 : vector<16xi32>
        %add3A_167 = arith.constant -57835448 : i32
        %add3A_168 = vector.broadcast %add3A_167 : i32 to vector<16xi32>
        %add3A_169 = arith.addi %xor3A_163, %add3A_168 : vector<16xi32>
        %add3A_170 = arith.constant 3 : i32
        %add3A_171 = vector.broadcast %add3A_170 : i32 to vector<16xi32>
        %add3A_172 = arith.addi %add3A_169, %add3A_171 : vector<16xi32>
        %add3A_173 = arith.addi %add3A_166, %add3A_172 : vector<16xi32>
        %shift_left3A_174 = arith.constant 17 : i32
        %shift_left3A_175 = vector.broadcast %shift_left3A_174 : i32 to vector<16xi32>
        %shift_left3A_176 = arith.shli %add3A_172, %shift_left3A_175 : vector<16xi32>
        %shift_right_logical3A_177 = arith.constant 15 : i32
        %shift_right_logical3A_178 = vector.broadcast %shift_right_logical3A_177 : i32 to vector<16xi32>
        %shift_right_logical3A_179 = arith.shrui %add3A_172, %shift_right_logical3A_178 : vector<16xi32>
        %or3A_180 = arith.ori %shift_left3A_176, %shift_right_logical3A_179 : vector<16xi32>
        %xor3A_181 = arith.xori %or3A_180, %add3A_173 : vector<16xi32>
        %add3A_182 = arith.addi %add3A_173, %xor3A_181 : vector<16xi32>
        %shift_left3A_183 = arith.constant 29 : i32
        %shift_left3A_184 = vector.broadcast %shift_left3A_183 : i32 to vector<16xi32>
        %shift_left3A_185 = arith.shli %xor3A_181, %shift_left3A_184 : vector<16xi32>
        %shift_right_logical3A_186 = arith.constant 3 : i32
        %shift_right_logical3A_187 = vector.broadcast %shift_right_logical3A_186 : i32 to vector<16xi32>
        %shift_right_logical3A_188 = arith.shrui %xor3A_181, %shift_right_logical3A_187 : vector<16xi32>
        %or3A_189 = arith.ori %shift_left3A_185, %shift_right_logical3A_188 : vector<16xi32>
        %xor3A_190 = arith.xori %or3A_189, %add3A_182 : vector<16xi32>
        %add3A_191 = arith.addi %add3A_182, %xor3A_190 : vector<16xi32>
        %shift_left3A_192 = arith.constant 16 : i32
        %shift_left3A_193 = vector.broadcast %shift_left3A_192 : i32 to vector<16xi32>
        %shift_left3A_194 = arith.shli %xor3A_190, %shift_left3A_193 : vector<16xi32>
        %shift_right_logical3A_195 = arith.constant 16 : i32
        %shift_right_logical3A_196 = vector.broadcast %shift_right_logical3A_195 : i32 to vector<16xi32>
        %shift_right_logical3A_197 = arith.shrui %xor3A_190, %shift_right_logical3A_196 : vector<16xi32>
        %or3A_198 = arith.ori %shift_left3A_194, %shift_right_logical3A_197 : vector<16xi32>
        %xor3A_199 = arith.xori %or3A_198, %add3A_191 : vector<16xi32>
        %add3A_200 = arith.addi %add3A_191, %xor3A_199 : vector<16xi32>
        %shift_left3A_201 = arith.constant 24 : i32
        %shift_left3A_202 = vector.broadcast %shift_left3A_201 : i32 to vector<16xi32>
        %shift_left3A_203 = arith.shli %xor3A_199, %shift_left3A_202 : vector<16xi32>
        %shift_right_logical3A_204 = arith.constant 8 : i32
        %shift_right_logical3A_205 = vector.broadcast %shift_right_logical3A_204 : i32 to vector<16xi32>
        %shift_right_logical3A_206 = arith.shrui %xor3A_199, %shift_right_logical3A_205 : vector<16xi32>
        %or3A_207 = arith.ori %shift_left3A_203, %shift_right_logical3A_206 : vector<16xi32>
        %xor3A_208 = arith.xori %or3A_207, %add3A_200 : vector<16xi32>
        %add3A_209 = arith.constant -57835448 : i32
        %add3A_210 = vector.broadcast %add3A_209 : i32 to vector<16xi32>
        %add3A_211 = arith.addi %add3A_200, %add3A_210 : vector<16xi32>
        %add3A_212 = arith.constant -1821043740 : i32
        %add3A_213 = vector.broadcast %add3A_212 : i32 to vector<16xi32>
        %add3A_214 = arith.addi %xor3A_208, %add3A_213 : vector<16xi32>
        %add3A_215 = arith.constant 4 : i32
        %add3A_216 = vector.broadcast %add3A_215 : i32 to vector<16xi32>
        %add3A_217 = arith.addi %add3A_214, %add3A_216 : vector<16xi32>
        %add3A_218 = arith.addi %add3A_211, %add3A_217 : vector<16xi32>
        %shift_left3A_219 = arith.constant 13 : i32
        %shift_left3A_220 = vector.broadcast %shift_left3A_219 : i32 to vector<16xi32>
        %shift_left3A_221 = arith.shli %add3A_217, %shift_left3A_220 : vector<16xi32>
        %shift_right_logical3A_222 = arith.constant 19 : i32
        %shift_right_logical3A_223 = vector.broadcast %shift_right_logical3A_222 : i32 to vector<16xi32>
        %shift_right_logical3A_224 = arith.shrui %add3A_217, %shift_right_logical3A_223 : vector<16xi32>
        %or3A_225 = arith.ori %shift_left3A_221, %shift_right_logical3A_224 : vector<16xi32>
        %xor3A_226 = arith.xori %or3A_225, %add3A_218 : vector<16xi32>
        %add3A_227 = arith.addi %add3A_218, %xor3A_226 : vector<16xi32>
        %shift_left3A_228 = arith.constant 15 : i32
        %shift_left3A_229 = vector.broadcast %shift_left3A_228 : i32 to vector<16xi32>
        %shift_left3A_230 = arith.shli %xor3A_226, %shift_left3A_229 : vector<16xi32>
        %shift_right_logical3A_231 = arith.constant 17 : i32
        %shift_right_logical3A_232 = vector.broadcast %shift_right_logical3A_231 : i32 to vector<16xi32>
        %shift_right_logical3A_233 = arith.shrui %xor3A_226, %shift_right_logical3A_232 : vector<16xi32>
        %or3A_234 = arith.ori %shift_left3A_230, %shift_right_logical3A_233 : vector<16xi32>
        %xor3A_235 = arith.xori %or3A_234, %add3A_227 : vector<16xi32>
        %add3A_236 = arith.addi %add3A_227, %xor3A_235 : vector<16xi32>
        %shift_left3A_237 = arith.constant 26 : i32
        %shift_left3A_238 = vector.broadcast %shift_left3A_237 : i32 to vector<16xi32>
        %shift_left3A_239 = arith.shli %xor3A_235, %shift_left3A_238 : vector<16xi32>
        %shift_right_logical3A_240 = arith.constant 6 : i32
        %shift_right_logical3A_241 = vector.broadcast %shift_right_logical3A_240 : i32 to vector<16xi32>
        %shift_right_logical3A_242 = arith.shrui %xor3A_235, %shift_right_logical3A_241 : vector<16xi32>
        %or3A_243 = arith.ori %shift_left3A_239, %shift_right_logical3A_242 : vector<16xi32>
        %xor3A_244 = arith.xori %or3A_243, %add3A_236 : vector<16xi32>
        %add3A_245 = arith.addi %add3A_236, %xor3A_244 : vector<16xi32>
        %shift_left3A_246 = arith.constant 6 : i32
        %shift_left3A_247 = vector.broadcast %shift_left3A_246 : i32 to vector<16xi32>
        %shift_left3A_248 = arith.shli %xor3A_244, %shift_left3A_247 : vector<16xi32>
        %shift_right_logical3A_249 = arith.constant 26 : i32
        %shift_right_logical3A_250 = vector.broadcast %shift_right_logical3A_249 : i32 to vector<16xi32>
        %shift_right_logical3A_251 = arith.shrui %xor3A_244, %shift_right_logical3A_250 : vector<16xi32>
        %or3A_252 = arith.ori %shift_left3A_248, %shift_right_logical3A_251 : vector<16xi32>
        %xor3A_253 = arith.xori %or3A_252, %add3A_245 : vector<16xi32>
        %add3A_254 = arith.constant -1821043740 : i32
        %add3A_255 = vector.broadcast %add3A_254 : i32 to vector<16xi32>
        %add3A_256 = arith.addi %add3A_245, %add3A_255 : vector<16xi32>
        %add3A_257 = arith.constant 1948878966 : i32
        %add3A_258 = vector.broadcast %add3A_257 : i32 to vector<16xi32>
        %add3A_259 = arith.addi %xor3A_253, %add3A_258 : vector<16xi32>
        %add3A_260 = arith.constant 5 : i32
        %add3A_261 = vector.broadcast %add3A_260 : i32 to vector<16xi32>
        %add3A_262 = arith.addi %add3A_259, %add3A_261 : vector<16xi32>
        %xor3A_263 = arith.xori %add3A_256, %add3A_262 : vector<16xi32>
        %shift_right_logical3A_264 = arith.constant 9 : i32
        %shift_right_logical3A_265 = vector.broadcast %shift_right_logical3A_264 : i32 to vector<16xi32>
        %shift_right_logical3A_266 = arith.shrui %xor3A_263, %shift_right_logical3A_265 : vector<16xi32>
        %or3A_267 = arith.constant 1065353216 : i32
        %or3A_268 = vector.broadcast %or3A_267 : i32 to vector<16xi32>
        %or3A_269 = arith.ori %shift_right_logical3A_266, %or3A_268 : vector<16xi32>
        %bitcast_convert_type3A = tpu.bitcast %or3A_269 : vector<16xi32> -> vector<16xf32>
        %sub3A = arith.constant 1.000000e+00 : f32
        %sub3A_270 = vector.broadcast %sub3A : f32 to vector<16xf32>
        %sub3A_271 = arith.subf %bitcast_convert_type3A, %sub3A_270 : vector<16xf32>
        %mul3A_272 = arith.constant 16 : i32
        %mul3A_273 = arith.muli %mul3A_272, %scan3A_31 : i32
        %swap3A = arith.index_cast %mul3A_273 : i32 to index
        %swap3A_274 = tpu.vector_load %arg3[%swap3A] {strides = array<i32>} : memref<30720xf32, #tpu.memory_space<vmem>>, vector<16xf32>,
        %swap3A_275 = vector.shape_cast %swap3A_274 : vector<16xf32> to vector<16xf32>
        %swap3A_276 = vector.shape_cast %sub3A_271 : vector<16xf32> to vector<16xf32>
        tpu.vector_store %arg3[%swap3A], %swap3A_276 {strides = array<i32>} : memref<30720xf32, #tpu.memory_space<vmem>>, vector<16xf32>,
        %scan3A_277 = arith.constant 1 : i32
        %scan3A_278 = arith.addi %scan3A_31, %scan3A_277 : i32
        %mul3A_279 = arith.constant 16 : i32
        %mul3A_280 = arith.muli %mul3A_279, %scan3A_278 : i32
        %add3A_281 = arith.addi %add3A_13, %mul3A_280 : i32
        %add3A_282 = vector.broadcast %add3A_281 : i32 to vector<16xi32>
        %add3A_283 = arith.addi %add3A_282, %iota3A : vector<16xi32>
        %add3A_284 = arith.constant -57835448 : i32
        %add3A_285 = vector.broadcast %add3A_284 : i32 to vector<16xi32>
        %add3A_286 = arith.addi %add3A_283, %add3A_285 : vector<16xi32>
        %add3A_287 = arith.constant 1948878966 : i32
        %add3A_288 = vector.broadcast %add3A_287 : i32 to vector<16xi32>
        %add3A_289 = arith.addi %add3A_288, %add3A_286 : vector<16xi32>
        %shift_left3A_290 = arith.constant 13 : i32
        %shift_left3A_291 = vector.broadcast %shift_left3A_290 : i32 to vector<16xi32>
        %shift_left3A_292 = arith.shli %add3A_286, %shift_left3A_291 : vector<16xi32>
        %shift_right_logical3A_293 = arith.constant 19 : i32
        %shift_right_logical3A_294 = vector.broadcast %shift_right_logical3A_293 : i32 to vector<16xi32>
        %shift_right_logical3A_295 = arith.shrui %add3A_286, %shift_right_logical3A_294 : vector<16xi32>
        %or3A_296 = arith.ori %shift_left3A_292, %shift_right_logical3A_295 : vector<16xi32>
        %xor3A_297 = arith.xori %or3A_296, %add3A_289 : vector<16xi32>
        %add3A_298 = arith.addi %add3A_289, %xor3A_297 : vector<16xi32>
        %shift_left3A_299 = arith.constant 15 : i32
        %shift_left3A_300 = vector.broadcast %shift_left3A_299 : i32 to vector<16xi32>
        %shift_left3A_301 = arith.shli %xor3A_297, %shift_left3A_300 : vector<16xi32>
        %shift_right_logical3A_302 = arith.constant 17 : i32
        %shift_right_logical3A_303 = vector.broadcast %shift_right_logical3A_302 : i32 to vector<16xi32>
        %shift_right_logical3A_304 = arith.shrui %xor3A_297, %shift_right_logical3A_303 : vector<16xi32>
        %or3A_305 = arith.ori %shift_left3A_301, %shift_right_logical3A_304 : vector<16xi32>
        %xor3A_306 = arith.xori %or3A_305, %add3A_298 : vector<16xi32>
        %add3A_307 = arith.addi %add3A_298, %xor3A_306 : vector<16xi32>
        %shift_left3A_308 = arith.constant 26 : i32
        %shift_left3A_309 = vector.broadcast %shift_left3A_308 : i32 to vector<16xi32>
        %shift_left3A_310 = arith.shli %xor3A_306, %shift_left3A_309 : vector<16xi32>
        %shift_right_logical3A_311 = arith.constant 6 : i32
        %shift_right_logical3A_312 = vector.broadcast %shift_right_logical3A_311 : i32 to vector<16xi32>
        %shift_right_logical3A_313 = arith.shrui %xor3A_306, %shift_right_logical3A_312 : vector<16xi32>
        %or3A_314 = arith.ori %shift_left3A_310, %shift_right_logical3A_313 : vector<16xi32>
        %xor3A_315 = arith.xori %or3A_314, %add3A_307 : vector<16xi32>
        %add3A_316 = arith.addi %add3A_307, %xor3A_315 : vector<16xi32>
        %shift_left3A_317 = arith.constant 6 : i32
        %shift_left3A_318 = vector.broadcast %shift_left3A_317 : i32 to vector<16xi32>
        %shift_left3A_319 = arith.shli %xor3A_315, %shift_left3A_318 : vector<16xi32>
        %shift_right_logical3A_320 = arith.constant 26 : i32
        %shift_right_logical3A_321 = vector.broadcast %shift_right_logical3A_320 : i32 to vector<16xi32>
        %shift_right_logical3A_322 = arith.shrui %xor3A_315, %shift_right_logical3A_321 : vector<16xi32>
        %or3A_323 = arith.ori %shift_left3A_319, %shift_right_logical3A_322 : vector<16xi32>
        %xor3A_324 = arith.xori %or3A_323, %add3A_316 : vector<16xi32>
        %add3A_325 = arith.constant -57835448 : i32
        %add3A_326 = vector.broadcast %add3A_325 : i32 to vector<16xi32>
        %add3A_327 = arith.addi %add3A_316, %add3A_326 : vector<16xi32>
        %add3A_328 = arith.constant -1821043740 : i32
        %add3A_329 = vector.broadcast %add3A_328 : i32 to vector<16xi32>
        %add3A_330 = arith.addi %xor3A_324, %add3A_329 : vector<16xi32>
        %add3A_331 = arith.constant 1 : i32
        %add3A_332 = vector.broadcast %add3A_331 : i32 to vector<16xi32>
        %add3A_333 = arith.addi %add3A_330, %add3A_332 : vector<16xi32>
        %add3A_334 = arith.addi %add3A_327, %add3A_333 : vector<16xi32>
        %shift_left3A_335 = arith.constant 17 : i32
        %shift_left3A_336 = vector.broadcast %shift_left3A_335 : i32 to vector<16xi32>
        %shift_left3A_337 = arith.shli %add3A_333, %shift_left3A_336 : vector<16xi32>
        %shift_right_logical3A_338 = arith.constant 15 : i32
        %shift_right_logical3A_339 = vector.broadcast %shift_right_logical3A_338 : i32 to vector<16xi32>
        %shift_right_logical3A_340 = arith.shrui %add3A_333, %shift_right_logical3A_339 : vector<16xi32>
        %or3A_341 = arith.ori %shift_left3A_337, %shift_right_logical3A_340 : vector<16xi32>
        %xor3A_342 = arith.xori %or3A_341, %add3A_334 : vector<16xi32>
        %add3A_343 = arith.addi %add3A_334, %xor3A_342 : vector<16xi32>
        %shift_left3A_344 = arith.constant 29 : i32
        %shift_left3A_345 = vector.broadcast %shift_left3A_344 : i32 to vector<16xi32>
        %shift_left3A_346 = arith.shli %xor3A_342, %shift_left3A_345 : vector<16xi32>
        %shift_right_logical3A_347 = arith.constant 3 : i32
        %shift_right_logical3A_348 = vector.broadcast %shift_right_logical3A_347 : i32 to vector<16xi32>
        %shift_right_logical3A_349 = arith.shrui %xor3A_342, %shift_right_logical3A_348 : vector<16xi32>
        %or3A_350 = arith.ori %shift_left3A_346, %shift_right_logical3A_349 : vector<16xi32>
        %xor3A_351 = arith.xori %or3A_350, %add3A_343 : vector<16xi32>
        %add3A_352 = arith.addi %add3A_343, %xor3A_351 : vector<16xi32>
        %shift_left3A_353 = arith.constant 16 : i32
        %shift_left3A_354 = vector.broadcast %shift_left3A_353 : i32 to vector<16xi32>
        %shift_left3A_355 = arith.shli %xor3A_351, %shift_left3A_354 : vector<16xi32>
        %shift_right_logical3A_356 = arith.constant 16 : i32
        %shift_right_logical3A_357 = vector.broadcast %shift_right_logical3A_356 : i32 to vector<16xi32>
        %shift_right_logical3A_358 = arith.shrui %xor3A_351, %shift_right_logical3A_357 : vector<16xi32>
        %or3A_359 = arith.ori %shift_left3A_355, %shift_right_logical3A_358 : vector<16xi32>
        %xor3A_360 = arith.xori %or3A_359, %add3A_352 : vector<16xi32>
        %add3A_361 = arith.addi %add3A_352, %xor3A_360 : vector<16xi32>
        %shift_left3A_362 = arith.constant 24 : i32
        %shift_left3A_363 = vector.broadcast %shift_left3A_362 : i32 to vector<16xi32>
        %shift_left3A_364 = arith.shli %xor3A_360, %shift_left3A_363 : vector<16xi32>
        %shift_right_logical3A_365 = arith.constant 8 : i32
        %shift_right_logical3A_366 = vector.broadcast %shift_right_logical3A_365 : i32 to vector<16xi32>
        %shift_right_logical3A_367 = arith.shrui %xor3A_360, %shift_right_logical3A_366 : vector<16xi32>
        %or3A_368 = arith.ori %shift_left3A_364, %shift_right_logical3A_367 : vector<16xi32>
        %xor3A_369 = arith.xori %or3A_368, %add3A_361 : vector<16xi32>
        %add3A_370 = arith.constant -1821043740 : i32
        %add3A_371 = vector.broadcast %add3A_370 : i32 to vector<16xi32>
        %add3A_372 = arith.addi %add3A_361, %add3A_371 : vector<16xi32>
        %add3A_373 = arith.constant 1948878966 : i32
        %add3A_374 = vector.broadcast %add3A_373 : i32 to vector<16xi32>
        %add3A_375 = arith.addi %xor3A_369, %add3A_374 : vector<16xi32>
        %add3A_376 = arith.constant 2 : i32
        %add3A_377 = vector.broadcast %add3A_376 : i32 to vector<16xi32>
        %add3A_378 = arith.addi %add3A_375, %add3A_377 : vector<16xi32>
        %add3A_379 = arith.addi %add3A_372, %add3A_378 : vector<16xi32>
        %shift_left3A_380 = arith.constant 13 : i32
        %shift_left3A_381 = vector.broadcast %shift_left3A_380 : i32 to vector<16xi32>
        %shift_left3A_382 = arith.shli %add3A_378, %shift_left3A_381 : vector<16xi32>
        %shift_right_logical3A_383 = arith.constant 19 : i32
        %shift_right_logical3A_384 = vector.broadcast %shift_right_logical3A_383 : i32 to vector<16xi32>
        %shift_right_logical3A_385 = arith.shrui %add3A_378, %shift_right_logical3A_384 : vector<16xi32>
        %or3A_386 = arith.ori %shift_left3A_382, %shift_right_logical3A_385 : vector<16xi32>
        %xor3A_387 = arith.xori %or3A_386, %add3A_379 : vector<16xi32>
        %add3A_388 = arith.addi %add3A_379, %xor3A_387 : vector<16xi32>
        %shift_left3A_389 = arith.constant 15 : i32
        %shift_left3A_390 = vector.broadcast %shift_left3A_389 : i32 to vector<16xi32>
        %shift_left3A_391 = arith.shli %xor3A_387, %shift_left3A_390 : vector<16xi32>
        %shift_right_logical3A_392 = arith.constant 17 : i32
        %shift_right_logical3A_393 = vector.broadcast %shift_right_logical3A_392 : i32 to vector<16xi32>
        %shift_right_logical3A_394 = arith.shrui %xor3A_387, %shift_right_logical3A_393 : vector<16xi32>
        %or3A_395 = arith.ori %shift_left3A_391, %shift_right_logical3A_394 : vector<16xi32>
        %xor3A_396 = arith.xori %or3A_395, %add3A_388 : vector<16xi32>
        %add3A_397 = arith.addi %add3A_388, %xor3A_396 : vector<16xi32>
        %shift_left3A_398 = arith.constant 26 : i32
        %shift_left3A_399 = vector.broadcast %shift_left3A_398 : i32 to vector<16xi32>
        %shift_left3A_400 = arith.shli %xor3A_396, %shift_left3A_399 : vector<16xi32>
        %shift_right_logical3A_401 = arith.constant 6 : i32
        %shift_right_logical3A_402 = vector.broadcast %shift_right_logical3A_401 : i32 to vector<16xi32>
        %shift_right_logical3A_403 = arith.shrui %xor3A_396, %shift_right_logical3A_402 : vector<16xi32>
        %or3A_404 = arith.ori %shift_left3A_400, %shift_right_logical3A_403 : vector<16xi32>
        %xor3A_405 = arith.xori %or3A_404, %add3A_397 : vector<16xi32>
        %add3A_406 = arith.addi %add3A_397, %xor3A_405 : vector<16xi32>
        %shift_left3A_407 = arith.constant 6 : i32
        %shift_left3A_408 = vector.broadcast %shift_left3A_407 : i32 to vector<16xi32>
        %shift_left3A_409 = arith.shli %xor3A_405, %shift_left3A_408 : vector<16xi32>
        %shift_right_logical3A_410 = arith.constant 26 : i32
        %shift_right_logical3A_411 = vector.broadcast %shift_right_logical3A_410 : i32 to vector<16xi32>
        %shift_right_logical3A_412 = arith.shrui %xor3A_405, %shift_right_logical3A_411 : vector<16xi32>
        %or3A_413 = arith.ori %shift_left3A_409, %shift_right_logical3A_412 : vector<16xi32>
        %xor3A_414 = arith.xori %or3A_413, %add3A_406 : vector<16xi32>
        %add3A_415 = arith.constant 1948878966 : i32
        %add3A_416 = vector.broadcast %add3A_415 : i32 to vector<16xi32>
        %add3A_417 = arith.addi %add3A_406, %add3A_416 : vector<16xi32>
        %add3A_418 = arith.constant -57835448 : i32
        %add3A_419 = vector.broadcast %add3A_418 : i32 to vector<16xi32>
        %add3A_420 = arith.addi %xor3A_414, %add3A_419 : vector<16xi32>
        %add3A_421 = arith.constant 3 : i32
        %add3A_422 = vector.broadcast %add3A_421 : i32 to vector<16xi32>
        %add3A_423 = arith.addi %add3A_420, %add3A_422 : vector<16xi32>
        %add3A_424 = arith.addi %add3A_417, %add3A_423 : vector<16xi32>
        %shift_left3A_425 = arith.constant 17 : i32
        %shift_left3A_426 = vector.broadcast %shift_left3A_425 : i32 to vector<16xi32>
        %shift_left3A_427 = arith.shli %add3A_423, %shift_left3A_426 : vector<16xi32>
        %shift_right_logical3A_428 = arith.constant 15 : i32
        %shift_right_logical3A_429 = vector.broadcast %shift_right_logical3A_428 : i32 to vector<16xi32>
        %shift_right_logical3A_430 = arith.shrui %add3A_423, %shift_right_logical3A_429 : vector<16xi32>
        %or3A_431 = arith.ori %shift_left3A_427, %shift_right_logical3A_430 : vector<16xi32>
        %xor3A_432 = arith.xori %or3A_431, %add3A_424 : vector<16xi32>
        %add3A_433 = arith.addi %add3A_424, %xor3A_432 : vector<16xi32>
        %shift_left3A_434 = arith.constant 29 : i32
        %shift_left3A_435 = vector.broadcast %shift_left3A_434 : i32 to vector<16xi32>
        %shift_left3A_436 = arith.shli %xor3A_432, %shift_left3A_435 : vector<16xi32>
        %shift_right_logical3A_437 = arith.constant 3 : i32
        %shift_right_logical3A_438 = vector.broadcast %shift_right_logical3A_437 : i32 to vector<16xi32>
        %shift_right_logical3A_439 = arith.shrui %xor3A_432, %shift_right_logical3A_438 : vector<16xi32>
        %or3A_440 = arith.ori %shift_left3A_436, %shift_right_logical3A_439 : vector<16xi32>
        %xor3A_441 = arith.xori %or3A_440, %add3A_433 : vector<16xi32>
        %add3A_442 = arith.addi %add3A_433, %xor3A_441 : vector<16xi32>
        %shift_left3A_443 = arith.constant 16 : i32
        %shift_left3A_444 = vector.broadcast %shift_left3A_443 : i32 to vector<16xi32>
        %shift_left3A_445 = arith.shli %xor3A_441, %shift_left3A_444 : vector<16xi32>
        %shift_right_logical3A_446 = arith.constant 16 : i32
        %shift_right_logical3A_447 = vector.broadcast %shift_right_logical3A_446 : i32 to vector<16xi32>
        %shift_right_logical3A_448 = arith.shrui %xor3A_441, %shift_right_logical3A_447 : vector<16xi32>
        %or3A_449 = arith.ori %shift_left3A_445, %shift_right_logical3A_448 : vector<16xi32>
        %xor3A_450 = arith.xori %or3A_449, %add3A_442 : vector<16xi32>
        %add3A_451 = arith.addi %add3A_442, %xor3A_450 : vector<16xi32>
        %shift_left3A_452 = arith.constant 24 : i32
        %shift_left3A_453 = vector.broadcast %shift_left3A_452 : i32 to vector<16xi32>
        %shift_left3A_454 = arith.shli %xor3A_450, %shift_left3A_453 : vector<16xi32>
        %shift_right_logical3A_455 = arith.constant 8 : i32
        %shift_right_logical3A_456 = vector.broadcast %shift_right_logical3A_455 : i32 to vector<16xi32>
        %shift_right_logical3A_457 = arith.shrui %xor3A_450, %shift_right_logical3A_456 : vector<16xi32>
        %or3A_458 = arith.ori %shift_left3A_454, %shift_right_logical3A_457 : vector<16xi32>
        %xor3A_459 = arith.xori %or3A_458, %add3A_451 : vector<16xi32>
        %add3A_460 = arith.constant -57835448 : i32
        %add3A_461 = vector.broadcast %add3A_460 : i32 to vector<16xi32>
        %add3A_462 = arith.addi %add3A_451, %add3A_461 : vector<16xi32>
        %add3A_463 = arith.constant -1821043740 : i32
        %add3A_464 = vector.broadcast %add3A_463 : i32 to vector<16xi32>
        %add3A_465 = arith.addi %xor3A_459, %add3A_464 : vector<16xi32>
        %add3A_466 = arith.constant 4 : i32
        %add3A_467 = vector.broadcast %add3A_466 : i32 to vector<16xi32>
        %add3A_468 = arith.addi %add3A_465, %add3A_467 : vector<16xi32>
        %add3A_469 = arith.addi %add3A_462, %add3A_468 : vector<16xi32>
        %shift_left3A_470 = arith.constant 13 : i32
        %shift_left3A_471 = vector.broadcast %shift_left3A_470 : i32 to vector<16xi32>
        %shift_left3A_472 = arith.shli %add3A_468, %shift_left3A_471 : vector<16xi32>
        %shift_right_logical3A_473 = arith.constant 19 : i32
        %shift_right_logical3A_474 = vector.broadcast %shift_right_logical3A_473 : i32 to vector<16xi32>
        %shift_right_logical3A_475 = arith.shrui %add3A_468, %shift_right_logical3A_474 : vector<16xi32>
        %or3A_476 = arith.ori %shift_left3A_472, %shift_right_logical3A_475 : vector<16xi32>
        %xor3A_477 = arith.xori %or3A_476, %add3A_469 : vector<16xi32>
        %add3A_478 = arith.addi %add3A_469, %xor3A_477 : vector<16xi32>
        %shift_left3A_479 = arith.constant 15 : i32
        %shift_left3A_480 = vector.broadcast %shift_left3A_479 : i32 to vector<16xi32>
        %shift_left3A_481 = arith.shli %xor3A_477, %shift_left3A_480 : vector<16xi32>
        %shift_right_logical3A_482 = arith.constant 17 : i32
        %shift_right_logical3A_483 = vector.broadcast %shift_right_logical3A_482 : i32 to vector<16xi32>
        %shift_right_logical3A_484 = arith.shrui %xor3A_477, %shift_right_logical3A_483 : vector<16xi32>
        %or3A_485 = arith.ori %shift_left3A_481, %shift_right_logical3A_484 : vector<16xi32>
        %xor3A_486 = arith.xori %or3A_485, %add3A_478 : vector<16xi32>
        %add3A_487 = arith.addi %add3A_478, %xor3A_486 : vector<16xi32>
        %shift_left3A_488 = arith.constant 26 : i32
        %shift_left3A_489 = vector.broadcast %shift_left3A_488 : i32 to vector<16xi32>
        %shift_left3A_490 = arith.shli %xor3A_486, %shift_left3A_489 : vector<16xi32>
        %shift_right_logical3A_491 = arith.constant 6 : i32
        %shift_right_logical3A_492 = vector.broadcast %shift_right_logical3A_491 : i32 to vector<16xi32>
        %shift_right_logical3A_493 = arith.shrui %xor3A_486, %shift_right_logical3A_492 : vector<16xi32>
        %or3A_494 = arith.ori %shift_left3A_490, %shift_right_logical3A_493 : vector<16xi32>
        %xor3A_495 = arith.xori %or3A_494, %add3A_487 : vector<16xi32>
        %add3A_496 = arith.addi %add3A_487, %xor3A_495 : vector<16xi32>
        %shift_left3A_497 = arith.constant 6 : i32
        %shift_left3A_498 = vector.broadcast %shift_left3A_497 : i32 to vector<16xi32>
        %shift_left3A_499 = arith.shli %xor3A_495, %shift_left3A_498 : vector<16xi32>
        %shift_right_logical3A_500 = arith.constant 26 : i32
        %shift_right_logical3A_501 = vector.broadcast %shift_right_logical3A_500 : i32 to vector<16xi32>
        %shift_right_logical3A_502 = arith.shrui %xor3A_495, %shift_right_logical3A_501 : vector<16xi32>
        %or3A_503 = arith.ori %shift_left3A_499, %shift_right_logical3A_502 : vector<16xi32>
        %xor3A_504 = arith.xori %or3A_503, %add3A_496 : vector<16xi32>
        %add3A_505 = arith.constant -1821043740 : i32
        %add3A_506 = vector.broadcast %add3A_505 : i32 to vector<16xi32>
        %add3A_507 = arith.addi %add3A_496, %add3A_506 : vector<16xi32>
        %add3A_508 = arith.constant 1948878966 : i32
        %add3A_509 = vector.broadcast %add3A_508 : i32 to vector<16xi32>
        %add3A_510 = arith.addi %xor3A_504, %add3A_509 : vector<16xi32>
        %add3A_511 = arith.constant 5 : i32
        %add3A_512 = vector.broadcast %add3A_511 : i32 to vector<16xi32>
        %add3A_513 = arith.addi %add3A_510, %add3A_512 : vector<16xi32>
        %xor3A_514 = arith.xori %add3A_507, %add3A_513 : vector<16xi32>
        %shift_right_logical3A_515 = arith.constant 9 : i32
        %shift_right_logical3A_516 = vector.broadcast %shift_right_logical3A_515 : i32 to vector<16xi32>
        %shift_right_logical3A_517 = arith.shrui %xor3A_514, %shift_right_logical3A_516 : vector<16xi32>
        %or3A_518 = arith.constant 1065353216 : i32
        %or3A_519 = vector.broadcast %or3A_518 : i32 to vector<16xi32>
        %or3A_520 = arith.ori %shift_right_logical3A_517, %or3A_519 : vector<16xi32>
        %bitcast_convert_type3A_521 = tpu.bitcast %or3A_520 : vector<16xi32> -> vector<16xf32>
        %sub3A_522 = arith.constant 1.000000e+00 : f32
        %sub3A_523 = vector.broadcast %sub3A_522 : f32 to vector<16xf32>
        %sub3A_524 = arith.subf %bitcast_convert_type3A_521, %sub3A_523 : vector<16xf32>
        %mul3A_525 = arith.constant 16 : i32
        %mul3A_526 = arith.muli %mul3A_525, %scan3A_278 : i32
        %swap3A_527 = arith.index_cast %mul3A_526 : i32 to index
        %swap3A_528 = tpu.vector_load %arg3[%swap3A_527] {strides = array<i32>} : memref<30720xf32, #tpu.memory_space<vmem>>, vector<16xf32>,
        %swap3A_529 = vector.shape_cast %swap3A_528 : vector<16xf32> to vector<16xf32>
        %swap3A_530 = vector.shape_cast %sub3A_524 : vector<16xf32> to vector<16xf32>
        tpu.vector_store %arg3[%swap3A_527], %swap3A_530 {strides = array<i32>} : memref<30720xf32, #tpu.memory_space<vmem>>, vector<16xf32>,
        %scan3A_531 = arith.constant 2 : i32
        %scan3A_532 = arith.addi %scan3A_31, %scan3A_531 : i32
        %mul3A_533 = arith.constant 16 : i32
        %mul3A_534 = arith.muli %mul3A_533, %scan3A_532 : i32
        %add3A_535 = arith.addi %add3A_13, %mul3A_534 : i32
        %add3A_536 = vector.broadcast %add3A_535 : i32 to vector<16xi32>
        %add3A_537 = arith.addi %add3A_536, %iota3A : vector<16xi32>
        %add3A_538 = arith.constant -57835448 : i32
        %add3A_539 = vector.broadcast %add3A_538 : i32 to vector<16xi32>
        %add3A_540 = arith.addi %add3A_537, %add3A_539 : vector<16xi32>
        %add3A_541 = arith.constant 1948878966 : i32
        %add3A_542 = vector.broadcast %add3A_541 : i32 to vector<16xi32>
        %add3A_543 = arith.addi %add3A_542, %add3A_540 : vector<16xi32>
        %shift_left3A_544 = arith.constant 13 : i32
        %shift_left3A_545 = vector.broadcast %shift_left3A_544 : i32 to vector<16xi32>
        %shift_left3A_546 = arith.shli %add3A_540, %shift_left3A_545 : vector<16xi32>
        %shift_right_logical3A_547 = arith.constant 19 : i32
        %shift_right_logical3A_548 = vector.broadcast %shift_right_logical3A_547 : i32 to vector<16xi32>
        %shift_right_logical3A_549 = arith.shrui %add3A_540, %shift_right_logical3A_548 : vector<16xi32>
        %or3A_550 = arith.ori %shift_left3A_546, %shift_right_logical3A_549 : vector<16xi32>
        %xor3A_551 = arith.xori %or3A_550, %add3A_543 : vector<16xi32>
        %add3A_552 = arith.addi %add3A_543, %xor3A_551 : vector<16xi32>
        %shift_left3A_553 = arith.constant 15 : i32
        %shift_left3A_554 = vector.broadcast %shift_left3A_553 : i32 to vector<16xi32>
        %shift_left3A_555 = arith.shli %xor3A_551, %shift_left3A_554 : vector<16xi32>
        %shift_right_logical3A_556 = arith.constant 17 : i32
        %shift_right_logical3A_557 = vector.broadcast %shift_right_logical3A_556 : i32 to vector<16xi32>
        %shift_right_logical3A_558 = arith.shrui %xor3A_551, %shift_right_logical3A_557 : vector<16xi32>
        %or3A_559 = arith.ori %shift_left3A_555, %shift_right_logical3A_558 : vector<16xi32>
        %xor3A_560 = arith.xori %or3A_559, %add3A_552 : vector<16xi32>
        %add3A_561 = arith.addi %add3A_552, %xor3A_560 : vector<16xi32>
        %shift_left3A_562 = arith.constant 26 : i32
        %shift_left3A_563 = vector.broadcast %shift_left3A_562 : i32 to vector<16xi32>
        %shift_left3A_564 = arith.shli %xor3A_560, %shift_left3A_563 : vector<16xi32>
        %shift_right_logical3A_565 = arith.constant 6 : i32
        %shift_right_logical3A_566 = vector.broadcast %shift_right_logical3A_565 : i32 to vector<16xi32>
        %shift_right_logical3A_567 = arith.shrui %xor3A_560, %shift_right_logical3A_566 : vector<16xi32>
        %or3A_568 = arith.ori %shift_left3A_564, %shift_right_logical3A_567 : vector<16xi32>
        %xor3A_569 = arith.xori %or3A_568, %add3A_561 : vector<16xi32>
        %add3A_570 = arith.addi %add3A_561, %xor3A_569 : vector<16xi32>
        %shift_left3A_571 = arith.constant 6 : i32
        %shift_left3A_572 = vector.broadcast %shift_left3A_571 : i32 to vector<16xi32>
        %shift_left3A_573 = arith.shli %xor3A_569, %shift_left3A_572 : vector<16xi32>
        %shift_right_logical3A_574 = arith.constant 26 : i32
        %shift_right_logical3A_575 = vector.broadcast %shift_right_logical3A_574 : i32 to vector<16xi32>
        %shift_right_logical3A_576 = arith.shrui %xor3A_569, %shift_right_logical3A_575 : vector<16xi32>
        %or3A_577 = arith.ori %shift_left3A_573, %shift_right_logical3A_576 : vector<16xi32>
        %xor3A_578 = arith.xori %or3A_577, %add3A_570 : vector<16xi32>
        %add3A_579 = arith.constant -57835448 : i32
        %add3A_580 = vector.broadcast %add3A_579 : i32 to vector<16xi32>
        %add3A_581 = arith.addi %add3A_570, %add3A_580 : vector<16xi32>
        %add3A_582 = arith.constant -1821043740 : i32
        %add3A_583 = vector.broadcast %add3A_582 : i32 to vector<16xi32>
        %add3A_584 = arith.addi %xor3A_578, %add3A_583 : vector<16xi32>
        %add3A_585 = arith.constant 1 : i32
        %add3A_586 = vector.broadcast %add3A_585 : i32 to vector<16xi32>
        %add3A_587 = arith.addi %add3A_584, %add3A_586 : vector<16xi32>
        %add3A_588 = arith.addi %add3A_581, %add3A_587 : vector<16xi32>
        %shift_left3A_589 = arith.constant 17 : i32
        %shift_left3A_590 = vector.broadcast %shift_left3A_589 : i32 to vector<16xi32>
        %shift_left3A_591 = arith.shli %add3A_587, %shift_left3A_590 : vector<16xi32>
        %shift_right_logical3A_592 = arith.constant 15 : i32
        %shift_right_logical3A_593 = vector.broadcast %shift_right_logical3A_592 : i32 to vector<16xi32>
        %shift_right_logical3A_594 = arith.shrui %add3A_587, %shift_right_logical3A_593 : vector<16xi32>
        %or3A_595 = arith.ori %shift_left3A_591, %shift_right_logical3A_594 : vector<16xi32>
        %xor3A_596 = arith.xori %or3A_595, %add3A_588 : vector<16xi32>
        %add3A_597 = arith.addi %add3A_588, %xor3A_596 : vector<16xi32>
        %shift_left3A_598 = arith.constant 29 : i32
        %shift_left3A_599 = vector.broadcast %shift_left3A_598 : i32 to vector<16xi32>
        %shift_left3A_600 = arith.shli %xor3A_596, %shift_left3A_599 : vector<16xi32>
        %shift_right_logical3A_601 = arith.constant 3 : i32
        %shift_right_logical3A_602 = vector.broadcast %shift_right_logical3A_601 : i32 to vector<16xi32>
        %shift_right_logical3A_603 = arith.shrui %xor3A_596, %shift_right_logical3A_602 : vector<16xi32>
        %or3A_604 = arith.ori %shift_left3A_600, %shift_right_logical3A_603 : vector<16xi32>
        %xor3A_605 = arith.xori %or3A_604, %add3A_597 : vector<16xi32>
        %add3A_606 = arith.addi %add3A_597, %xor3A_605 : vector<16xi32>
        %shift_left3A_607 = arith.constant 16 : i32
        %shift_left3A_608 = vector.broadcast %shift_left3A_607 : i32 to vector<16xi32>
        %shift_left3A_609 = arith.shli %xor3A_605, %shift_left3A_608 : vector<16xi32>
        %shift_right_logical3A_610 = arith.constant 16 : i32
        %shift_right_logical3A_611 = vector.broadcast %shift_right_logical3A_610 : i32 to vector<16xi32>
        %shift_right_logical3A_612 = arith.shrui %xor3A_605, %shift_right_logical3A_611 : vector<16xi32>
        %or3A_613 = arith.ori %shift_left3A_609, %shift_right_logical3A_612 : vector<16xi32>
        %xor3A_614 = arith.xori %or3A_613, %add3A_606 : vector<16xi32>
        %add3A_615 = arith.addi %add3A_606, %xor3A_614 : vector<16xi32>
        %shift_left3A_616 = arith.constant 24 : i32
        %shift_left3A_617 = vector.broadcast %shift_left3A_616 : i32 to vector<16xi32>
        %shift_left3A_618 = arith.shli %xor3A_614, %shift_left3A_617 : vector<16xi32>
        %shift_right_logical3A_619 = arith.constant 8 : i32
        %shift_right_logical3A_620 = vector.broadcast %shift_right_logical3A_619 : i32 to vector<16xi32>
        %shift_right_logical3A_621 = arith.shrui %xor3A_614, %shift_right_logical3A_620 : vector<16xi32>
        %or3A_622 = arith.ori %shift_left3A_618, %shift_right_logical3A_621 : vector<16xi32>
        %xor3A_623 = arith.xori %or3A_622, %add3A_615 : vector<16xi32>
        %add3A_624 = arith.constant -1821043740 : i32
        %add3A_625 = vector.broadcast %add3A_624 : i32 to vector<16xi32>
        %add3A_626 = arith.addi %add3A_615, %add3A_625 : vector<16xi32>
        %add3A_627 = arith.constant 1948878966 : i32
        %add3A_628 = vector.broadcast %add3A_627 : i32 to vector<16xi32>
        %add3A_629 = arith.addi %xor3A_623, %add3A_628 : vector<16xi32>
        %add3A_630 = arith.constant 2 : i32
        %add3A_631 = vector.broadcast %add3A_630 : i32 to vector<16xi32>
        %add3A_632 = arith.addi %add3A_629, %add3A_631 : vector<16xi32>
        %add3A_633 = arith.addi %add3A_626, %add3A_632 : vector<16xi32>
        %shift_left3A_634 = arith.constant 13 : i32
        %shift_left3A_635 = vector.broadcast %shift_left3A_634 : i32 to vector<16xi32>
        %shift_left3A_636 = arith.shli %add3A_632, %shift_left3A_635 : vector<16xi32>
        %shift_right_logical3A_637 = arith.constant 19 : i32
        %shift_right_logical3A_638 = vector.broadcast %shift_right_logical3A_637 : i32 to vector<16xi32>
        %shift_right_logical3A_639 = arith.shrui %add3A_632, %shift_right_logical3A_638 : vector<16xi32>
        %or3A_640 = arith.ori %shift_left3A_636, %shift_right_logical3A_639 : vector<16xi32>
        %xor3A_641 = arith.xori %or3A_640, %add3A_633 : vector<16xi32>
        %add3A_642 = arith.addi %add3A_633, %xor3A_641 : vector<16xi32>
        %shift_left3A_643 = arith.constant 15 : i32
        %shift_left3A_644 = vector.broadcast %shift_left3A_643 : i32 to vector<16xi32>
        %shift_left3A_645 = arith.shli %xor3A_641, %shift_left3A_644 : vector<16xi32>
        %shift_right_logical3A_646 = arith.constant 17 : i32
        %shift_right_logical3A_647 = vector.broadcast %shift_right_logical3A_646 : i32 to vector<16xi32>
        %shift_right_logical3A_648 = arith.shrui %xor3A_641, %shift_right_logical3A_647 : vector<16xi32>
        %or3A_649 = arith.ori %shift_left3A_645, %shift_right_logical3A_648 : vector<16xi32>
        %xor3A_650 = arith.xori %or3A_649, %add3A_642 : vector<16xi32>
        %add3A_651 = arith.addi %add3A_642, %xor3A_650 : vector<16xi32>
        %shift_left3A_652 = arith.constant 26 : i32
        %shift_left3A_653 = vector.broadcast %shift_left3A_652 : i32 to vector<16xi32>
        %shift_left3A_654 = arith.shli %xor3A_650, %shift_left3A_653 : vector<16xi32>
        %shift_right_logical3A_655 = arith.constant 6 : i32
        %shift_right_logical3A_656 = vector.broadcast %shift_right_logical3A_655 : i32 to vector<16xi32>
        %shift_right_logical3A_657 = arith.shrui %xor3A_650, %shift_right_logical3A_656 : vector<16xi32>
        %or3A_658 = arith.ori %shift_left3A_654, %shift_right_logical3A_657 : vector<16xi32>
        %xor3A_659 = arith.xori %or3A_658, %add3A_651 : vector<16xi32>
        %add3A_660 = arith.addi %add3A_651, %xor3A_659 : vector<16xi32>
        %shift_left3A_661 = arith.constant 6 : i32
        %shift_left3A_662 = vector.broadcast %shift_left3A_661 : i32 to vector<16xi32>
        %shift_left3A_663 = arith.shli %xor3A_659, %shift_left3A_662 : vector<16xi32>
        %shift_right_logical3A_664 = arith.constant 26 : i32
        %shift_right_logical3A_665 = vector.broadcast %shift_right_logical3A_664 : i32 to vector<16xi32>
        %shift_right_logical3A_666 = arith.shrui %xor3A_659, %shift_right_logical3A_665 : vector<16xi32>
        %or3A_667 = arith.ori %shift_left3A_663, %shift_right_logical3A_666 : vector<16xi32>
        %xor3A_668 = arith.xori %or3A_667, %add3A_660 : vector<16xi32>
        %add3A_669 = arith.constant 1948878966 : i32
        %add3A_670 = vector.broadcast %add3A_669 : i32 to vector<16xi32>
        %add3A_671 = arith.addi %add3A_660, %add3A_670 : vector<16xi32>
        %add3A_672 = arith.constant -57835448 : i32
        %add3A_673 = vector.broadcast %add3A_672 : i32 to vector<16xi32>
        %add3A_674 = arith.addi %xor3A_668, %add3A_673 : vector<16xi32>
        %add3A_675 = arith.constant 3 : i32
        %add3A_676 = vector.broadcast %add3A_675 : i32 to vector<16xi32>
        %add3A_677 = arith.addi %add3A_674, %add3A_676 : vector<16xi32>
        %add3A_678 = arith.addi %add3A_671, %add3A_677 : vector<16xi32>
        %shift_left3A_679 = arith.constant 17 : i32
        %shift_left3A_680 = vector.broadcast %shift_left3A_679 : i32 to vector<16xi32>
        %shift_left3A_681 = arith.shli %add3A_677, %shift_left3A_680 : vector<16xi32>
        %shift_right_logical3A_682 = arith.constant 15 : i32
        %shift_right_logical3A_683 = vector.broadcast %shift_right_logical3A_682 : i32 to vector<16xi32>
        %shift_right_logical3A_684 = arith.shrui %add3A_677, %shift_right_logical3A_683 : vector<16xi32>
        %or3A_685 = arith.ori %shift_left3A_681, %shift_right_logical3A_684 : vector<16xi32>
        %xor3A_686 = arith.xori %or3A_685, %add3A_678 : vector<16xi32>
        %add3A_687 = arith.addi %add3A_678, %xor3A_686 : vector<16xi32>
        %shift_left3A_688 = arith.constant 29 : i32
        %shift_left3A_689 = vector.broadcast %shift_left3A_688 : i32 to vector<16xi32>
        %shift_left3A_690 = arith.shli %xor3A_686, %shift_left3A_689 : vector<16xi32>
        %shift_right_logical3A_691 = arith.constant 3 : i32
        %shift_right_logical3A_692 = vector.broadcast %shift_right_logical3A_691 : i32 to vector<16xi32>
        %shift_right_logical3A_693 = arith.shrui %xor3A_686, %shift_right_logical3A_692 : vector<16xi32>
        %or3A_694 = arith.ori %shift_left3A_690, %shift_right_logical3A_693 : vector<16xi32>
        %xor3A_695 = arith.xori %or3A_694, %add3A_687 : vector<16xi32>
        %add3A_696 = arith.addi %add3A_687, %xor3A_695 : vector<16xi32>
        %shift_left3A_697 = arith.constant 16 : i32
        %shift_left3A_698 = vector.broadcast %shift_left3A_697 : i32 to vector<16xi32>
        %shift_left3A_699 = arith.shli %xor3A_695, %shift_left3A_698 : vector<16xi32>
        %shift_right_logical3A_700 = arith.constant 16 : i32
        %shift_right_logical3A_701 = vector.broadcast %shift_right_logical3A_700 : i32 to vector<16xi32>
        %shift_right_logical3A_702 = arith.shrui %xor3A_695, %shift_right_logical3A_701 : vector<16xi32>
        %or3A_703 = arith.ori %shift_left3A_699, %shift_right_logical3A_702 : vector<16xi32>
        %xor3A_704 = arith.xori %or3A_703, %add3A_696 : vector<16xi32>
        %add3A_705 = arith.addi %add3A_696, %xor3A_704 : vector<16xi32>
        %shift_left3A_706 = arith.constant 24 : i32
        %shift_left3A_707 = vector.broadcast %shift_left3A_706 : i32 to vector<16xi32>
        %shift_left3A_708 = arith.shli %xor3A_704, %shift_left3A_707 : vector<16xi32>
        %shift_right_logical3A_709 = arith.constant 8 : i32
        %shift_right_logical3A_710 = vector.broadcast %shift_right_logical3A_709 : i32 to vector<16xi32>
        %shift_right_logical3A_711 = arith.shrui %xor3A_704, %shift_right_logical3A_710 : vector<16xi32>
        %or3A_712 = arith.ori %shift_left3A_708, %shift_right_logical3A_711 : vector<16xi32>
        %xor3A_713 = arith.xori %or3A_712, %add3A_705 : vector<16xi32>
        %add3A_714 = arith.constant -57835448 : i32
        %add3A_715 = vector.broadcast %add3A_714 : i32 to vector<16xi32>
        %add3A_716 = arith.addi %add3A_705, %add3A_715 : vector<16xi32>
        %add3A_717 = arith.constant -1821043740 : i32
        %add3A_718 = vector.broadcast %add3A_717 : i32 to vector<16xi32>
        %add3A_719 = arith.addi %xor3A_713, %add3A_718 : vector<16xi32>
        %add3A_720 = arith.constant 4 : i32
        %add3A_721 = vector.broadcast %add3A_720 : i32 to vector<16xi32>
        %add3A_722 = arith.addi %add3A_719, %add3A_721 : vector<16xi32>
        %add3A_723 = arith.addi %add3A_716, %add3A_722 : vector<16xi32>
        %shift_left3A_724 = arith.constant 13 : i32
        %shift_left3A_725 = vector.broadcast %shift_left3A_724 : i32 to vector<16xi32>
        %shift_left3A_726 = arith.shli %add3A_722, %shift_left3A_725 : vector<16xi32>
        %shift_right_logical3A_727 = arith.constant 19 : i32
        %shift_right_logical3A_728 = vector.broadcast %shift_right_logical3A_727 : i32 to vector<16xi32>
        %shift_right_logical3A_729 = arith.shrui %add3A_722, %shift_right_logical3A_728 : vector<16xi32>
        %or3A_730 = arith.ori %shift_left3A_726, %shift_right_logical3A_729 : vector<16xi32>
        %xor3A_731 = arith.xori %or3A_730, %add3A_723 : vector<16xi32>
        %add3A_732 = arith.addi %add3A_723, %xor3A_731 : vector<16xi32>
        %shift_left3A_733 = arith.constant 15 : i32
        %shift_left3A_734 = vector.broadcast %shift_left3A_733 : i32 to vector<16xi32>
        %shift_left3A_735 = arith.shli %xor3A_731, %shift_left3A_734 : vector<16xi32>
        %shift_right_logical3A_736 = arith.constant 17 : i32
        %shift_right_logical3A_737 = vector.broadcast %shift_right_logical3A_736 : i32 to vector<16xi32>
        %shift_right_logical3A_738 = arith.shrui %xor3A_731, %shift_right_logical3A_737 : vector<16xi32>
        %or3A_739 = arith.ori %shift_left3A_735, %shift_right_logical3A_738 : vector<16xi32>
        %xor3A_740 = arith.xori %or3A_739, %add3A_732 : vector<16xi32>
        %add3A_741 = arith.addi %add3A_732, %xor3A_740 : vector<16xi32>
        %shift_left3A_742 = arith.constant 26 : i32
        %shift_left3A_743 = vector.broadcast %shift_left3A_742 : i32 to vector<16xi32>
        %shift_left3A_744 = arith.shli %xor3A_740, %shift_left3A_743 : vector<16xi32>
        %shift_right_logical3A_745 = arith.constant 6 : i32
        %shift_right_logical3A_746 = vector.broadcast %shift_right_logical3A_745 : i32 to vector<16xi32>
        %shift_right_logical3A_747 = arith.shrui %xor3A_740, %shift_right_logical3A_746 : vector<16xi32>
        %or3A_748 = arith.ori %shift_left3A_744, %shift_right_logical3A_747 : vector<16xi32>
        %xor3A_749 = arith.xori %or3A_748, %add3A_741 : vector<16xi32>
        %add3A_750 = arith.addi %add3A_741, %xor3A_749 : vector<16xi32>
        %shift_left3A_751 = arith.constant 6 : i32
        %shift_left3A_752 = vector.broadcast %shift_left3A_751 : i32 to vector<16xi32>
        %shift_left3A_753 = arith.shli %xor3A_749, %shift_left3A_752 : vector<16xi32>
        %shift_right_logical3A_754 = arith.constant 26 : i32
        %shift_right_logical3A_755 = vector.broadcast %shift_right_logical3A_754 : i32 to vector<16xi32>
        %shift_right_logical3A_756 = arith.shrui %xor3A_749, %shift_right_logical3A_755 : vector<16xi32>
        %or3A_757 = arith.ori %shift_left3A_753, %shift_right_logical3A_756 : vector<16xi32>
        %xor3A_758 = arith.xori %or3A_757, %add3A_750 : vector<16xi32>
        %add3A_759 = arith.constant -1821043740 : i32
        %add3A_760 = vector.broadcast %add3A_759 : i32 to vector<16xi32>
        %add3A_761 = arith.addi %add3A_750, %add3A_760 : vector<16xi32>
        %add3A_762 = arith.constant 1948878966 : i32
        %add3A_763 = vector.broadcast %add3A_762 : i32 to vector<16xi32>
        %add3A_764 = arith.addi %xor3A_758, %add3A_763 : vector<16xi32>
        %add3A_765 = arith.constant 5 : i32
        %add3A_766 = vector.broadcast %add3A_765 : i32 to vector<16xi32>
        %add3A_767 = arith.addi %add3A_764, %add3A_766 : vector<16xi32>
        %xor3A_768 = arith.xori %add3A_761, %add3A_767 : vector<16xi32>
        %shift_right_logical3A_769 = arith.constant 9 : i32
        %shift_right_logical3A_770 = vector.broadcast %shift_right_logical3A_769 : i32 to vector<16xi32>
        %shift_right_logical3A_771 = arith.shrui %xor3A_768, %shift_right_logical3A_770 : vector<16xi32>
        %or3A_772 = arith.constant 1065353216 : i32
        %or3A_773 = vector.broadcast %or3A_772 : i32 to vector<16xi32>
        %or3A_774 = arith.ori %shift_right_logical3A_771, %or3A_773 : vector<16xi32>
        %bitcast_convert_type3A_775 = tpu.bitcast %or3A_774 : vector<16xi32> -> vector<16xf32>
        %sub3A_776 = arith.constant 1.000000e+00 : f32
        %sub3A_777 = vector.broadcast %sub3A_776 : f32 to vector<16xf32>
        %sub3A_778 = arith.subf %bitcast_convert_type3A_775, %sub3A_777 : vector<16xf32>
        %mul3A_779 = arith.constant 16 : i32
        %mul3A_780 = arith.muli %mul3A_779, %scan3A_532 : i32
        %swap3A_781 = arith.index_cast %mul3A_780 : i32 to index
        %swap3A_782 = tpu.vector_load %arg3[%swap3A_781] {strides = array<i32>} : memref<30720xf32, #tpu.memory_space<vmem>>, vector<16xf32>,
        %swap3A_783 = vector.shape_cast %swap3A_782 : vector<16xf32> to vector<16xf32>
        %swap3A_784 = vector.shape_cast %sub3A_778 : vector<16xf32> to vector<16xf32>
        tpu.vector_store %arg3[%swap3A_781], %swap3A_784 {strides = array<i32>} : memref<30720xf32, #tpu.memory_space<vmem>>, vector<16xf32>,
        %scan3A_785 = arith.constant 3 : i32
        %scan3A_786 = arith.addi %scan3A_31, %scan3A_785 : i32
        %mul3A_787 = arith.constant 16 : i32
        %mul3A_788 = arith.muli %mul3A_787, %scan3A_786 : i32
        %add3A_789 = arith.addi %add3A_13, %mul3A_788 : i32
        %add3A_790 = vector.broadcast %add3A_789 : i32 to vector<16xi32>
        %add3A_791 = arith.addi %add3A_790, %iota3A : vector<16xi32>
        %add3A_792 = arith.constant -57835448 : i32
        %add3A_793 = vector.broadcast %add3A_792 : i32 to vector<16xi32>
        %add3A_794 = arith.addi %add3A_791, %add3A_793 : vector<16xi32>
        %add3A_795 = arith.constant 1948878966 : i32
        %add3A_796 = vector.broadcast %add3A_795 : i32 to vector<16xi32>
        %add3A_797 = arith.addi %add3A_796, %add3A_794 : vector<16xi32>
        %shift_left3A_798 = arith.constant 13 : i32
        %shift_left3A_799 = vector.broadcast %shift_left3A_798 : i32 to vector<16xi32>
        %shift_left3A_800 = arith.shli %add3A_794, %shift_left3A_799 : vector<16xi32>
        %shift_right_logical3A_801 = arith.constant 19 : i32
        %shift_right_logical3A_802 = vector.broadcast %shift_right_logical3A_801 : i32 to vector<16xi32>
        %shift_right_logical3A_803 = arith.shrui %add3A_794, %shift_right_logical3A_802 : vector<16xi32>
        %or3A_804 = arith.ori %shift_left3A_800, %shift_right_logical3A_803 : vector<16xi32>
        %xor3A_805 = arith.xori %or3A_804, %add3A_797 : vector<16xi32>
        %add3A_806 = arith.addi %add3A_797, %xor3A_805 : vector<16xi32>
        %shift_left3A_807 = arith.constant 15 : i32
        %shift_left3A_808 = vector.broadcast %shift_left3A_807 : i32 to vector<16xi32>
        %shift_left3A_809 = arith.shli %xor3A_805, %shift_left3A_808 : vector<16xi32>
        %shift_right_logical3A_810 = arith.constant 17 : i32
        %shift_right_logical3A_811 = vector.broadcast %shift_right_logical3A_810 : i32 to vector<16xi32>
        %shift_right_logical3A_812 = arith.shrui %xor3A_805, %shift_right_logical3A_811 : vector<16xi32>
        %or3A_813 = arith.ori %shift_left3A_809, %shift_right_logical3A_812 : vector<16xi32>
        %xor3A_814 = arith.xori %or3A_813, %add3A_806 : vector<16xi32>
        %add3A_815 = arith.addi %add3A_806, %xor3A_814 : vector<16xi32>
        %shift_left3A_816 = arith.constant 26 : i32
        %shift_left3A_817 = vector.broadcast %shift_left3A_816 : i32 to vector<16xi32>
        %shift_left3A_818 = arith.shli %xor3A_814, %shift_left3A_817 : vector<16xi32>
        %shift_right_logical3A_819 = arith.constant 6 : i32
        %shift_right_logical3A_820 = vector.broadcast %shift_right_logical3A_819 : i32 to vector<16xi32>
        %shift_right_logical3A_821 = arith.shrui %xor3A_814, %shift_right_logical3A_820 : vector<16xi32>
        %or3A_822 = arith.ori %shift_left3A_818, %shift_right_logical3A_821 : vector<16xi32>
        %xor3A_823 = arith.xori %or3A_822, %add3A_815 : vector<16xi32>
        %add3A_824 = arith.addi %add3A_815, %xor3A_823 : vector<16xi32>
        %shift_left3A_825 = arith.constant 6 : i32
        %shift_left3A_826 = vector.broadcast %shift_left3A_825 : i32 to vector<16xi32>
        %shift_left3A_827 = arith.shli %xor3A_823, %shift_left3A_826 : vector<16xi32>
        %shift_right_logical3A_828 = arith.constant 26 : i32
        %shift_right_logical3A_829 = vector.broadcast %shift_right_logical3A_828 : i32 to vector<16xi32>
        %shift_right_logical3A_830 = arith.shrui %xor3A_823, %shift_right_logical3A_829 : vector<16xi32>
        %or3A_831 = arith.ori %shift_left3A_827, %shift_right_logical3A_830 : vector<16xi32>
        %xor3A_832 = arith.xori %or3A_831, %add3A_824 : vector<16xi32>
        %add3A_833 = arith.constant -57835448 : i32
        %add3A_834 = vector.broadcast %add3A_833 : i32 to vector<16xi32>
        %add3A_835 = arith.addi %add3A_824, %add3A_834 : vector<16xi32>
        %add3A_836 = arith.constant -1821043740 : i32
        %add3A_837 = vector.broadcast %add3A_836 : i32 to vector<16xi32>
        %add3A_838 = arith.addi %xor3A_832, %add3A_837 : vector<16xi32>
        %add3A_839 = arith.constant 1 : i32
        %add3A_840 = vector.broadcast %add3A_839 : i32 to vector<16xi32>
        %add3A_841 = arith.addi %add3A_838, %add3A_840 : vector<16xi32>
        %add3A_842 = arith.addi %add3A_835, %add3A_841 : vector<16xi32>
        %shift_left3A_843 = arith.constant 17 : i32
        %shift_left3A_844 = vector.broadcast %shift_left3A_843 : i32 to vector<16xi32>
        %shift_left3A_845 = arith.shli %add3A_841, %shift_left3A_844 : vector<16xi32>
        %shift_right_logical3A_846 = arith.constant 15 : i32
        %shift_right_logical3A_847 = vector.broadcast %shift_right_logical3A_846 : i32 to vector<16xi32>
        %shift_right_logical3A_848 = arith.shrui %add3A_841, %shift_right_logical3A_847 : vector<16xi32>
        %or3A_849 = arith.ori %shift_left3A_845, %shift_right_logical3A_848 : vector<16xi32>
        %xor3A_850 = arith.xori %or3A_849, %add3A_842 : vector<16xi32>
        %add3A_851 = arith.addi %add3A_842, %xor3A_850 : vector<16xi32>
        %shift_left3A_852 = arith.constant 29 : i32
        %shift_left3A_853 = vector.broadcast %shift_left3A_852 : i32 to vector<16xi32>
        %shift_left3A_854 = arith.shli %xor3A_850, %shift_left3A_853 : vector<16xi32>
        %shift_right_logical3A_855 = arith.constant 3 : i32
        %shift_right_logical3A_856 = vector.broadcast %shift_right_logical3A_855 : i32 to vector<16xi32>
        %shift_right_logical3A_857 = arith.shrui %xor3A_850, %shift_right_logical3A_856 : vector<16xi32>
        %or3A_858 = arith.ori %shift_left3A_854, %shift_right_logical3A_857 : vector<16xi32>
        %xor3A_859 = arith.xori %or3A_858, %add3A_851 : vector<16xi32>
        %add3A_860 = arith.addi %add3A_851, %xor3A_859 : vector<16xi32>
        %shift_left3A_861 = arith.constant 16 : i32
        %shift_left3A_862 = vector.broadcast %shift_left3A_861 : i32 to vector<16xi32>
        %shift_left3A_863 = arith.shli %xor3A_859, %shift_left3A_862 : vector<16xi32>
        %shift_right_logical3A_864 = arith.constant 16 : i32
        %shift_right_logical3A_865 = vector.broadcast %shift_right_logical3A_864 : i32 to vector<16xi32>
        %shift_right_logical3A_866 = arith.shrui %xor3A_859, %shift_right_logical3A_865 : vector<16xi32>
        %or3A_867 = arith.ori %shift_left3A_863, %shift_right_logical3A_866 : vector<16xi32>
        %xor3A_868 = arith.xori %or3A_867, %add3A_860 : vector<16xi32>
        %add3A_869 = arith.addi %add3A_860, %xor3A_868 : vector<16xi32>
        %shift_left3A_870 = arith.constant 24 : i32
        %shift_left3A_871 = vector.broadcast %shift_left3A_870 : i32 to vector<16xi32>
        %shift_left3A_872 = arith.shli %xor3A_868, %shift_left3A_871 : vector<16xi32>
        %shift_right_logical3A_873 = arith.constant 8 : i32
        %shift_right_logical3A_874 = vector.broadcast %shift_right_logical3A_873 : i32 to vector<16xi32>
        %shift_right_logical3A_875 = arith.shrui %xor3A_868, %shift_right_logical3A_874 : vector<16xi32>
        %or3A_876 = arith.ori %shift_left3A_872, %shift_right_logical3A_875 : vector<16xi32>
        %xor3A_877 = arith.xori %or3A_876, %add3A_869 : vector<16xi32>
        %add3A_878 = arith.constant -1821043740 : i32
        %add3A_879 = vector.broadcast %add3A_878 : i32 to vector<16xi32>
        %add3A_880 = arith.addi %add3A_869, %add3A_879 : vector<16xi32>
        %add3A_881 = arith.constant 1948878966 : i32
        %add3A_882 = vector.broadcast %add3A_881 : i32 to vector<16xi32>
        %add3A_883 = arith.addi %xor3A_877, %add3A_882 : vector<16xi32>
        %add3A_884 = arith.constant 2 : i32
        %add3A_885 = vector.broadcast %add3A_884 : i32 to vector<16xi32>
        %add3A_886 = arith.addi %add3A_883, %add3A_885 : vector<16xi32>
        %add3A_887 = arith.addi %add3A_880, %add3A_886 : vector<16xi32>
        %shift_left3A_888 = arith.constant 13 : i32
        %shift_left3A_889 = vector.broadcast %shift_left3A_888 : i32 to vector<16xi32>
        %shift_left3A_890 = arith.shli %add3A_886, %shift_left3A_889 : vector<16xi32>
        %shift_right_logical3A_891 = arith.constant 19 : i32
        %shift_right_logical3A_892 = vector.broadcast %shift_right_logical3A_891 : i32 to vector<16xi32>
        %shift_right_logical3A_893 = arith.shrui %add3A_886, %shift_right_logical3A_892 : vector<16xi32>
        %or3A_894 = arith.ori %shift_left3A_890, %shift_right_logical3A_893 : vector<16xi32>
        %xor3A_895 = arith.xori %or3A_894, %add3A_887 : vector<16xi32>
        %add3A_896 = arith.addi %add3A_887, %xor3A_895 : vector<16xi32>
        %shift_left3A_897 = arith.constant 15 : i32
        %shift_left3A_898 = vector.broadcast %shift_left3A_897 : i32 to vector<16xi32>
        %shift_left3A_899 = arith.shli %xor3A_895, %shift_left3A_898 : vector<16xi32>
        %shift_right_logical3A_900 = arith.constant 17 : i32
        %shift_right_logical3A_901 = vector.broadcast %shift_right_logical3A_900 : i32 to vector<16xi32>
        %shift_right_logical3A_902 = arith.shrui %xor3A_895, %shift_right_logical3A_901 : vector<16xi32>
        %or3A_903 = arith.ori %shift_left3A_899, %shift_right_logical3A_902 : vector<16xi32>
        %xor3A_904 = arith.xori %or3A_903, %add3A_896 : vector<16xi32>
        %add3A_905 = arith.addi %add3A_896, %xor3A_904 : vector<16xi32>
        %shift_left3A_906 = arith.constant 26 : i32
        %shift_left3A_907 = vector.broadcast %shift_left3A_906 : i32 to vector<16xi32>
        %shift_left3A_908 = arith.shli %xor3A_904, %shift_left3A_907 : vector<16xi32>
        %shift_right_logical3A_909 = arith.constant 6 : i32
        %shift_right_logical3A_910 = vector.broadcast %shift_right_logical3A_909 : i32 to vector<16xi32>
        %shift_right_logical3A_911 = arith.shrui %xor3A_904, %shift_right_logical3A_910 : vector<16xi32>
        %or3A_912 = arith.ori %shift_left3A_908, %shift_right_logical3A_911 : vector<16xi32>
        %xor3A_913 = arith.xori %or3A_912, %add3A_905 : vector<16xi32>
        %add3A_914 = arith.addi %add3A_905, %xor3A_913 : vector<16xi32>
        %shift_left3A_915 = arith.constant 6 : i32
        %shift_left3A_916 = vector.broadcast %shift_left3A_915 : i32 to vector<16xi32>
        %shift_left3A_917 = arith.shli %xor3A_913, %shift_left3A_916 : vector<16xi32>
        %shift_right_logical3A_918 = arith.constant 26 : i32
        %shift_right_logical3A_919 = vector.broadcast %shift_right_logical3A_918 : i32 to vector<16xi32>
        %shift_right_logical3A_920 = arith.shrui %xor3A_913, %shift_right_logical3A_919 : vector<16xi32>
        %or3A_921 = arith.ori %shift_left3A_917, %shift_right_logical3A_920 : vector<16xi32>
        %xor3A_922 = arith.xori %or3A_921, %add3A_914 : vector<16xi32>
        %add3A_923 = arith.constant 1948878966 : i32
        %add3A_924 = vector.broadcast %add3A_923 : i32 to vector<16xi32>
        %add3A_925 = arith.addi %add3A_914, %add3A_924 : vector<16xi32>
        %add3A_926 = arith.constant -57835448 : i32
        %add3A_927 = vector.broadcast %add3A_926 : i32 to vector<16xi32>
        %add3A_928 = arith.addi %xor3A_922, %add3A_927 : vector<16xi32>
        %add3A_929 = arith.constant 3 : i32
        %add3A_930 = vector.broadcast %add3A_929 : i32 to vector<16xi32>
        %add3A_931 = arith.addi %add3A_928, %add3A_930 : vector<16xi32>
        %add3A_932 = arith.addi %add3A_925, %add3A_931 : vector<16xi32>
        %shift_left3A_933 = arith.constant 17 : i32
        %shift_left3A_934 = vector.broadcast %shift_left3A_933 : i32 to vector<16xi32>
        %shift_left3A_935 = arith.shli %add3A_931, %shift_left3A_934 : vector<16xi32>
        %shift_right_logical3A_936 = arith.constant 15 : i32
        %shift_right_logical3A_937 = vector.broadcast %shift_right_logical3A_936 : i32 to vector<16xi32>
        %shift_right_logical3A_938 = arith.shrui %add3A_931, %shift_right_logical3A_937 : vector<16xi32>
        %or3A_939 = arith.ori %shift_left3A_935, %shift_right_logical3A_938 : vector<16xi32>
        %xor3A_940 = arith.xori %or3A_939, %add3A_932 : vector<16xi32>
        %add3A_941 = arith.addi %add3A_932, %xor3A_940 : vector<16xi32>
        %shift_left3A_942 = arith.constant 29 : i32
        %shift_left3A_943 = vector.broadcast %shift_left3A_942 : i32 to vector<16xi32>
        %shift_left3A_944 = arith.shli %xor3A_940, %shift_left3A_943 : vector<16xi32>
        %shift_right_logical3A_945 = arith.constant 3 : i32
        %shift_right_logical3A_946 = vector.broadcast %shift_right_logical3A_945 : i32 to vector<16xi32>
        %shift_right_logical3A_947 = arith.shrui %xor3A_940, %shift_right_logical3A_946 : vector<16xi32>
        %or3A_948 = arith.ori %shift_left3A_944, %shift_right_logical3A_947 : vector<16xi32>
        %xor3A_949 = arith.xori %or3A_948, %add3A_941 : vector<16xi32>
        %add3A_950 = arith.addi %add3A_941, %xor3A_949 : vector<16xi32>
        %shift_left3A_951 = arith.constant 16 : i32
        %shift_left3A_952 = vector.broadcast %shift_left3A_951 : i32 to vector<16xi32>
        %shift_left3A_953 = arith.shli %xor3A_949, %shift_left3A_952 : vector<16xi32>
        %shift_right_logical3A_954 = arith.constant 16 : i32
        %shift_right_logical3A_955 = vector.broadcast %shift_right_logical3A_954 : i32 to vector<16xi32>
        %shift_right_logical3A_956 = arith.shrui %xor3A_949, %shift_right_logical3A_955 : vector<16xi32>
        %or3A_957 = arith.ori %shift_left3A_953, %shift_right_logical3A_956 : vector<16xi32>
        %xor3A_958 = arith.xori %or3A_957, %add3A_950 : vector<16xi32>
        %add3A_959 = arith.addi %add3A_950, %xor3A_958 : vector<16xi32>
        %shift_left3A_960 = arith.constant 24 : i32
        %shift_left3A_961 = vector.broadcast %shift_left3A_960 : i32 to vector<16xi32>
        %shift_left3A_962 = arith.shli %xor3A_958, %shift_left3A_961 : vector<16xi32>
        %shift_right_logical3A_963 = arith.constant 8 : i32
        %shift_right_logical3A_964 = vector.broadcast %shift_right_logical3A_963 : i32 to vector<16xi32>
        %shift_right_logical3A_965 = arith.shrui %xor3A_958, %shift_right_logical3A_964 : vector<16xi32>
        %or3A_966 = arith.ori %shift_left3A_962, %shift_right_logical3A_965 : vector<16xi32>
        %xor3A_967 = arith.xori %or3A_966, %add3A_959 : vector<16xi32>
        %add3A_968 = arith.constant -57835448 : i32
        %add3A_969 = vector.broadcast %add3A_968 : i32 to vector<16xi32>
        %add3A_970 = arith.addi %add3A_959, %add3A_969 : vector<16xi32>
        %add3A_971 = arith.constant -1821043740 : i32
        %add3A_972 = vector.broadcast %add3A_971 : i32 to vector<16xi32>
        %add3A_973 = arith.addi %xor3A_967, %add3A_972 : vector<16xi32>
        %add3A_974 = arith.constant 4 : i32
        %add3A_975 = vector.broadcast %add3A_974 : i32 to vector<16xi32>
        %add3A_976 = arith.addi %add3A_973, %add3A_975 : vector<16xi32>
        %add3A_977 = arith.addi %add3A_970, %add3A_976 : vector<16xi32>
        %shift_left3A_978 = arith.constant 13 : i32
        %shift_left3A_979 = vector.broadcast %shift_left3A_978 : i32 to vector<16xi32>
        %shift_left3A_980 = arith.shli %add3A_976, %shift_left3A_979 : vector<16xi32>
        %shift_right_logical3A_981 = arith.constant 19 : i32
        %shift_right_logical3A_982 = vector.broadcast %shift_right_logical3A_981 : i32 to vector<16xi32>
        %shift_right_logical3A_983 = arith.shrui %add3A_976, %shift_right_logical3A_982 : vector<16xi32>
        %or3A_984 = arith.ori %shift_left3A_980, %shift_right_logical3A_983 : vector<16xi32>
        %xor3A_985 = arith.xori %or3A_984, %add3A_977 : vector<16xi32>
        %add3A_986 = arith.addi %add3A_977, %xor3A_985 : vector<16xi32>
        %shift_left3A_987 = arith.constant 15 : i32
        %shift_left3A_988 = vector.broadcast %shift_left3A_987 : i32 to vector<16xi32>
        %shift_left3A_989 = arith.shli %xor3A_985, %shift_left3A_988 : vector<16xi32>
        %shift_right_logical3A_990 = arith.constant 17 : i32
        %shift_right_logical3A_991 = vector.broadcast %shift_right_logical3A_990 : i32 to vector<16xi32>
        %shift_right_logical3A_992 = arith.shrui %xor3A_985, %shift_right_logical3A_991 : vector<16xi32>
        %or3A_993 = arith.ori %shift_left3A_989, %shift_right_logical3A_992 : vector<16xi32>
        %xor3A_994 = arith.xori %or3A_993, %add3A_986 : vector<16xi32>
        %add3A_995 = arith.addi %add3A_986, %xor3A_994 : vector<16xi32>
        %shift_left3A_996 = arith.constant 26 : i32
        %shift_left3A_997 = vector.broadcast %shift_left3A_996 : i32 to vector<16xi32>
        %shift_left3A_998 = arith.shli %xor3A_994, %shift_left3A_997 : vector<16xi32>
        %shift_right_logical3A_999 = arith.constant 6 : i32
        %shift_right_logical3A_1000 = vector.broadcast %shift_right_logical3A_999 : i32 to vector<16xi32>
        %shift_right_logical3A_1001 = arith.shrui %xor3A_994, %shift_right_logical3A_1000 : vector<16xi32>
        %or3A_1002 = arith.ori %shift_left3A_998, %shift_right_logical3A_1001 : vector<16xi32>
        %xor3A_1003 = arith.xori %or3A_1002, %add3A_995 : vector<16xi32>
        %add3A_1004 = arith.addi %add3A_995, %xor3A_1003 : vector<16xi32>
        %shift_left3A_1005 = arith.constant 6 : i32
        %shift_left3A_1006 = vector.broadcast %shift_left3A_1005 : i32 to vector<16xi32>
        %shift_left3A_1007 = arith.shli %xor3A_1003, %shift_left3A_1006 : vector<16xi32>
        %shift_right_logical3A_1008 = arith.constant 26 : i32
        %shift_right_logical3A_1009 = vector.broadcast %shift_right_logical3A_1008 : i32 to vector<16xi32>
        %shift_right_logical3A_1010 = arith.shrui %xor3A_1003, %shift_right_logical3A_1009 : vector<16xi32>
        %or3A_1011 = arith.ori %shift_left3A_1007, %shift_right_logical3A_1010 : vector<16xi32>
        %xor3A_1012 = arith.xori %or3A_1011, %add3A_1004 : vector<16xi32>
        %add3A_1013 = arith.constant -1821043740 : i32
        %add3A_1014 = vector.broadcast %add3A_1013 : i32 to vector<16xi32>
        %add3A_1015 = arith.addi %add3A_1004, %add3A_1014 : vector<16xi32>
        %add3A_1016 = arith.constant 1948878966 : i32
        %add3A_1017 = vector.broadcast %add3A_1016 : i32 to vector<16xi32>
        %add3A_1018 = arith.addi %xor3A_1012, %add3A_1017 : vector<16xi32>
        %add3A_1019 = arith.constant 5 : i32
        %add3A_1020 = vector.broadcast %add3A_1019 : i32 to vector<16xi32>
        %add3A_1021 = arith.addi %add3A_1018, %add3A_1020 : vector<16xi32>
        %xor3A_1022 = arith.xori %add3A_1015, %add3A_1021 : vector<16xi32>
        %shift_right_logical3A_1023 = arith.constant 9 : i32
        %shift_right_logical3A_1024 = vector.broadcast %shift_right_logical3A_1023 : i32 to vector<16xi32>
        %shift_right_logical3A_1025 = arith.shrui %xor3A_1022, %shift_right_logical3A_1024 : vector<16xi32>
        %or3A_1026 = arith.constant 1065353216 : i32
        %or3A_1027 = vector.broadcast %or3A_1026 : i32 to vector<16xi32>
        %or3A_1028 = arith.ori %shift_right_logical3A_1025, %or3A_1027 : vector<16xi32>
        %bitcast_convert_type3A_1029 = tpu.bitcast %or3A_1028 : vector<16xi32> -> vector<16xf32>
        %sub3A_1030 = arith.constant 1.000000e+00 : f32
        %sub3A_1031 = vector.broadcast %sub3A_1030 : f32 to vector<16xf32>
        %sub3A_1032 = arith.subf %bitcast_convert_type3A_1029, %sub3A_1031 : vector<16xf32>
        %mul3A_1033 = arith.constant 16 : i32
        %mul3A_1034 = arith.muli %mul3A_1033, %scan3A_786 : i32
        %swap3A_1035 = arith.index_cast %mul3A_1034 : i32 to index
        %swap3A_1036 = tpu.vector_load %arg3[%swap3A_1035] {strides = array<i32>} : memref<30720xf32, #tpu.memory_space<vmem>>, vector<16xf32>,
        %swap3A_1037 = vector.shape_cast %swap3A_1036 : vector<16xf32> to vector<16xf32>
        %swap3A_1038 = vector.shape_cast %sub3A_1032 : vector<16xf32> to vector<16xf32>
        tpu.vector_store %arg3[%swap3A_1035], %swap3A_1038 {strides = array<i32>} : memref<30720xf32, #tpu.memory_space<vmem>>, vector<16xf32>,
        %scan3A_1039 = arith.constant 4 : i32
        %scan3A_1040 = arith.addi %scan3A_31, %scan3A_1039 : i32
        %mul3A_1041 = arith.constant 16 : i32
        %mul3A_1042 = arith.muli %mul3A_1041, %scan3A_1040 : i32
        %add3A_1043 = arith.addi %add3A_13, %mul3A_1042 : i32
        %add3A_1044 = vector.broadcast %add3A_1043 : i32 to vector<16xi32>
        %add3A_1045 = arith.addi %add3A_1044, %iota3A : vector<16xi32>
        %add3A_1046 = arith.constant -57835448 : i32
        %add3A_1047 = vector.broadcast %add3A_1046 : i32 to vector<16xi32>
        %add3A_1048 = arith.addi %add3A_1045, %add3A_1047 : vector<16xi32>
        %add3A_1049 = arith.constant 1948878966 : i32
        %add3A_1050 = vector.broadcast %add3A_1049 : i32 to vector<16xi32>
        %add3A_1051 = arith.addi %add3A_1050, %add3A_1048 : vector<16xi32>
        %shift_left3A_1052 = arith.constant 13 : i32
        %shift_left3A_1053 = vector.broadcast %shift_left3A_1052 : i32 to vector<16xi32>
        %shift_left3A_1054 = arith.shli %add3A_1048, %shift_left3A_1053 : vector<16xi32>
        %shift_right_logical3A_1055 = arith.constant 19 : i32
        %shift_right_logical3A_1056 = vector.broadcast %shift_right_logical3A_1055 : i32 to vector<16xi32>
        %shift_right_logical3A_1057 = arith.shrui %add3A_1048, %shift_right_logical3A_1056 : vector<16xi32>
        %or3A_1058 = arith.ori %shift_left3A_1054, %shift_right_logical3A_1057 : vector<16xi32>
        %xor3A_1059 = arith.xori %or3A_1058, %add3A_1051 : vector<16xi32>
        %add3A_1060 = arith.addi %add3A_1051, %xor3A_1059 : vector<16xi32>
        %shift_left3A_1061 = arith.constant 15 : i32
        %shift_left3A_1062 = vector.broadcast %shift_left3A_1061 : i32 to vector<16xi32>
        %shift_left3A_1063 = arith.shli %xor3A_1059, %shift_left3A_1062 : vector<16xi32>
        %shift_right_logical3A_1064 = arith.constant 17 : i32
        %shift_right_logical3A_1065 = vector.broadcast %shift_right_logical3A_1064 : i32 to vector<16xi32>
        %shift_right_logical3A_1066 = arith.shrui %xor3A_1059, %shift_right_logical3A_1065 : vector<16xi32>
        %or3A_1067 = arith.ori %shift_left3A_1063, %shift_right_logical3A_1066 : vector<16xi32>
        %xor3A_1068 = arith.xori %or3A_1067, %add3A_1060 : vector<16xi32>
        %add3A_1069 = arith.addi %add3A_1060, %xor3A_1068 : vector<16xi32>
        %shift_left3A_1070 = arith.constant 26 : i32
        %shift_left3A_1071 = vector.broadcast %shift_left3A_1070 : i32 to vector<16xi32>
        %shift_left3A_1072 = arith.shli %xor3A_1068, %shift_left3A_1071 : vector<16xi32>
        %shift_right_logical3A_1073 = arith.constant 6 : i32
        %shift_right_logical3A_1074 = vector.broadcast %shift_right_logical3A_1073 : i32 to vector<16xi32>
        %shift_right_logical3A_1075 = arith.shrui %xor3A_1068, %shift_right_logical3A_1074 : vector<16xi32>
        %or3A_1076 = arith.ori %shift_left3A_1072, %shift_right_logical3A_1075 : vector<16xi32>
        %xor3A_1077 = arith.xori %or3A_1076, %add3A_1069 : vector<16xi32>
        %add3A_1078 = arith.addi %add3A_1069, %xor3A_1077 : vector<16xi32>
        %shift_left3A_1079 = arith.constant 6 : i32
        %shift_left3A_1080 = vector.broadcast %shift_left3A_1079 : i32 to vector<16xi32>
        %shift_left3A_1081 = arith.shli %xor3A_1077, %shift_left3A_1080 : vector<16xi32>
        %shift_right_logical3A_1082 = arith.constant 26 : i32
        %shift_right_logical3A_1083 = vector.broadcast %shift_right_logical3A_1082 : i32 to vector<16xi32>
        %shift_right_logical3A_1084 = arith.shrui %xor3A_1077, %shift_right_logical3A_1083 : vector<16xi32>
        %or3A_1085 = arith.ori %shift_left3A_1081, %shift_right_logical3A_1084 : vector<16xi32>
        %xor3A_1086 = arith.xori %or3A_1085, %add3A_1078 : vector<16xi32>
        %add3A_1087 = arith.constant -57835448 : i32
        %add3A_1088 = vector.broadcast %add3A_1087 : i32 to vector<16xi32>
        %add3A_1089 = arith.addi %add3A_1078, %add3A_1088 : vector<16xi32>
        %add3A_1090 = arith.constant -1821043740 : i32
        %add3A_1091 = vector.broadcast %add3A_1090 : i32 to vector<16xi32>
        %add3A_1092 = arith.addi %xor3A_1086, %add3A_1091 : vector<16xi32>
        %add3A_1093 = arith.constant 1 : i32
        %add3A_1094 = vector.broadcast %add3A_1093 : i32 to vector<16xi32>
        %add3A_1095 = arith.addi %add3A_1092, %add3A_1094 : vector<16xi32>
        %add3A_1096 = arith.addi %add3A_1089, %add3A_1095 : vector<16xi32>
        %shift_left3A_1097 = arith.constant 17 : i32
        %shift_left3A_1098 = vector.broadcast %shift_left3A_1097 : i32 to vector<16xi32>
        %shift_left3A_1099 = arith.shli %add3A_1095, %shift_left3A_1098 : vector<16xi32>
        %shift_right_logical3A_1100 = arith.constant 15 : i32
        %shift_right_logical3A_1101 = vector.broadcast %shift_right_logical3A_1100 : i32 to vector<16xi32>
        %shift_right_logical3A_1102 = arith.shrui %add3A_1095, %shift_right_logical3A_1101 : vector<16xi32>
        %or3A_1103 = arith.ori %shift_left3A_1099, %shift_right_logical3A_1102 : vector<16xi32>
        %xor3A_1104 = arith.xori %or3A_1103, %add3A_1096 : vector<16xi32>
        %add3A_1105 = arith.addi %add3A_1096, %xor3A_1104 : vector<16xi32>
        %shift_left3A_1106 = arith.constant 29 : i32
        %shift_left3A_1107 = vector.broadcast %shift_left3A_1106 : i32 to vector<16xi32>
        %shift_left3A_1108 = arith.shli %xor3A_1104, %shift_left3A_1107 : vector<16xi32>
        %shift_right_logical3A_1109 = arith.constant 3 : i32
        %shift_right_logical3A_1110 = vector.broadcast %shift_right_logical3A_1109 : i32 to vector<16xi32>
        %shift_right_logical3A_1111 = arith.shrui %xor3A_1104, %shift_right_logical3A_1110 : vector<16xi32>
        %or3A_1112 = arith.ori %shift_left3A_1108, %shift_right_logical3A_1111 : vector<16xi32>
        %xor3A_1113 = arith.xori %or3A_1112, %add3A_1105 : vector<16xi32>
        %add3A_1114 = arith.addi %add3A_1105, %xor3A_1113 : vector<16xi32>
        %shift_left3A_1115 = arith.constant 16 : i32
        %shift_left3A_1116 = vector.broadcast %shift_left3A_1115 : i32 to vector<16xi32>
        %shift_left3A_1117 = arith.shli %xor3A_1113, %shift_left3A_1116 : vector<16xi32>
        %shift_right_logical3A_1118 = arith.constant 16 : i32
        %shift_right_logical3A_1119 = vector.broadcast %shift_right_logical3A_1118 : i32 to vector<16xi32>
        %shift_right_logical3A_1120 = arith.shrui %xor3A_1113, %shift_right_logical3A_1119 : vector<16xi32>
        %or3A_1121 = arith.ori %shift_left3A_1117, %shift_right_logical3A_1120 : vector<16xi32>
        %xor3A_1122 = arith.xori %or3A_1121, %add3A_1114 : vector<16xi32>
        %add3A_1123 = arith.addi %add3A_1114, %xor3A_1122 : vector<16xi32>
        %shift_left3A_1124 = arith.constant 24 : i32
        %shift_left3A_1125 = vector.broadcast %shift_left3A_1124 : i32 to vector<16xi32>
        %shift_left3A_1126 = arith.shli %xor3A_1122, %shift_left3A_1125 : vector<16xi32>
        %shift_right_logical3A_1127 = arith.constant 8 : i32
        %shift_right_logical3A_1128 = vector.broadcast %shift_right_logical3A_1127 : i32 to vector<16xi32>
        %shift_right_logical3A_1129 = arith.shrui %xor3A_1122, %shift_right_logical3A_1128 : vector<16xi32>
        %or3A_1130 = arith.ori %shift_left3A_1126, %shift_right_logical3A_1129 : vector<16xi32>
        %xor3A_1131 = arith.xori %or3A_1130, %add3A_1123 : vector<16xi32>
        %add3A_1132 = arith.constant -1821043740 : i32
        %add3A_1133 = vector.broadcast %add3A_1132 : i32 to vector<16xi32>
        %add3A_1134 = arith.addi %add3A_1123, %add3A_1133 : vector<16xi32>
        %add3A_1135 = arith.constant 1948878966 : i32
        %add3A_1136 = vector.broadcast %add3A_1135 : i32 to vector<16xi32>
        %add3A_1137 = arith.addi %xor3A_1131, %add3A_1136 : vector<16xi32>
        %add3A_1138 = arith.constant 2 : i32
        %add3A_1139 = vector.broadcast %add3A_1138 : i32 to vector<16xi32>
        %add3A_1140 = arith.addi %add3A_1137, %add3A_1139 : vector<16xi32>
        %add3A_1141 = arith.addi %add3A_1134, %add3A_1140 : vector<16xi32>
        %shift_left3A_1142 = arith.constant 13 : i32
        %shift_left3A_1143 = vector.broadcast %shift_left3A_1142 : i32 to vector<16xi32>
        %shift_left3A_1144 = arith.shli %add3A_1140, %shift_left3A_1143 : vector<16xi32>
        %shift_right_logical3A_1145 = arith.constant 19 : i32
        %shift_right_logical3A_1146 = vector.broadcast %shift_right_logical3A_1145 : i32 to vector<16xi32>
        %shift_right_logical3A_1147 = arith.shrui %add3A_1140, %shift_right_logical3A_1146 : vector<16xi32>
        %or3A_1148 = arith.ori %shift_left3A_1144, %shift_right_logical3A_1147 : vector<16xi32>
        %xor3A_1149 = arith.xori %or3A_1148, %add3A_1141 : vector<16xi32>
        %add3A_1150 = arith.addi %add3A_1141, %xor3A_1149 : vector<16xi32>
        %shift_left3A_1151 = arith.constant 15 : i32
        %shift_left3A_1152 = vector.broadcast %shift_left3A_1151 : i32 to vector<16xi32>
        %shift_left3A_1153 = arith.shli %xor3A_1149, %shift_left3A_1152 : vector<16xi32>
        %shift_right_logical3A_1154 = arith.constant 17 : i32
        %shift_right_logical3A_1155 = vector.broadcast %shift_right_logical3A_1154 : i32 to vector<16xi32>
        %shift_right_logical3A_1156 = arith.shrui %xor3A_1149, %shift_right_logical3A_1155 : vector<16xi32>
        %or3A_1157 = arith.ori %shift_left3A_1153, %shift_right_logical3A_1156 : vector<16xi32>
        %xor3A_1158 = arith.xori %or3A_1157, %add3A_1150 : vector<16xi32>
        %add3A_1159 = arith.addi %add3A_1150, %xor3A_1158 : vector<16xi32>
        %shift_left3A_1160 = arith.constant 26 : i32
        %shift_left3A_1161 = vector.broadcast %shift_left3A_1160 : i32 to vector<16xi32>
        %shift_left3A_1162 = arith.shli %xor3A_1158, %shift_left3A_1161 : vector<16xi32>
        %shift_right_logical3A_1163 = arith.constant 6 : i32
        %shift_right_logical3A_1164 = vector.broadcast %shift_right_logical3A_1163 : i32 to vector<16xi32>
        %shift_right_logical3A_1165 = arith.shrui %xor3A_1158, %shift_right_logical3A_1164 : vector<16xi32>
        %or3A_1166 = arith.ori %shift_left3A_1162, %shift_right_logical3A_1165 : vector<16xi32>
        %xor3A_1167 = arith.xori %or3A_1166, %add3A_1159 : vector<16xi32>
        %add3A_1168 = arith.addi %add3A_1159, %xor3A_1167 : vector<16xi32>
        %shift_left3A_1169 = arith.constant 6 : i32
        %shift_left3A_1170 = vector.broadcast %shift_left3A_1169 : i32 to vector<16xi32>
        %shift_left3A_1171 = arith.shli %xor3A_1167, %shift_left3A_1170 : vector<16xi32>
        %shift_right_logical3A_1172 = arith.constant 26 : i32
        %shift_right_logical3A_1173 = vector.broadcast %shift_right_logical3A_1172 : i32 to vector<16xi32>
        %shift_right_logical3A_1174 = arith.shrui %xor3A_1167, %shift_right_logical3A_1173 : vector<16xi32>
        %or3A_1175 = arith.ori %shift_left3A_1171, %shift_right_logical3A_1174 : vector<16xi32>
        %xor3A_1176 = arith.xori %or3A_1175, %add3A_1168 : vector<16xi32>
        %add3A_1177 = arith.constant 1948878966 : i32
        %add3A_1178 = vector.broadcast %add3A_1177 : i32 to vector<16xi32>
        %add3A_1179 = arith.addi %add3A_1168, %add3A_1178 : vector<16xi32>
        %add3A_1180 = arith.constant -57835448 : i32
        %add3A_1181 = vector.broadcast %add3A_1180 : i32 to vector<16xi32>
        %add3A_1182 = arith.addi %xor3A_1176, %add3A_1181 : vector<16xi32>
        %add3A_1183 = arith.constant 3 : i32
        %add3A_1184 = vector.broadcast %add3A_1183 : i32 to vector<16xi32>
        %add3A_1185 = arith.addi %add3A_1182, %add3A_1184 : vector<16xi32>
        %add3A_1186 = arith.addi %add3A_1179, %add3A_1185 : vector<16xi32>
        %shift_left3A_1187 = arith.constant 17 : i32
        %shift_left3A_1188 = vector.broadcast %shift_left3A_1187 : i32 to vector<16xi32>
        %shift_left3A_1189 = arith.shli %add3A_1185, %shift_left3A_1188 : vector<16xi32>
        %shift_right_logical3A_1190 = arith.constant 15 : i32
        %shift_right_logical3A_1191 = vector.broadcast %shift_right_logical3A_1190 : i32 to vector<16xi32>
        %shift_right_logical3A_1192 = arith.shrui %add3A_1185, %shift_right_logical3A_1191 : vector<16xi32>
        %or3A_1193 = arith.ori %shift_left3A_1189, %shift_right_logical3A_1192 : vector<16xi32>
        %xor3A_1194 = arith.xori %or3A_1193, %add3A_1186 : vector<16xi32>
        %add3A_1195 = arith.addi %add3A_1186, %xor3A_1194 : vector<16xi32>
        %shift_left3A_1196 = arith.constant 29 : i32
        %shift_left3A_1197 = vector.broadcast %shift_left3A_1196 : i32 to vector<16xi32>
        %shift_left3A_1198 = arith.shli %xor3A_1194, %shift_left3A_1197 : vector<16xi32>
        %shift_right_logical3A_1199 = arith.constant 3 : i32
        %shift_right_logical3A_1200 = vector.broadcast %shift_right_logical3A_1199 : i32 to vector<16xi32>
        %shift_right_logical3A_1201 = arith.shrui %xor3A_1194, %shift_right_logical3A_1200 : vector<16xi32>
        %or3A_1202 = arith.ori %shift_left3A_1198, %shift_right_logical3A_1201 : vector<16xi32>
        %xor3A_1203 = arith.xori %or3A_1202, %add3A_1195 : vector<16xi32>
        %add3A_1204 = arith.addi %add3A_1195, %xor3A_1203 : vector<16xi32>
        %shift_left3A_1205 = arith.constant 16 : i32
        %shift_left3A_1206 = vector.broadcast %shift_left3A_1205 : i32 to vector<16xi32>
        %shift_left3A_1207 = arith.shli %xor3A_1203, %shift_left3A_1206 : vector<16xi32>
        %shift_right_logical3A_1208 = arith.constant 16 : i32
        %shift_right_logical3A_1209 = vector.broadcast %shift_right_logical3A_1208 : i32 to vector<16xi32>
        %shift_right_logical3A_1210 = arith.shrui %xor3A_1203, %shift_right_logical3A_1209 : vector<16xi32>
        %or3A_1211 = arith.ori %shift_left3A_1207, %shift_right_logical3A_1210 : vector<16xi32>
        %xor3A_1212 = arith.xori %or3A_1211, %add3A_1204 : vector<16xi32>
        %add3A_1213 = arith.addi %add3A_1204, %xor3A_1212 : vector<16xi32>
        %shift_left3A_1214 = arith.constant 24 : i32
        %shift_left3A_1215 = vector.broadcast %shift_left3A_1214 : i32 to vector<16xi32>
        %shift_left3A_1216 = arith.shli %xor3A_1212, %shift_left3A_1215 : vector<16xi32>
        %shift_right_logical3A_1217 = arith.constant 8 : i32
        %shift_right_logical3A_1218 = vector.broadcast %shift_right_logical3A_1217 : i32 to vector<16xi32>
        %shift_right_logical3A_1219 = arith.shrui %xor3A_1212, %shift_right_logical3A_1218 : vector<16xi32>
        %or3A_1220 = arith.ori %shift_left3A_1216, %shift_right_logical3A_1219 : vector<16xi32>
        %xor3A_1221 = arith.xori %or3A_1220, %add3A_1213 : vector<16xi32>
        %add3A_1222 = arith.constant -57835448 : i32
        %add3A_1223 = vector.broadcast %add3A_1222 : i32 to vector<16xi32>
        %add3A_1224 = arith.addi %add3A_1213, %add3A_1223 : vector<16xi32>
        %add3A_1225 = arith.constant -1821043740 : i32
        %add3A_1226 = vector.broadcast %add3A_1225 : i32 to vector<16xi32>
        %add3A_1227 = arith.addi %xor3A_1221, %add3A_1226 : vector<16xi32>
        %add3A_1228 = arith.constant 4 : i32
        %add3A_1229 = vector.broadcast %add3A_1228 : i32 to vector<16xi32>
        %add3A_1230 = arith.addi %add3A_1227, %add3A_1229 : vector<16xi32>
        %add3A_1231 = arith.addi %add3A_1224, %add3A_1230 : vector<16xi32>
        %shift_left3A_1232 = arith.constant 13 : i32
        %shift_left3A_1233 = vector.broadcast %shift_left3A_1232 : i32 to vector<16xi32>
        %shift_left3A_1234 = arith.shli %add3A_1230, %shift_left3A_1233 : vector<16xi32>
        %shift_right_logical3A_1235 = arith.constant 19 : i32
        %shift_right_logical3A_1236 = vector.broadcast %shift_right_logical3A_1235 : i32 to vector<16xi32>
        %shift_right_logical3A_1237 = arith.shrui %add3A_1230, %shift_right_logical3A_1236 : vector<16xi32>
        %or3A_1238 = arith.ori %shift_left3A_1234, %shift_right_logical3A_1237 : vector<16xi32>
        %xor3A_1239 = arith.xori %or3A_1238, %add3A_1231 : vector<16xi32>
        %add3A_1240 = arith.addi %add3A_1231, %xor3A_1239 : vector<16xi32>
        %shift_left3A_1241 = arith.constant 15 : i32
        %shift_left3A_1242 = vector.broadcast %shift_left3A_1241 : i32 to vector<16xi32>
        %shift_left3A_1243 = arith.shli %xor3A_1239, %shift_left3A_1242 : vector<16xi32>
        %shift_right_logical3A_1244 = arith.constant 17 : i32
        %shift_right_logical3A_1245 = vector.broadcast %shift_right_logical3A_1244 : i32 to vector<16xi32>
        %shift_right_logical3A_1246 = arith.shrui %xor3A_1239, %shift_right_logical3A_1245 : vector<16xi32>
        %or3A_1247 = arith.ori %shift_left3A_1243, %shift_right_logical3A_1246 : vector<16xi32>
        %xor3A_1248 = arith.xori %or3A_1247, %add3A_1240 : vector<16xi32>
        %add3A_1249 = arith.addi %add3A_1240, %xor3A_1248 : vector<16xi32>
        %shift_left3A_1250 = arith.constant 26 : i32
        %shift_left3A_1251 = vector.broadcast %shift_left3A_1250 : i32 to vector<16xi32>
        %shift_left3A_1252 = arith.shli %xor3A_1248, %shift_left3A_1251 : vector<16xi32>
        %shift_right_logical3A_1253 = arith.constant 6 : i32
        %shift_right_logical3A_1254 = vector.broadcast %shift_right_logical3A_1253 : i32 to vector<16xi32>
        %shift_right_logical3A_1255 = arith.shrui %xor3A_1248, %shift_right_logical3A_1254 : vector<16xi32>
        %or3A_1256 = arith.ori %shift_left3A_1252, %shift_right_logical3A_1255 : vector<16xi32>
        %xor3A_1257 = arith.xori %or3A_1256, %add3A_1249 : vector<16xi32>
        %add3A_1258 = arith.addi %add3A_1249, %xor3A_1257 : vector<16xi32>
        %shift_left3A_1259 = arith.constant 6 : i32
        %shift_left3A_1260 = vector.broadcast %shift_left3A_1259 : i32 to vector<16xi32>
        %shift_left3A_1261 = arith.shli %xor3A_1257, %shift_left3A_1260 : vector<16xi32>
        %shift_right_logical3A_1262 = arith.constant 26 : i32
        %shift_right_logical3A_1263 = vector.broadcast %shift_right_logical3A_1262 : i32 to vector<16xi32>
        %shift_right_logical3A_1264 = arith.shrui %xor3A_1257, %shift_right_logical3A_1263 : vector<16xi32>
        %or3A_1265 = arith.ori %shift_left3A_1261, %shift_right_logical3A_1264 : vector<16xi32>
        %xor3A_1266 = arith.xori %or3A_1265, %add3A_1258 : vector<16xi32>
        %add3A_1267 = arith.constant -1821043740 : i32
        %add3A_1268 = vector.broadcast %add3A_1267 : i32 to vector<16xi32>
        %add3A_1269 = arith.addi %add3A_1258, %add3A_1268 : vector<16xi32>
        %add3A_1270 = arith.constant 1948878966 : i32
        %add3A_1271 = vector.broadcast %add3A_1270 : i32 to vector<16xi32>
        %add3A_1272 = arith.addi %xor3A_1266, %add3A_1271 : vector<16xi32>
        %add3A_1273 = arith.constant 5 : i32
        %add3A_1274 = vector.broadcast %add3A_1273 : i32 to vector<16xi32>
        %add3A_1275 = arith.addi %add3A_1272, %add3A_1274 : vector<16xi32>
        %xor3A_1276 = arith.xori %add3A_1269, %add3A_1275 : vector<16xi32>
        %shift_right_logical3A_1277 = arith.constant 9 : i32
        %shift_right_logical3A_1278 = vector.broadcast %shift_right_logical3A_1277 : i32 to vector<16xi32>
        %shift_right_logical3A_1279 = arith.shrui %xor3A_1276, %shift_right_logical3A_1278 : vector<16xi32>
        %or3A_1280 = arith.constant 1065353216 : i32
        %or3A_1281 = vector.broadcast %or3A_1280 : i32 to vector<16xi32>
        %or3A_1282 = arith.ori %shift_right_logical3A_1279, %or3A_1281 : vector<16xi32>
        %bitcast_convert_type3A_1283 = tpu.bitcast %or3A_1282 : vector<16xi32> -> vector<16xf32>
        %sub3A_1284 = arith.constant 1.000000e+00 : f32
        %sub3A_1285 = vector.broadcast %sub3A_1284 : f32 to vector<16xf32>
        %sub3A_1286 = arith.subf %bitcast_convert_type3A_1283, %sub3A_1285 : vector<16xf32>
        %mul3A_1287 = arith.constant 16 : i32
        %mul3A_1288 = arith.muli %mul3A_1287, %scan3A_1040 : i32
        %swap3A_1289 = arith.index_cast %mul3A_1288 : i32 to index
        %swap3A_1290 = tpu.vector_load %arg3[%swap3A_1289] {strides = array<i32>} : memref<30720xf32, #tpu.memory_space<vmem>>, vector<16xf32>,
        %swap3A_1291 = vector.shape_cast %swap3A_1290 : vector<16xf32> to vector<16xf32>
        %swap3A_1292 = vector.shape_cast %sub3A_1286 : vector<16xf32> to vector<16xf32>
        tpu.vector_store %arg3[%swap3A_1289], %swap3A_1292 {strides = array<i32>} : memref<30720xf32, #tpu.memory_space<vmem>>, vector<16xf32>,
        %scan3A_1293 = arith.constant 5 : i32
        %scan3A_1294 = arith.addi %scan3A_31, %scan3A_1293 : i32
        %mul3A_1295 = arith.constant 16 : i32
        %mul3A_1296 = arith.muli %mul3A_1295, %scan3A_1294 : i32
        %add3A_1297 = arith.addi %add3A_13, %mul3A_1296 : i32
        %add3A_1298 = vector.broadcast %add3A_1297 : i32 to vector<16xi32>
        %add3A_1299 = arith.addi %add3A_1298, %iota3A : vector<16xi32>
        %add3A_1300 = arith.constant -57835448 : i32
        %add3A_1301 = vector.broadcast %add3A_1300 : i32 to vector<16xi32>
        %add3A_1302 = arith.addi %add3A_1299, %add3A_1301 : vector<16xi32>
        %add3A_1303 = arith.constant 1948878966 : i32
        %add3A_1304 = vector.broadcast %add3A_1303 : i32 to vector<16xi32>
        %add3A_1305 = arith.addi %add3A_1304, %add3A_1302 : vector<16xi32>
        %shift_left3A_1306 = arith.constant 13 : i32
        %shift_left3A_1307 = vector.broadcast %shift_left3A_1306 : i32 to vector<16xi32>
        %shift_left3A_1308 = arith.shli %add3A_1302, %shift_left3A_1307 : vector<16xi32>
        %shift_right_logical3A_1309 = arith.constant 19 : i32
        %shift_right_logical3A_1310 = vector.broadcast %shift_right_logical3A_1309 : i32 to vector<16xi32>
        %shift_right_logical3A_1311 = arith.shrui %add3A_1302, %shift_right_logical3A_1310 : vector<16xi32>
        %or3A_1312 = arith.ori %shift_left3A_1308, %shift_right_logical3A_1311 : vector<16xi32>
        %xor3A_1313 = arith.xori %or3A_1312, %add3A_1305 : vector<16xi32>
        %add3A_1314 = arith.addi %add3A_1305, %xor3A_1313 : vector<16xi32>
        %shift_left3A_1315 = arith.constant 15 : i32
        %shift_left3A_1316 = vector.broadcast %shift_left3A_1315 : i32 to vector<16xi32>
        %shift_left3A_1317 = arith.shli %xor3A_1313, %shift_left3A_1316 : vector<16xi32>
        %shift_right_logical3A_1318 = arith.constant 17 : i32
        %shift_right_logical3A_1319 = vector.broadcast %shift_right_logical3A_1318 : i32 to vector<16xi32>
        %shift_right_logical3A_1320 = arith.shrui %xor3A_1313, %shift_right_logical3A_1319 : vector<16xi32>
        %or3A_1321 = arith.ori %shift_left3A_1317, %shift_right_logical3A_1320 : vector<16xi32>
        %xor3A_1322 = arith.xori %or3A_1321, %add3A_1314 : vector<16xi32>
        %add3A_1323 = arith.addi %add3A_1314, %xor3A_1322 : vector<16xi32>
        %shift_left3A_1324 = arith.constant 26 : i32
        %shift_left3A_1325 = vector.broadcast %shift_left3A_1324 : i32 to vector<16xi32>
        %shift_left3A_1326 = arith.shli %xor3A_1322, %shift_left3A_1325 : vector<16xi32>
        %shift_right_logical3A_1327 = arith.constant 6 : i32
        %shift_right_logical3A_1328 = vector.broadcast %shift_right_logical3A_1327 : i32 to vector<16xi32>
        %shift_right_logical3A_1329 = arith.shrui %xor3A_1322, %shift_right_logical3A_1328 : vector<16xi32>
        %or3A_1330 = arith.ori %shift_left3A_1326, %shift_right_logical3A_1329 : vector<16xi32>
        %xor3A_1331 = arith.xori %or3A_1330, %add3A_1323 : vector<16xi32>
        %add3A_1332 = arith.addi %add3A_1323, %xor3A_1331 : vector<16xi32>
        %shift_left3A_1333 = arith.constant 6 : i32
        %shift_left3A_1334 = vector.broadcast %shift_left3A_1333 : i32 to vector<16xi32>
        %shift_left3A_1335 = arith.shli %xor3A_1331, %shift_left3A_1334 : vector<16xi32>
        %shift_right_logical3A_1336 = arith.constant 26 : i32
        %shift_right_logical3A_1337 = vector.broadcast %shift_right_logical3A_1336 : i32 to vector<16xi32>
        %shift_right_logical3A_1338 = arith.shrui %xor3A_1331, %shift_right_logical3A_1337 : vector<16xi32>
        %or3A_1339 = arith.ori %shift_left3A_1335, %shift_right_logical3A_1338 : vector<16xi32>
        %xor3A_1340 = arith.xori %or3A_1339, %add3A_1332 : vector<16xi32>
        %add3A_1341 = arith.constant -57835448 : i32
        %add3A_1342 = vector.broadcast %add3A_1341 : i32 to vector<16xi32>
        %add3A_1343 = arith.addi %add3A_1332, %add3A_1342 : vector<16xi32>
        %add3A_1344 = arith.constant -1821043740 : i32
        %add3A_1345 = vector.broadcast %add3A_1344 : i32 to vector<16xi32>
        %add3A_1346 = arith.addi %xor3A_1340, %add3A_1345 : vector<16xi32>
        %add3A_1347 = arith.constant 1 : i32
        %add3A_1348 = vector.broadcast %add3A_1347 : i32 to vector<16xi32>
        %add3A_1349 = arith.addi %add3A_1346, %add3A_1348 : vector<16xi32>
        %add3A_1350 = arith.addi %add3A_1343, %add3A_1349 : vector<16xi32>
        %shift_left3A_1351 = arith.constant 17 : i32
        %shift_left3A_1352 = vector.broadcast %shift_left3A_1351 : i32 to vector<16xi32>
        %shift_left3A_1353 = arith.shli %add3A_1349, %shift_left3A_1352 : vector<16xi32>
        %shift_right_logical3A_1354 = arith.constant 15 : i32
        %shift_right_logical3A_1355 = vector.broadcast %shift_right_logical3A_1354 : i32 to vector<16xi32>
        %shift_right_logical3A_1356 = arith.shrui %add3A_1349, %shift_right_logical3A_1355 : vector<16xi32>
        %or3A_1357 = arith.ori %shift_left3A_1353, %shift_right_logical3A_1356 : vector<16xi32>
        %xor3A_1358 = arith.xori %or3A_1357, %add3A_1350 : vector<16xi32>
        %add3A_1359 = arith.addi %add3A_1350, %xor3A_1358 : vector<16xi32>
        %shift_left3A_1360 = arith.constant 29 : i32
        %shift_left3A_1361 = vector.broadcast %shift_left3A_1360 : i32 to vector<16xi32>
        %shift_left3A_1362 = arith.shli %xor3A_1358, %shift_left3A_1361 : vector<16xi32>
        %shift_right_logical3A_1363 = arith.constant 3 : i32
        %shift_right_logical3A_1364 = vector.broadcast %shift_right_logical3A_1363 : i32 to vector<16xi32>
        %shift_right_logical3A_1365 = arith.shrui %xor3A_1358, %shift_right_logical3A_1364 : vector<16xi32>
        %or3A_1366 = arith.ori %shift_left3A_1362, %shift_right_logical3A_1365 : vector<16xi32>
        %xor3A_1367 = arith.xori %or3A_1366, %add3A_1359 : vector<16xi32>
        %add3A_1368 = arith.addi %add3A_1359, %xor3A_1367 : vector<16xi32>
        %shift_left3A_1369 = arith.constant 16 : i32
        %shift_left3A_1370 = vector.broadcast %shift_left3A_1369 : i32 to vector<16xi32>
        %shift_left3A_1371 = arith.shli %xor3A_1367, %shift_left3A_1370 : vector<16xi32>
        %shift_right_logical3A_1372 = arith.constant 16 : i32
        %shift_right_logical3A_1373 = vector.broadcast %shift_right_logical3A_1372 : i32 to vector<16xi32>
        %shift_right_logical3A_1374 = arith.shrui %xor3A_1367, %shift_right_logical3A_1373 : vector<16xi32>
        %or3A_1375 = arith.ori %shift_left3A_1371, %shift_right_logical3A_1374 : vector<16xi32>
        %xor3A_1376 = arith.xori %or3A_1375, %add3A_1368 : vector<16xi32>
        %add3A_1377 = arith.addi %add3A_1368, %xor3A_1376 : vector<16xi32>
        %shift_left3A_1378 = arith.constant 24 : i32
        %shift_left3A_1379 = vector.broadcast %shift_left3A_1378 : i32 to vector<16xi32>
        %shift_left3A_1380 = arith.shli %xor3A_1376, %shift_left3A_1379 : vector<16xi32>
        %shift_right_logical3A_1381 = arith.constant 8 : i32
        %shift_right_logical3A_1382 = vector.broadcast %shift_right_logical3A_1381 : i32 to vector<16xi32>
        %shift_right_logical3A_1383 = arith.shrui %xor3A_1376, %shift_right_logical3A_1382 : vector<16xi32>
        %or3A_1384 = arith.ori %shift_left3A_1380, %shift_right_logical3A_1383 : vector<16xi32>
        %xor3A_1385 = arith.xori %or3A_1384, %add3A_1377 : vector<16xi32>
        %add3A_1386 = arith.constant -1821043740 : i32
        %add3A_1387 = vector.broadcast %add3A_1386 : i32 to vector<16xi32>
        %add3A_1388 = arith.addi %add3A_1377, %add3A_1387 : vector<16xi32>
        %add3A_1389 = arith.constant 1948878966 : i32
        %add3A_1390 = vector.broadcast %add3A_1389 : i32 to vector<16xi32>
        %add3A_1391 = arith.addi %xor3A_1385, %add3A_1390 : vector<16xi32>
        %add3A_1392 = arith.constant 2 : i32
        %add3A_1393 = vector.broadcast %add3A_1392 : i32 to vector<16xi32>
        %add3A_1394 = arith.addi %add3A_1391, %add3A_1393 : vector<16xi32>
        %add3A_1395 = arith.addi %add3A_1388, %add3A_1394 : vector<16xi32>
        %shift_left3A_1396 = arith.constant 13 : i32
        %shift_left3A_1397 = vector.broadcast %shift_left3A_1396 : i32 to vector<16xi32>
        %shift_left3A_1398 = arith.shli %add3A_1394, %shift_left3A_1397 : vector<16xi32>
        %shift_right_logical3A_1399 = arith.constant 19 : i32
        %shift_right_logical3A_1400 = vector.broadcast %shift_right_logical3A_1399 : i32 to vector<16xi32>
        %shift_right_logical3A_1401 = arith.shrui %add3A_1394, %shift_right_logical3A_1400 : vector<16xi32>
        %or3A_1402 = arith.ori %shift_left3A_1398, %shift_right_logical3A_1401 : vector<16xi32>
        %xor3A_1403 = arith.xori %or3A_1402, %add3A_1395 : vector<16xi32>
        %add3A_1404 = arith.addi %add3A_1395, %xor3A_1403 : vector<16xi32>
        %shift_left3A_1405 = arith.constant 15 : i32
        %shift_left3A_1406 = vector.broadcast %shift_left3A_1405 : i32 to vector<16xi32>
        %shift_left3A_1407 = arith.shli %xor3A_1403, %shift_left3A_1406 : vector<16xi32>
        %shift_right_logical3A_1408 = arith.constant 17 : i32
        %shift_right_logical3A_1409 = vector.broadcast %shift_right_logical3A_1408 : i32 to vector<16xi32>
        %shift_right_logical3A_1410 = arith.shrui %xor3A_1403, %shift_right_logical3A_1409 : vector<16xi32>
        %or3A_1411 = arith.ori %shift_left3A_1407, %shift_right_logical3A_1410 : vector<16xi32>
        %xor3A_1412 = arith.xori %or3A_1411, %add3A_1404 : vector<16xi32>
        %add3A_1413 = arith.addi %add3A_1404, %xor3A_1412 : vector<16xi32>
        %shift_left3A_1414 = arith.constant 26 : i32
        %shift_left3A_1415 = vector.broadcast %shift_left3A_1414 : i32 to vector<16xi32>
        %shift_left3A_1416 = arith.shli %xor3A_1412, %shift_left3A_1415 : vector<16xi32>
        %shift_right_logical3A_1417 = arith.constant 6 : i32
        %shift_right_logical3A_1418 = vector.broadcast %shift_right_logical3A_1417 : i32 to vector<16xi32>
        %shift_right_logical3A_1419 = arith.shrui %xor3A_1412, %shift_right_logical3A_1418 : vector<16xi32>
        %or3A_1420 = arith.ori %shift_left3A_1416, %shift_right_logical3A_1419 : vector<16xi32>
        %xor3A_1421 = arith.xori %or3A_1420, %add3A_1413 : vector<16xi32>
        %add3A_1422 = arith.addi %add3A_1413, %xor3A_1421 : vector<16xi32>
        %shift_left3A_1423 = arith.constant 6 : i32
        %shift_left3A_1424 = vector.broadcast %shift_left3A_1423 : i32 to vector<16xi32>
        %shift_left3A_1425 = arith.shli %xor3A_1421, %shift_left3A_1424 : vector<16xi32>
        %shift_right_logical3A_1426 = arith.constant 26 : i32
        %shift_right_logical3A_1427 = vector.broadcast %shift_right_logical3A_1426 : i32 to vector<16xi32>
        %shift_right_logical3A_1428 = arith.shrui %xor3A_1421, %shift_right_logical3A_1427 : vector<16xi32>
        %or3A_1429 = arith.ori %shift_left3A_1425, %shift_right_logical3A_1428 : vector<16xi32>
        %xor3A_1430 = arith.xori %or3A_1429, %add3A_1422 : vector<16xi32>
        %add3A_1431 = arith.constant 1948878966 : i32
        %add3A_1432 = vector.broadcast %add3A_1431 : i32 to vector<16xi32>
        %add3A_1433 = arith.addi %add3A_1422, %add3A_1432 : vector<16xi32>
        %add3A_1434 = arith.constant -57835448 : i32
        %add3A_1435 = vector.broadcast %add3A_1434 : i32 to vector<16xi32>
        %add3A_1436 = arith.addi %xor3A_1430, %add3A_1435 : vector<16xi32>
        %add3A_1437 = arith.constant 3 : i32
        %add3A_1438 = vector.broadcast %add3A_1437 : i32 to vector<16xi32>
        %add3A_1439 = arith.addi %add3A_1436, %add3A_1438 : vector<16xi32>
        %add3A_1440 = arith.addi %add3A_1433, %add3A_1439 : vector<16xi32>
        %shift_left3A_1441 = arith.constant 17 : i32
        %shift_left3A_1442 = vector.broadcast %shift_left3A_1441 : i32 to vector<16xi32>
        %shift_left3A_1443 = arith.shli %add3A_1439, %shift_left3A_1442 : vector<16xi32>
        %shift_right_logical3A_1444 = arith.constant 15 : i32
        %shift_right_logical3A_1445 = vector.broadcast %shift_right_logical3A_1444 : i32 to vector<16xi32>
        %shift_right_logical3A_1446 = arith.shrui %add3A_1439, %shift_right_logical3A_1445 : vector<16xi32>
        %or3A_1447 = arith.ori %shift_left3A_1443, %shift_right_logical3A_1446 : vector<16xi32>
        %xor3A_1448 = arith.xori %or3A_1447, %add3A_1440 : vector<16xi32>
        %add3A_1449 = arith.addi %add3A_1440, %xor3A_1448 : vector<16xi32>
        %shift_left3A_1450 = arith.constant 29 : i32
        %shift_left3A_1451 = vector.broadcast %shift_left3A_1450 : i32 to vector<16xi32>
        %shift_left3A_1452 = arith.shli %xor3A_1448, %shift_left3A_1451 : vector<16xi32>
        %shift_right_logical3A_1453 = arith.constant 3 : i32
        %shift_right_logical3A_1454 = vector.broadcast %shift_right_logical3A_1453 : i32 to vector<16xi32>
        %shift_right_logical3A_1455 = arith.shrui %xor3A_1448, %shift_right_logical3A_1454 : vector<16xi32>
        %or3A_1456 = arith.ori %shift_left3A_1452, %shift_right_logical3A_1455 : vector<16xi32>
        %xor3A_1457 = arith.xori %or3A_1456, %add3A_1449 : vector<16xi32>
        %add3A_1458 = arith.addi %add3A_1449, %xor3A_1457 : vector<16xi32>
        %shift_left3A_1459 = arith.constant 16 : i32
        %shift_left3A_1460 = vector.broadcast %shift_left3A_1459 : i32 to vector<16xi32>
        %shift_left3A_1461 = arith.shli %xor3A_1457, %shift_left3A_1460 : vector<16xi32>
        %shift_right_logical3A_1462 = arith.constant 16 : i32
        %shift_right_logical3A_1463 = vector.broadcast %shift_right_logical3A_1462 : i32 to vector<16xi32>
        %shift_right_logical3A_1464 = arith.shrui %xor3A_1457, %shift_right_logical3A_1463 : vector<16xi32>
        %or3A_1465 = arith.ori %shift_left3A_1461, %shift_right_logical3A_1464 : vector<16xi32>
        %xor3A_1466 = arith.xori %or3A_1465, %add3A_1458 : vector<16xi32>
        %add3A_1467 = arith.addi %add3A_1458, %xor3A_1466 : vector<16xi32>
        %shift_left3A_1468 = arith.constant 24 : i32
        %shift_left3A_1469 = vector.broadcast %shift_left3A_1468 : i32 to vector<16xi32>
        %shift_left3A_1470 = arith.shli %xor3A_1466, %shift_left3A_1469 : vector<16xi32>
        %shift_right_logical3A_1471 = arith.constant 8 : i32
        %shift_right_logical3A_1472 = vector.broadcast %shift_right_logical3A_1471 : i32 to vector<16xi32>
        %shift_right_logical3A_1473 = arith.shrui %xor3A_1466, %shift_right_logical3A_1472 : vector<16xi32>
        %or3A_1474 = arith.ori %shift_left3A_1470, %shift_right_logical3A_1473 : vector<16xi32>
        %xor3A_1475 = arith.xori %or3A_1474, %add3A_1467 : vector<16xi32>
        %add3A_1476 = arith.constant -57835448 : i32
        %add3A_1477 = vector.broadcast %add3A_1476 : i32 to vector<16xi32>
        %add3A_1478 = arith.addi %add3A_1467, %add3A_1477 : vector<16xi32>
        %add3A_1479 = arith.constant -1821043740 : i32
        %add3A_1480 = vector.broadcast %add3A_1479 : i32 to vector<16xi32>
        %add3A_1481 = arith.addi %xor3A_1475, %add3A_1480 : vector<16xi32>
        %add3A_1482 = arith.constant 4 : i32
        %add3A_1483 = vector.broadcast %add3A_1482 : i32 to vector<16xi32>
        %add3A_1484 = arith.addi %add3A_1481, %add3A_1483 : vector<16xi32>
        %add3A_1485 = arith.addi %add3A_1478, %add3A_1484 : vector<16xi32>
        %shift_left3A_1486 = arith.constant 13 : i32
        %shift_left3A_1487 = vector.broadcast %shift_left3A_1486 : i32 to vector<16xi32>
        %shift_left3A_1488 = arith.shli %add3A_1484, %shift_left3A_1487 : vector<16xi32>
        %shift_right_logical3A_1489 = arith.constant 19 : i32
        %shift_right_logical3A_1490 = vector.broadcast %shift_right_logical3A_1489 : i32 to vector<16xi32>
        %shift_right_logical3A_1491 = arith.shrui %add3A_1484, %shift_right_logical3A_1490 : vector<16xi32>
        %or3A_1492 = arith.ori %shift_left3A_1488, %shift_right_logical3A_1491 : vector<16xi32>
        %xor3A_1493 = arith.xori %or3A_1492, %add3A_1485 : vector<16xi32>
        %add3A_1494 = arith.addi %add3A_1485, %xor3A_1493 : vector<16xi32>
        %shift_left3A_1495 = arith.constant 15 : i32
        %shift_left3A_1496 = vector.broadcast %shift_left3A_1495 : i32 to vector<16xi32>
        %shift_left3A_1497 = arith.shli %xor3A_1493, %shift_left3A_1496 : vector<16xi32>
        %shift_right_logical3A_1498 = arith.constant 17 : i32
        %shift_right_logical3A_1499 = vector.broadcast %shift_right_logical3A_1498 : i32 to vector<16xi32>
        %shift_right_logical3A_1500 = arith.shrui %xor3A_1493, %shift_right_logical3A_1499 : vector<16xi32>
        %or3A_1501 = arith.ori %shift_left3A_1497, %shift_right_logical3A_1500 : vector<16xi32>
        %xor3A_1502 = arith.xori %or3A_1501, %add3A_1494 : vector<16xi32>
        %add3A_1503 = arith.addi %add3A_1494, %xor3A_1502 : vector<16xi32>
        %shift_left3A_1504 = arith.constant 26 : i32
        %shift_left3A_1505 = vector.broadcast %shift_left3A_1504 : i32 to vector<16xi32>
        %shift_left3A_1506 = arith.shli %xor3A_1502, %shift_left3A_1505 : vector<16xi32>
        %shift_right_logical3A_1507 = arith.constant 6 : i32
        %shift_right_logical3A_1508 = vector.broadcast %shift_right_logical3A_1507 : i32 to vector<16xi32>
        %shift_right_logical3A_1509 = arith.shrui %xor3A_1502, %shift_right_logical3A_1508 : vector<16xi32>
        %or3A_1510 = arith.ori %shift_left3A_1506, %shift_right_logical3A_1509 : vector<16xi32>
        %xor3A_1511 = arith.xori %or3A_1510, %add3A_1503 : vector<16xi32>
        %add3A_1512 = arith.addi %add3A_1503, %xor3A_1511 : vector<16xi32>
        %shift_left3A_1513 = arith.constant 6 : i32
        %shift_left3A_1514 = vector.broadcast %shift_left3A_1513 : i32 to vector<16xi32>
        %shift_left3A_1515 = arith.shli %xor3A_1511, %shift_left3A_1514 : vector<16xi32>
        %shift_right_logical3A_1516 = arith.constant 26 : i32
        %shift_right_logical3A_1517 = vector.broadcast %shift_right_logical3A_1516 : i32 to vector<16xi32>
        %shift_right_logical3A_1518 = arith.shrui %xor3A_1511, %shift_right_logical3A_1517 : vector<16xi32>
        %or3A_1519 = arith.ori %shift_left3A_1515, %shift_right_logical3A_1518 : vector<16xi32>
        %xor3A_1520 = arith.xori %or3A_1519, %add3A_1512 : vector<16xi32>
        %add3A_1521 = arith.constant -1821043740 : i32
        %add3A_1522 = vector.broadcast %add3A_1521 : i32 to vector<16xi32>
        %add3A_1523 = arith.addi %add3A_1512, %add3A_1522 : vector<16xi32>
        %add3A_1524 = arith.constant 1948878966 : i32
        %add3A_1525 = vector.broadcast %add3A_1524 : i32 to vector<16xi32>
        %add3A_1526 = arith.addi %xor3A_1520, %add3A_1525 : vector<16xi32>
        %add3A_1527 = arith.constant 5 : i32
        %add3A_1528 = vector.broadcast %add3A_1527 : i32 to vector<16xi32>
        %add3A_1529 = arith.addi %add3A_1526, %add3A_1528 : vector<16xi32>
        %xor3A_1530 = arith.xori %add3A_1523, %add3A_1529 : vector<16xi32>
        %shift_right_logical3A_1531 = arith.constant 9 : i32
        %shift_right_logical3A_1532 = vector.broadcast %shift_right_logical3A_1531 : i32 to vector<16xi32>
        %shift_right_logical3A_1533 = arith.shrui %xor3A_1530, %shift_right_logical3A_1532 : vector<16xi32>
        %or3A_1534 = arith.constant 1065353216 : i32
        %or3A_1535 = vector.broadcast %or3A_1534 : i32 to vector<16xi32>
        %or3A_1536 = arith.ori %shift_right_logical3A_1533, %or3A_1535 : vector<16xi32>
        %bitcast_convert_type3A_1537 = tpu.bitcast %or3A_1536 : vector<16xi32> -> vector<16xf32>
        %sub3A_1538 = arith.constant 1.000000e+00 : f32
        %sub3A_1539 = vector.broadcast %sub3A_1538 : f32 to vector<16xf32>
        %sub3A_1540 = arith.subf %bitcast_convert_type3A_1537, %sub3A_1539 : vector<16xf32>
        %mul3A_1541 = arith.constant 16 : i32
        %mul3A_1542 = arith.muli %mul3A_1541, %scan3A_1294 : i32
        %swap3A_1543 = arith.index_cast %mul3A_1542 : i32 to index
        %swap3A_1544 = tpu.vector_load %arg3[%swap3A_1543] {strides = array<i32>} : memref<30720xf32, #tpu.memory_space<vmem>>, vector<16xf32>,
        %swap3A_1545 = vector.shape_cast %swap3A_1544 : vector<16xf32> to vector<16xf32>
        %swap3A_1546 = vector.shape_cast %sub3A_1540 : vector<16xf32> to vector<16xf32>
        tpu.vector_store %arg3[%swap3A_1543], %swap3A_1546 {strides = array<i32>} : memref<30720xf32, #tpu.memory_space<vmem>>, vector<16xf32>,
        %scan3A_1547 = arith.constant 6 : i32
        %scan3A_1548 = arith.addi %scan3A_31, %scan3A_1547 : i32
        %mul3A_1549 = arith.constant 16 : i32
        %mul3A_1550 = arith.muli %mul3A_1549, %scan3A_1548 : i32
        %add3A_1551 = arith.addi %add3A_13, %mul3A_1550 : i32
        %add3A_1552 = vector.broadcast %add3A_1551 : i32 to vector<16xi32>
        %add3A_1553 = arith.addi %add3A_1552, %iota3A : vector<16xi32>
        %add3A_1554 = arith.constant -57835448 : i32
        %add3A_1555 = vector.broadcast %add3A_1554 : i32 to vector<16xi32>
        %add3A_1556 = arith.addi %add3A_1553, %add3A_1555 : vector<16xi32>
        %add3A_1557 = arith.constant 1948878966 : i32
        %add3A_1558 = vector.broadcast %add3A_1557 : i32 to vector<16xi32>
        %add3A_1559 = arith.addi %add3A_1558, %add3A_1556 : vector<16xi32>
        %shift_left3A_1560 = arith.constant 13 : i32
        %shift_left3A_1561 = vector.broadcast %shift_left3A_1560 : i32 to vector<16xi32>
        %shift_left3A_1562 = arith.shli %add3A_1556, %shift_left3A_1561 : vector<16xi32>
        %shift_right_logical3A_1563 = arith.constant 19 : i32
        %shift_right_logical3A_1564 = vector.broadcast %shift_right_logical3A_1563 : i32 to vector<16xi32>
        %shift_right_logical3A_1565 = arith.shrui %add3A_1556, %shift_right_logical3A_1564 : vector<16xi32>
        %or3A_1566 = arith.ori %shift_left3A_1562, %shift_right_logical3A_1565 : vector<16xi32>
        %xor3A_1567 = arith.xori %or3A_1566, %add3A_1559 : vector<16xi32>
        %add3A_1568 = arith.addi %add3A_1559, %xor3A_1567 : vector<16xi32>
        %shift_left3A_1569 = arith.constant 15 : i32
        %shift_left3A_1570 = vector.broadcast %shift_left3A_1569 : i32 to vector<16xi32>
        %shift_left3A_1571 = arith.shli %xor3A_1567, %shift_left3A_1570 : vector<16xi32>
        %shift_right_logical3A_1572 = arith.constant 17 : i32
        %shift_right_logical3A_1573 = vector.broadcast %shift_right_logical3A_1572 : i32 to vector<16xi32>
        %shift_right_logical3A_1574 = arith.shrui %xor3A_1567, %shift_right_logical3A_1573 : vector<16xi32>
        %or3A_1575 = arith.ori %shift_left3A_1571, %shift_right_logical3A_1574 : vector<16xi32>
        %xor3A_1576 = arith.xori %or3A_1575, %add3A_1568 : vector<16xi32>
        %add3A_1577 = arith.addi %add3A_1568, %xor3A_1576 : vector<16xi32>
        %shift_left3A_1578 = arith.constant 26 : i32
        %shift_left3A_1579 = vector.broadcast %shift_left3A_1578 : i32 to vector<16xi32>
        %shift_left3A_1580 = arith.shli %xor3A_1576, %shift_left3A_1579 : vector<16xi32>
        %shift_right_logical3A_1581 = arith.constant 6 : i32
        %shift_right_logical3A_1582 = vector.broadcast %shift_right_logical3A_1581 : i32 to vector<16xi32>
        %shift_right_logical3A_1583 = arith.shrui %xor3A_1576, %shift_right_logical3A_1582 : vector<16xi32>
        %or3A_1584 = arith.ori %shift_left3A_1580, %shift_right_logical3A_1583 : vector<16xi32>
        %xor3A_1585 = arith.xori %or3A_1584, %add3A_1577 : vector<16xi32>
        %add3A_1586 = arith.addi %add3A_1577, %xor3A_1585 : vector<16xi32>
        %shift_left3A_1587 = arith.constant 6 : i32
        %shift_left3A_1588 = vector.broadcast %shift_left3A_1587 : i32 to vector<16xi32>
        %shift_left3A_1589 = arith.shli %xor3A_1585, %shift_left3A_1588 : vector<16xi32>
        %shift_right_logical3A_1590 = arith.constant 26 : i32
        %shift_right_logical3A_1591 = vector.broadcast %shift_right_logical3A_1590 : i32 to vector<16xi32>
        %shift_right_logical3A_1592 = arith.shrui %xor3A_1585, %shift_right_logical3A_1591 : vector<16xi32>
        %or3A_1593 = arith.ori %shift_left3A_1589, %shift_right_logical3A_1592 : vector<16xi32>
        %xor3A_1594 = arith.xori %or3A_1593, %add3A_1586 : vector<16xi32>
        %add3A_1595 = arith.constant -57835448 : i32
        %add3A_1596 = vector.broadcast %add3A_1595 : i32 to vector<16xi32>
        %add3A_1597 = arith.addi %add3A_1586, %add3A_1596 : vector<16xi32>
        %add3A_1598 = arith.constant -1821043740 : i32
        %add3A_1599 = vector.broadcast %add3A_1598 : i32 to vector<16xi32>
        %add3A_1600 = arith.addi %xor3A_1594, %add3A_1599 : vector<16xi32>
        %add3A_1601 = arith.constant 1 : i32
        %add3A_1602 = vector.broadcast %add3A_1601 : i32 to vector<16xi32>
        %add3A_1603 = arith.addi %add3A_1600, %add3A_1602 : vector<16xi32>
        %add3A_1604 = arith.addi %add3A_1597, %add3A_1603 : vector<16xi32>
        %shift_left3A_1605 = arith.constant 17 : i32
        %shift_left3A_1606 = vector.broadcast %shift_left3A_1605 : i32 to vector<16xi32>
        %shift_left3A_1607 = arith.shli %add3A_1603, %shift_left3A_1606 : vector<16xi32>
        %shift_right_logical3A_1608 = arith.constant 15 : i32
        %shift_right_logical3A_1609 = vector.broadcast %shift_right_logical3A_1608 : i32 to vector<16xi32>
        %shift_right_logical3A_1610 = arith.shrui %add3A_1603, %shift_right_logical3A_1609 : vector<16xi32>
        %or3A_1611 = arith.ori %shift_left3A_1607, %shift_right_logical3A_1610 : vector<16xi32>
        %xor3A_1612 = arith.xori %or3A_1611, %add3A_1604 : vector<16xi32>
        %add3A_1613 = arith.addi %add3A_1604, %xor3A_1612 : vector<16xi32>
        %shift_left3A_1614 = arith.constant 29 : i32
        %shift_left3A_1615 = vector.broadcast %shift_left3A_1614 : i32 to vector<16xi32>
        %shift_left3A_1616 = arith.shli %xor3A_1612, %shift_left3A_1615 : vector<16xi32>
        %shift_right_logical3A_1617 = arith.constant 3 : i32
        %shift_right_logical3A_1618 = vector.broadcast %shift_right_logical3A_1617 : i32 to vector<16xi32>
        %shift_right_logical3A_1619 = arith.shrui %xor3A_1612, %shift_right_logical3A_1618 : vector<16xi32>
        %or3A_1620 = arith.ori %shift_left3A_1616, %shift_right_logical3A_1619 : vector<16xi32>
        %xor3A_1621 = arith.xori %or3A_1620, %add3A_1613 : vector<16xi32>
        %add3A_1622 = arith.addi %add3A_1613, %xor3A_1621 : vector<16xi32>
        %shift_left3A_1623 = arith.constant 16 : i32
        %shift_left3A_1624 = vector.broadcast %shift_left3A_1623 : i32 to vector<16xi32>
        %shift_left3A_1625 = arith.shli %xor3A_1621, %shift_left3A_1624 : vector<16xi32>
        %shift_right_logical3A_1626 = arith.constant 16 : i32
        %shift_right_logical3A_1627 = vector.broadcast %shift_right_logical3A_1626 : i32 to vector<16xi32>
        %shift_right_logical3A_1628 = arith.shrui %xor3A_1621, %shift_right_logical3A_1627 : vector<16xi32>
        %or3A_1629 = arith.ori %shift_left3A_1625, %shift_right_logical3A_1628 : vector<16xi32>
        %xor3A_1630 = arith.xori %or3A_1629, %add3A_1622 : vector<16xi32>
        %add3A_1631 = arith.addi %add3A_1622, %xor3A_1630 : vector<16xi32>
        %shift_left3A_1632 = arith.constant 24 : i32
        %shift_left3A_1633 = vector.broadcast %shift_left3A_1632 : i32 to vector<16xi32>
        %shift_left3A_1634 = arith.shli %xor3A_1630, %shift_left3A_1633 : vector<16xi32>
        %shift_right_logical3A_1635 = arith.constant 8 : i32
        %shift_right_logical3A_1636 = vector.broadcast %shift_right_logical3A_1635 : i32 to vector<16xi32>
        %shift_right_logical3A_1637 = arith.shrui %xor3A_1630, %shift_right_logical3A_1636 : vector<16xi32>
        %or3A_1638 = arith.ori %shift_left3A_1634, %shift_right_logical3A_1637 : vector<16xi32>
        %xor3A_1639 = arith.xori %or3A_1638, %add3A_1631 : vector<16xi32>
        %add3A_1640 = arith.constant -1821043740 : i32
        %add3A_1641 = vector.broadcast %add3A_1640 : i32 to vector<16xi32>
        %add3A_1642 = arith.addi %add3A_1631, %add3A_1641 : vector<16xi32>
        %add3A_1643 = arith.constant 1948878966 : i32
        %add3A_1644 = vector.broadcast %add3A_1643 : i32 to vector<16xi32>
        %add3A_1645 = arith.addi %xor3A_1639, %add3A_1644 : vector<16xi32>
        %add3A_1646 = arith.constant 2 : i32
        %add3A_1647 = vector.broadcast %add3A_1646 : i32 to vector<16xi32>
        %add3A_1648 = arith.addi %add3A_1645, %add3A_1647 : vector<16xi32>
        %add3A_1649 = arith.addi %add3A_1642, %add3A_1648 : vector<16xi32>
        %shift_left3A_1650 = arith.constant 13 : i32
        %shift_left3A_1651 = vector.broadcast %shift_left3A_1650 : i32 to vector<16xi32>
        %shift_left3A_1652 = arith.shli %add3A_1648, %shift_left3A_1651 : vector<16xi32>
        %shift_right_logical3A_1653 = arith.constant 19 : i32
        %shift_right_logical3A_1654 = vector.broadcast %shift_right_logical3A_1653 : i32 to vector<16xi32>
        %shift_right_logical3A_1655 = arith.shrui %add3A_1648, %shift_right_logical3A_1654 : vector<16xi32>
        %or3A_1656 = arith.ori %shift_left3A_1652, %shift_right_logical3A_1655 : vector<16xi32>
        %xor3A_1657 = arith.xori %or3A_1656, %add3A_1649 : vector<16xi32>
        %add3A_1658 = arith.addi %add3A_1649, %xor3A_1657 : vector<16xi32>
        %shift_left3A_1659 = arith.constant 15 : i32
        %shift_left3A_1660 = vector.broadcast %shift_left3A_1659 : i32 to vector<16xi32>
        %shift_left3A_1661 = arith.shli %xor3A_1657, %shift_left3A_1660 : vector<16xi32>
        %shift_right_logical3A_1662 = arith.constant 17 : i32
        %shift_right_logical3A_1663 = vector.broadcast %shift_right_logical3A_1662 : i32 to vector<16xi32>
        %shift_right_logical3A_1664 = arith.shrui %xor3A_1657, %shift_right_logical3A_1663 : vector<16xi32>
        %or3A_1665 = arith.ori %shift_left3A_1661, %shift_right_logical3A_1664 : vector<16xi32>
        %xor3A_1666 = arith.xori %or3A_1665, %add3A_1658 : vector<16xi32>
        %add3A_1667 = arith.addi %add3A_1658, %xor3A_1666 : vector<16xi32>
        %shift_left3A_1668 = arith.constant 26 : i32
        %shift_left3A_1669 = vector.broadcast %shift_left3A_1668 : i32 to vector<16xi32>
        %shift_left3A_1670 = arith.shli %xor3A_1666, %shift_left3A_1669 : vector<16xi32>
        %shift_right_logical3A_1671 = arith.constant 6 : i32
        %shift_right_logical3A_1672 = vector.broadcast %shift_right_logical3A_1671 : i32 to vector<16xi32>
        %shift_right_logical3A_1673 = arith.shrui %xor3A_1666, %shift_right_logical3A_1672 : vector<16xi32>
        %or3A_1674 = arith.ori %shift_left3A_1670, %shift_right_logical3A_1673 : vector<16xi32>
        %xor3A_1675 = arith.xori %or3A_1674, %add3A_1667 : vector<16xi32>
        %add3A_1676 = arith.addi %add3A_1667, %xor3A_1675 : vector<16xi32>
        %shift_left3A_1677 = arith.constant 6 : i32
        %shift_left3A_1678 = vector.broadcast %shift_left3A_1677 : i32 to vector<16xi32>
        %shift_left3A_1679 = arith.shli %xor3A_1675, %shift_left3A_1678 : vector<16xi32>
        %shift_right_logical3A_1680 = arith.constant 26 : i32
        %shift_right_logical3A_1681 = vector.broadcast %shift_right_logical3A_1680 : i32 to vector<16xi32>
        %shift_right_logical3A_1682 = arith.shrui %xor3A_1675, %shift_right_logical3A_1681 : vector<16xi32>
        %or3A_1683 = arith.ori %shift_left3A_1679, %shift_right_logical3A_1682 : vector<16xi32>
        %xor3A_1684 = arith.xori %or3A_1683, %add3A_1676 : vector<16xi32>
        %add3A_1685 = arith.constant 1948878966 : i32
        %add3A_1686 = vector.broadcast %add3A_1685 : i32 to vector<16xi32>
        %add3A_1687 = arith.addi %add3A_1676, %add3A_1686 : vector<16xi32>
        %add3A_1688 = arith.constant -57835448 : i32
        %add3A_1689 = vector.broadcast %add3A_1688 : i32 to vector<16xi32>
        %add3A_1690 = arith.addi %xor3A_1684, %add3A_1689 : vector<16xi32>
        %add3A_1691 = arith.constant 3 : i32
        %add3A_1692 = vector.broadcast %add3A_1691 : i32 to vector<16xi32>
        %add3A_1693 = arith.addi %add3A_1690, %add3A_1692 : vector<16xi32>
        %add3A_1694 = arith.addi %add3A_1687, %add3A_1693 : vector<16xi32>
        %shift_left3A_1695 = arith.constant 17 : i32
        %shift_left3A_1696 = vector.broadcast %shift_left3A_1695 : i32 to vector<16xi32>
        %shift_left3A_1697 = arith.shli %add3A_1693, %shift_left3A_1696 : vector<16xi32>
        %shift_right_logical3A_1698 = arith.constant 15 : i32
        %shift_right_logical3A_1699 = vector.broadcast %shift_right_logical3A_1698 : i32 to vector<16xi32>
        %shift_right_logical3A_1700 = arith.shrui %add3A_1693, %shift_right_logical3A_1699 : vector<16xi32>
        %or3A_1701 = arith.ori %shift_left3A_1697, %shift_right_logical3A_1700 : vector<16xi32>
        %xor3A_1702 = arith.xori %or3A_1701, %add3A_1694 : vector<16xi32>
        %add3A_1703 = arith.addi %add3A_1694, %xor3A_1702 : vector<16xi32>
        %shift_left3A_1704 = arith.constant 29 : i32
        %shift_left3A_1705 = vector.broadcast %shift_left3A_1704 : i32 to vector<16xi32>
        %shift_left3A_1706 = arith.shli %xor3A_1702, %shift_left3A_1705 : vector<16xi32>
        %shift_right_logical3A_1707 = arith.constant 3 : i32
        %shift_right_logical3A_1708 = vector.broadcast %shift_right_logical3A_1707 : i32 to vector<16xi32>
        %shift_right_logical3A_1709 = arith.shrui %xor3A_1702, %shift_right_logical3A_1708 : vector<16xi32>
        %or3A_1710 = arith.ori %shift_left3A_1706, %shift_right_logical3A_1709 : vector<16xi32>
        %xor3A_1711 = arith.xori %or3A_1710, %add3A_1703 : vector<16xi32>
        %add3A_1712 = arith.addi %add3A_1703, %xor3A_1711 : vector<16xi32>
        %shift_left3A_1713 = arith.constant 16 : i32
        %shift_left3A_1714 = vector.broadcast %shift_left3A_1713 : i32 to vector<16xi32>
        %shift_left3A_1715 = arith.shli %xor3A_1711, %shift_left3A_1714 : vector<16xi32>
        %shift_right_logical3A_1716 = arith.constant 16 : i32
        %shift_right_logical3A_1717 = vector.broadcast %shift_right_logical3A_1716 : i32 to vector<16xi32>
        %shift_right_logical3A_1718 = arith.shrui %xor3A_1711, %shift_right_logical3A_1717 : vector<16xi32>
        %or3A_1719 = arith.ori %shift_left3A_1715, %shift_right_logical3A_1718 : vector<16xi32>
        %xor3A_1720 = arith.xori %or3A_1719, %add3A_1712 : vector<16xi32>
        %add3A_1721 = arith.addi %add3A_1712, %xor3A_1720 : vector<16xi32>
        %shift_left3A_1722 = arith.constant 24 : i32
        %shift_left3A_1723 = vector.broadcast %shift_left3A_1722 : i32 to vector<16xi32>
        %shift_left3A_1724 = arith.shli %xor3A_1720, %shift_left3A_1723 : vector<16xi32>
        %shift_right_logical3A_1725 = arith.constant 8 : i32
        %shift_right_logical3A_1726 = vector.broadcast %shift_right_logical3A_1725 : i32 to vector<16xi32>
        %shift_right_logical3A_1727 = arith.shrui %xor3A_1720, %shift_right_logical3A_1726 : vector<16xi32>
        %or3A_1728 = arith.ori %shift_left3A_1724, %shift_right_logical3A_1727 : vector<16xi32>
        %xor3A_1729 = arith.xori %or3A_1728, %add3A_1721 : vector<16xi32>
        %add3A_1730 = arith.constant -57835448 : i32
        %add3A_1731 = vector.broadcast %add3A_1730 : i32 to vector<16xi32>
        %add3A_1732 = arith.addi %add3A_1721, %add3A_1731 : vector<16xi32>
        %add3A_1733 = arith.constant -1821043740 : i32
        %add3A_1734 = vector.broadcast %add3A_1733 : i32 to vector<16xi32>
        %add3A_1735 = arith.addi %xor3A_1729, %add3A_1734 : vector<16xi32>
        %add3A_1736 = arith.constant 4 : i32
        %add3A_1737 = vector.broadcast %add3A_1736 : i32 to vector<16xi32>
        %add3A_1738 = arith.addi %add3A_1735, %add3A_1737 : vector<16xi32>
        %add3A_1739 = arith.addi %add3A_1732, %add3A_1738 : vector<16xi32>
        %shift_left3A_1740 = arith.constant 13 : i32
        %shift_left3A_1741 = vector.broadcast %shift_left3A_1740 : i32 to vector<16xi32>
        %shift_left3A_1742 = arith.shli %add3A_1738, %shift_left3A_1741 : vector<16xi32>
        %shift_right_logical3A_1743 = arith.constant 19 : i32
        %shift_right_logical3A_1744 = vector.broadcast %shift_right_logical3A_1743 : i32 to vector<16xi32>
        %shift_right_logical3A_1745 = arith.shrui %add3A_1738, %shift_right_logical3A_1744 : vector<16xi32>
        %or3A_1746 = arith.ori %shift_left3A_1742, %shift_right_logical3A_1745 : vector<16xi32>
        %xor3A_1747 = arith.xori %or3A_1746, %add3A_1739 : vector<16xi32>
        %add3A_1748 = arith.addi %add3A_1739, %xor3A_1747 : vector<16xi32>
        %shift_left3A_1749 = arith.constant 15 : i32
        %shift_left3A_1750 = vector.broadcast %shift_left3A_1749 : i32 to vector<16xi32>
        %shift_left3A_1751 = arith.shli %xor3A_1747, %shift_left3A_1750 : vector<16xi32>
        %shift_right_logical3A_1752 = arith.constant 17 : i32
        %shift_right_logical3A_1753 = vector.broadcast %shift_right_logical3A_1752 : i32 to vector<16xi32>
        %shift_right_logical3A_1754 = arith.shrui %xor3A_1747, %shift_right_logical3A_1753 : vector<16xi32>
        %or3A_1755 = arith.ori %shift_left3A_1751, %shift_right_logical3A_1754 : vector<16xi32>
        %xor3A_1756 = arith.xori %or3A_1755, %add3A_1748 : vector<16xi32>
        %add3A_1757 = arith.addi %add3A_1748, %xor3A_1756 : vector<16xi32>
        %shift_left3A_1758 = arith.constant 26 : i32
        %shift_left3A_1759 = vector.broadcast %shift_left3A_1758 : i32 to vector<16xi32>
        %shift_left3A_1760 = arith.shli %xor3A_1756, %shift_left3A_1759 : vector<16xi32>
        %shift_right_logical3A_1761 = arith.constant 6 : i32
        %shift_right_logical3A_1762 = vector.broadcast %shift_right_logical3A_1761 : i32 to vector<16xi32>
        %shift_right_logical3A_1763 = arith.shrui %xor3A_1756, %shift_right_logical3A_1762 : vector<16xi32>
        %or3A_1764 = arith.ori %shift_left3A_1760, %shift_right_logical3A_1763 : vector<16xi32>
        %xor3A_1765 = arith.xori %or3A_1764, %add3A_1757 : vector<16xi32>
        %add3A_1766 = arith.addi %add3A_1757, %xor3A_1765 : vector<16xi32>
        %shift_left3A_1767 = arith.constant 6 : i32
        %shift_left3A_1768 = vector.broadcast %shift_left3A_1767 : i32 to vector<16xi32>
        %shift_left3A_1769 = arith.shli %xor3A_1765, %shift_left3A_1768 : vector<16xi32>
        %shift_right_logical3A_1770 = arith.constant 26 : i32
        %shift_right_logical3A_1771 = vector.broadcast %shift_right_logical3A_1770 : i32 to vector<16xi32>
        %shift_right_logical3A_1772 = arith.shrui %xor3A_1765, %shift_right_logical3A_1771 : vector<16xi32>
        %or3A_1773 = arith.ori %shift_left3A_1769, %shift_right_logical3A_1772 : vector<16xi32>
        %xor3A_1774 = arith.xori %or3A_1773, %add3A_1766 : vector<16xi32>
        %add3A_1775 = arith.constant -1821043740 : i32
        %add3A_1776 = vector.broadcast %add3A_1775 : i32 to vector<16xi32>
        %add3A_1777 = arith.addi %add3A_1766, %add3A_1776 : vector<16xi32>
        %add3A_1778 = arith.constant 1948878966 : i32
        %add3A_1779 = vector.broadcast %add3A_1778 : i32 to vector<16xi32>
        %add3A_1780 = arith.addi %xor3A_1774, %add3A_1779 : vector<16xi32>
        %add3A_1781 = arith.constant 5 : i32
        %add3A_1782 = vector.broadcast %add3A_1781 : i32 to vector<16xi32>
        %add3A_1783 = arith.addi %add3A_1780, %add3A_1782 : vector<16xi32>
        %xor3A_1784 = arith.xori %add3A_1777, %add3A_1783 : vector<16xi32>
        %shift_right_logical3A_1785 = arith.constant 9 : i32
        %shift_right_logical3A_1786 = vector.broadcast %shift_right_logical3A_1785 : i32 to vector<16xi32>
        %shift_right_logical3A_1787 = arith.shrui %xor3A_1784, %shift_right_logical3A_1786 : vector<16xi32>
        %or3A_1788 = arith.constant 1065353216 : i32
        %or3A_1789 = vector.broadcast %or3A_1788 : i32 to vector<16xi32>
        %or3A_1790 = arith.ori %shift_right_logical3A_1787, %or3A_1789 : vector<16xi32>
        %bitcast_convert_type3A_1791 = tpu.bitcast %or3A_1790 : vector<16xi32> -> vector<16xf32>
        %sub3A_1792 = arith.constant 1.000000e+00 : f32
        %sub3A_1793 = vector.broadcast %sub3A_1792 : f32 to vector<16xf32>
        %sub3A_1794 = arith.subf %bitcast_convert_type3A_1791, %sub3A_1793 : vector<16xf32>
        %mul3A_1795 = arith.constant 16 : i32
        %mul3A_1796 = arith.muli %mul3A_1795, %scan3A_1548 : i32
        %swap3A_1797 = arith.index_cast %mul3A_1796 : i32 to index
        %swap3A_1798 = tpu.vector_load %arg3[%swap3A_1797] {strides = array<i32>} : memref<30720xf32, #tpu.memory_space<vmem>>, vector<16xf32>,
        %swap3A_1799 = vector.shape_cast %swap3A_1798 : vector<16xf32> to vector<16xf32>
        %swap3A_1800 = vector.shape_cast %sub3A_1794 : vector<16xf32> to vector<16xf32>
        tpu.vector_store %arg3[%swap3A_1797], %swap3A_1800 {strides = array<i32>} : memref<30720xf32, #tpu.memory_space<vmem>>, vector<16xf32>,
        %scan3A_1801 = arith.constant 7 : i32
        %scan3A_1802 = arith.addi %scan3A_31, %scan3A_1801 : i32
        %mul3A_1803 = arith.constant 16 : i32
        %mul3A_1804 = arith.muli %mul3A_1803, %scan3A_1802 : i32
        %add3A_1805 = arith.addi %add3A_13, %mul3A_1804 : i32
        %add3A_1806 = vector.broadcast %add3A_1805 : i32 to vector<16xi32>
        %add3A_1807 = arith.addi %add3A_1806, %iota3A : vector<16xi32>
        %add3A_1808 = arith.constant -57835448 : i32
        %add3A_1809 = vector.broadcast %add3A_1808 : i32 to vector<16xi32>
        %add3A_1810 = arith.addi %add3A_1807, %add3A_1809 : vector<16xi32>
        %add3A_1811 = arith.constant 1948878966 : i32
        %add3A_1812 = vector.broadcast %add3A_1811 : i32 to vector<16xi32>
        %add3A_1813 = arith.addi %add3A_1812, %add3A_1810 : vector<16xi32>
        %shift_left3A_1814 = arith.constant 13 : i32
        %shift_left3A_1815 = vector.broadcast %shift_left3A_1814 : i32 to vector<16xi32>
        %shift_left3A_1816 = arith.shli %add3A_1810, %shift_left3A_1815 : vector<16xi32>
        %shift_right_logical3A_1817 = arith.constant 19 : i32
        %shift_right_logical3A_1818 = vector.broadcast %shift_right_logical3A_1817 : i32 to vector<16xi32>
        %shift_right_logical3A_1819 = arith.shrui %add3A_1810, %shift_right_logical3A_1818 : vector<16xi32>
        %or3A_1820 = arith.ori %shift_left3A_1816, %shift_right_logical3A_1819 : vector<16xi32>
        %xor3A_1821 = arith.xori %or3A_1820, %add3A_1813 : vector<16xi32>
        %add3A_1822 = arith.addi %add3A_1813, %xor3A_1821 : vector<16xi32>
        %shift_left3A_1823 = arith.constant 15 : i32
        %shift_left3A_1824 = vector.broadcast %shift_left3A_1823 : i32 to vector<16xi32>
        %shift_left3A_1825 = arith.shli %xor3A_1821, %shift_left3A_1824 : vector<16xi32>
        %shift_right_logical3A_1826 = arith.constant 17 : i32
        %shift_right_logical3A_1827 = vector.broadcast %shift_right_logical3A_1826 : i32 to vector<16xi32>
        %shift_right_logical3A_1828 = arith.shrui %xor3A_1821, %shift_right_logical3A_1827 : vector<16xi32>
        %or3A_1829 = arith.ori %shift_left3A_1825, %shift_right_logical3A_1828 : vector<16xi32>
        %xor3A_1830 = arith.xori %or3A_1829, %add3A_1822 : vector<16xi32>
        %add3A_1831 = arith.addi %add3A_1822, %xor3A_1830 : vector<16xi32>
        %shift_left3A_1832 = arith.constant 26 : i32
        %shift_left3A_1833 = vector.broadcast %shift_left3A_1832 : i32 to vector<16xi32>
        %shift_left3A_1834 = arith.shli %xor3A_1830, %shift_left3A_1833 : vector<16xi32>
        %shift_right_logical3A_1835 = arith.constant 6 : i32
        %shift_right_logical3A_1836 = vector.broadcast %shift_right_logical3A_1835 : i32 to vector<16xi32>
        %shift_right_logical3A_1837 = arith.shrui %xor3A_1830, %shift_right_logical3A_1836 : vector<16xi32>
        %or3A_1838 = arith.ori %shift_left3A_1834, %shift_right_logical3A_1837 : vector<16xi32>
        %xor3A_1839 = arith.xori %or3A_1838, %add3A_1831 : vector<16xi32>
        %add3A_1840 = arith.addi %add3A_1831, %xor3A_1839 : vector<16xi32>
        %shift_left3A_1841 = arith.constant 6 : i32
        %shift_left3A_1842 = vector.broadcast %shift_left3A_1841 : i32 to vector<16xi32>
        %shift_left3A_1843 = arith.shli %xor3A_1839, %shift_left3A_1842 : vector<16xi32>
        %shift_right_logical3A_1844 = arith.constant 26 : i32
        %shift_right_logical3A_1845 = vector.broadcast %shift_right_logical3A_1844 : i32 to vector<16xi32>
        %shift_right_logical3A_1846 = arith.shrui %xor3A_1839, %shift_right_logical3A_1845 : vector<16xi32>
        %or3A_1847 = arith.ori %shift_left3A_1843, %shift_right_logical3A_1846 : vector<16xi32>
        %xor3A_1848 = arith.xori %or3A_1847, %add3A_1840 : vector<16xi32>
        %add3A_1849 = arith.constant -57835448 : i32
        %add3A_1850 = vector.broadcast %add3A_1849 : i32 to vector<16xi32>
        %add3A_1851 = arith.addi %add3A_1840, %add3A_1850 : vector<16xi32>
        %add3A_1852 = arith.constant -1821043740 : i32
        %add3A_1853 = vector.broadcast %add3A_1852 : i32 to vector<16xi32>
        %add3A_1854 = arith.addi %xor3A_1848, %add3A_1853 : vector<16xi32>
        %add3A_1855 = arith.constant 1 : i32
        %add3A_1856 = vector.broadcast %add3A_1855 : i32 to vector<16xi32>
        %add3A_1857 = arith.addi %add3A_1854, %add3A_1856 : vector<16xi32>
        %add3A_1858 = arith.addi %add3A_1851, %add3A_1857 : vector<16xi32>
        %shift_left3A_1859 = arith.constant 17 : i32
        %shift_left3A_1860 = vector.broadcast %shift_left3A_1859 : i32 to vector<16xi32>
        %shift_left3A_1861 = arith.shli %add3A_1857, %shift_left3A_1860 : vector<16xi32>
        %shift_right_logical3A_1862 = arith.constant 15 : i32
        %shift_right_logical3A_1863 = vector.broadcast %shift_right_logical3A_1862 : i32 to vector<16xi32>
        %shift_right_logical3A_1864 = arith.shrui %add3A_1857, %shift_right_logical3A_1863 : vector<16xi32>
        %or3A_1865 = arith.ori %shift_left3A_1861, %shift_right_logical3A_1864 : vector<16xi32>
        %xor3A_1866 = arith.xori %or3A_1865, %add3A_1858 : vector<16xi32>
        %add3A_1867 = arith.addi %add3A_1858, %xor3A_1866 : vector<16xi32>
        %shift_left3A_1868 = arith.constant 29 : i32
        %shift_left3A_1869 = vector.broadcast %shift_left3A_1868 : i32 to vector<16xi32>
        %shift_left3A_1870 = arith.shli %xor3A_1866, %shift_left3A_1869 : vector<16xi32>
        %shift_right_logical3A_1871 = arith.constant 3 : i32
        %shift_right_logical3A_1872 = vector.broadcast %shift_right_logical3A_1871 : i32 to vector<16xi32>
        %shift_right_logical3A_1873 = arith.shrui %xor3A_1866, %shift_right_logical3A_1872 : vector<16xi32>
        %or3A_1874 = arith.ori %shift_left3A_1870, %shift_right_logical3A_1873 : vector<16xi32>
        %xor3A_1875 = arith.xori %or3A_1874, %add3A_1867 : vector<16xi32>
        %add3A_1876 = arith.addi %add3A_1867, %xor3A_1875 : vector<16xi32>
        %shift_left3A_1877 = arith.constant 16 : i32
        %shift_left3A_1878 = vector.broadcast %shift_left3A_1877 : i32 to vector<16xi32>
        %shift_left3A_1879 = arith.shli %xor3A_1875, %shift_left3A_1878 : vector<16xi32>
        %shift_right_logical3A_1880 = arith.constant 16 : i32
        %shift_right_logical3A_1881 = vector.broadcast %shift_right_logical3A_1880 : i32 to vector<16xi32>
        %shift_right_logical3A_1882 = arith.shrui %xor3A_1875, %shift_right_logical3A_1881 : vector<16xi32>
        %or3A_1883 = arith.ori %shift_left3A_1879, %shift_right_logical3A_1882 : vector<16xi32>
        %xor3A_1884 = arith.xori %or3A_1883, %add3A_1876 : vector<16xi32>
        %add3A_1885 = arith.addi %add3A_1876, %xor3A_1884 : vector<16xi32>
        %shift_left3A_1886 = arith.constant 24 : i32
        %shift_left3A_1887 = vector.broadcast %shift_left3A_1886 : i32 to vector<16xi32>
        %shift_left3A_1888 = arith.shli %xor3A_1884, %shift_left3A_1887 : vector<16xi32>
        %shift_right_logical3A_1889 = arith.constant 8 : i32
        %shift_right_logical3A_1890 = vector.broadcast %shift_right_logical3A_1889 : i32 to vector<16xi32>
        %shift_right_logical3A_1891 = arith.shrui %xor3A_1884, %shift_right_logical3A_1890 : vector<16xi32>
        %or3A_1892 = arith.ori %shift_left3A_1888, %shift_right_logical3A_1891 : vector<16xi32>
        %xor3A_1893 = arith.xori %or3A_1892, %add3A_1885 : vector<16xi32>
        %add3A_1894 = arith.constant -1821043740 : i32
        %add3A_1895 = vector.broadcast %add3A_1894 : i32 to vector<16xi32>
        %add3A_1896 = arith.addi %add3A_1885, %add3A_1895 : vector<16xi32>
        %add3A_1897 = arith.constant 1948878966 : i32
        %add3A_1898 = vector.broadcast %add3A_1897 : i32 to vector<16xi32>
        %add3A_1899 = arith.addi %xor3A_1893, %add3A_1898 : vector<16xi32>
        %add3A_1900 = arith.constant 2 : i32
        %add3A_1901 = vector.broadcast %add3A_1900 : i32 to vector<16xi32>
        %add3A_1902 = arith.addi %add3A_1899, %add3A_1901 : vector<16xi32>
        %add3A_1903 = arith.addi %add3A_1896, %add3A_1902 : vector<16xi32>
        %shift_left3A_1904 = arith.constant 13 : i32
        %shift_left3A_1905 = vector.broadcast %shift_left3A_1904 : i32 to vector<16xi32>
        %shift_left3A_1906 = arith.shli %add3A_1902, %shift_left3A_1905 : vector<16xi32>
        %shift_right_logical3A_1907 = arith.constant 19 : i32
        %shift_right_logical3A_1908 = vector.broadcast %shift_right_logical3A_1907 : i32 to vector<16xi32>
        %shift_right_logical3A_1909 = arith.shrui %add3A_1902, %shift_right_logical3A_1908 : vector<16xi32>
        %or3A_1910 = arith.ori %shift_left3A_1906, %shift_right_logical3A_1909 : vector<16xi32>
        %xor3A_1911 = arith.xori %or3A_1910, %add3A_1903 : vector<16xi32>
        %add3A_1912 = arith.addi %add3A_1903, %xor3A_1911 : vector<16xi32>
        %shift_left3A_1913 = arith.constant 15 : i32
        %shift_left3A_1914 = vector.broadcast %shift_left3A_1913 : i32 to vector<16xi32>
        %shift_left3A_1915 = arith.shli %xor3A_1911, %shift_left3A_1914 : vector<16xi32>
        %shift_right_logical3A_1916 = arith.constant 17 : i32
        %shift_right_logical3A_1917 = vector.broadcast %shift_right_logical3A_1916 : i32 to vector<16xi32>
        %shift_right_logical3A_1918 = arith.shrui %xor3A_1911, %shift_right_logical3A_1917 : vector<16xi32>
        %or3A_1919 = arith.ori %shift_left3A_1915, %shift_right_logical3A_1918 : vector<16xi32>
        %xor3A_1920 = arith.xori %or3A_1919, %add3A_1912 : vector<16xi32>
        %add3A_1921 = arith.addi %add3A_1912, %xor3A_1920 : vector<16xi32>
        %shift_left3A_1922 = arith.constant 26 : i32
        %shift_left3A_1923 = vector.broadcast %shift_left3A_1922 : i32 to vector<16xi32>
        %shift_left3A_1924 = arith.shli %xor3A_1920, %shift_left3A_1923 : vector<16xi32>
        %shift_right_logical3A_1925 = arith.constant 6 : i32
        %shift_right_logical3A_1926 = vector.broadcast %shift_right_logical3A_1925 : i32 to vector<16xi32>
        %shift_right_logical3A_1927 = arith.shrui %xor3A_1920, %shift_right_logical3A_1926 : vector<16xi32>
        %or3A_1928 = arith.ori %shift_left3A_1924, %shift_right_logical3A_1927 : vector<16xi32>
        %xor3A_1929 = arith.xori %or3A_1928, %add3A_1921 : vector<16xi32>
        %add3A_1930 = arith.addi %add3A_1921, %xor3A_1929 : vector<16xi32>
        %shift_left3A_1931 = arith.constant 6 : i32
        %shift_left3A_1932 = vector.broadcast %shift_left3A_1931 : i32 to vector<16xi32>
        %shift_left3A_1933 = arith.shli %xor3A_1929, %shift_left3A_1932 : vector<16xi32>
        %shift_right_logical3A_1934 = arith.constant 26 : i32
        %shift_right_logical3A_1935 = vector.broadcast %shift_right_logical3A_1934 : i32 to vector<16xi32>
        %shift_right_logical3A_1936 = arith.shrui %xor3A_1929, %shift_right_logical3A_1935 : vector<16xi32>
        %or3A_1937 = arith.ori %shift_left3A_1933, %shift_right_logical3A_1936 : vector<16xi32>
        %xor3A_1938 = arith.xori %or3A_1937, %add3A_1930 : vector<16xi32>
        %add3A_1939 = arith.constant 1948878966 : i32
        %add3A_1940 = vector.broadcast %add3A_1939 : i32 to vector<16xi32>
        %add3A_1941 = arith.addi %add3A_1930, %add3A_1940 : vector<16xi32>
        %add3A_1942 = arith.constant -57835448 : i32
        %add3A_1943 = vector.broadcast %add3A_1942 : i32 to vector<16xi32>
        %add3A_1944 = arith.addi %xor3A_1938, %add3A_1943 : vector<16xi32>
        %add3A_1945 = arith.constant 3 : i32
        %add3A_1946 = vector.broadcast %add3A_1945 : i32 to vector<16xi32>
        %add3A_1947 = arith.addi %add3A_1944, %add3A_1946 : vector<16xi32>
        %add3A_1948 = arith.addi %add3A_1941, %add3A_1947 : vector<16xi32>
        %shift_left3A_1949 = arith.constant 17 : i32
        %shift_left3A_1950 = vector.broadcast %shift_left3A_1949 : i32 to vector<16xi32>
        %shift_left3A_1951 = arith.shli %add3A_1947, %shift_left3A_1950 : vector<16xi32>
        %shift_right_logical3A_1952 = arith.constant 15 : i32
        %shift_right_logical3A_1953 = vector.broadcast %shift_right_logical3A_1952 : i32 to vector<16xi32>
        %shift_right_logical3A_1954 = arith.shrui %add3A_1947, %shift_right_logical3A_1953 : vector<16xi32>
        %or3A_1955 = arith.ori %shift_left3A_1951, %shift_right_logical3A_1954 : vector<16xi32>
        %xor3A_1956 = arith.xori %or3A_1955, %add3A_1948 : vector<16xi32>
        %add3A_1957 = arith.addi %add3A_1948, %xor3A_1956 : vector<16xi32>
        %shift_left3A_1958 = arith.constant 29 : i32
        %shift_left3A_1959 = vector.broadcast %shift_left3A_1958 : i32 to vector<16xi32>
        %shift_left3A_1960 = arith.shli %xor3A_1956, %shift_left3A_1959 : vector<16xi32>
        %shift_right_logical3A_1961 = arith.constant 3 : i32
        %shift_right_logical3A_1962 = vector.broadcast %shift_right_logical3A_1961 : i32 to vector<16xi32>
        %shift_right_logical3A_1963 = arith.shrui %xor3A_1956, %shift_right_logical3A_1962 : vector<16xi32>
        %or3A_1964 = arith.ori %shift_left3A_1960, %shift_right_logical3A_1963 : vector<16xi32>
        %xor3A_1965 = arith.xori %or3A_1964, %add3A_1957 : vector<16xi32>
        %add3A_1966 = arith.addi %add3A_1957, %xor3A_1965 : vector<16xi32>
        %shift_left3A_1967 = arith.constant 16 : i32
        %shift_left3A_1968 = vector.broadcast %shift_left3A_1967 : i32 to vector<16xi32>
        %shift_left3A_1969 = arith.shli %xor3A_1965, %shift_left3A_1968 : vector<16xi32>
        %shift_right_logical3A_1970 = arith.constant 16 : i32
        %shift_right_logical3A_1971 = vector.broadcast %shift_right_logical3A_1970 : i32 to vector<16xi32>
        %shift_right_logical3A_1972 = arith.shrui %xor3A_1965, %shift_right_logical3A_1971 : vector<16xi32>
        %or3A_1973 = arith.ori %shift_left3A_1969, %shift_right_logical3A_1972 : vector<16xi32>
        %xor3A_1974 = arith.xori %or3A_1973, %add3A_1966 : vector<16xi32>
        %add3A_1975 = arith.addi %add3A_1966, %xor3A_1974 : vector<16xi32>
        %shift_left3A_1976 = arith.constant 24 : i32
        %shift_left3A_1977 = vector.broadcast %shift_left3A_1976 : i32 to vector<16xi32>
        %shift_left3A_1978 = arith.shli %xor3A_1974, %shift_left3A_1977 : vector<16xi32>
        %shift_right_logical3A_1979 = arith.constant 8 : i32
        %shift_right_logical3A_1980 = vector.broadcast %shift_right_logical3A_1979 : i32 to vector<16xi32>
        %shift_right_logical3A_1981 = arith.shrui %xor3A_1974, %shift_right_logical3A_1980 : vector<16xi32>
        %or3A_1982 = arith.ori %shift_left3A_1978, %shift_right_logical3A_1981 : vector<16xi32>
        %xor3A_1983 = arith.xori %or3A_1982, %add3A_1975 : vector<16xi32>
        %add3A_1984 = arith.constant -57835448 : i32
        %add3A_1985 = vector.broadcast %add3A_1984 : i32 to vector<16xi32>
        %add3A_1986 = arith.addi %add3A_1975, %add3A_1985 : vector<16xi32>
        %add3A_1987 = arith.constant -1821043740 : i32
        %add3A_1988 = vector.broadcast %add3A_1987 : i32 to vector<16xi32>
        %add3A_1989 = arith.addi %xor3A_1983, %add3A_1988 : vector<16xi32>
        %add3A_1990 = arith.constant 4 : i32
        %add3A_1991 = vector.broadcast %add3A_1990 : i32 to vector<16xi32>
        %add3A_1992 = arith.addi %add3A_1989, %add3A_1991 : vector<16xi32>
        %add3A_1993 = arith.addi %add3A_1986, %add3A_1992 : vector<16xi32>
        %shift_left3A_1994 = arith.constant 13 : i32
        %shift_left3A_1995 = vector.broadcast %shift_left3A_1994 : i32 to vector<16xi32>
        %shift_left3A_1996 = arith.shli %add3A_1992, %shift_left3A_1995 : vector<16xi32>
        %shift_right_logical3A_1997 = arith.constant 19 : i32
        %shift_right_logical3A_1998 = vector.broadcast %shift_right_logical3A_1997 : i32 to vector<16xi32>
        %shift_right_logical3A_1999 = arith.shrui %add3A_1992, %shift_right_logical3A_1998 : vector<16xi32>
        %or3A_2000 = arith.ori %shift_left3A_1996, %shift_right_logical3A_1999 : vector<16xi32>
        %xor3A_2001 = arith.xori %or3A_2000, %add3A_1993 : vector<16xi32>
        %add3A_2002 = arith.addi %add3A_1993, %xor3A_2001 : vector<16xi32>
        %shift_left3A_2003 = arith.constant 15 : i32
        %shift_left3A_2004 = vector.broadcast %shift_left3A_2003 : i32 to vector<16xi32>
        %shift_left3A_2005 = arith.shli %xor3A_2001, %shift_left3A_2004 : vector<16xi32>
        %shift_right_logical3A_2006 = arith.constant 17 : i32
        %shift_right_logical3A_2007 = vector.broadcast %shift_right_logical3A_2006 : i32 to vector<16xi32>
        %shift_right_logical3A_2008 = arith.shrui %xor3A_2001, %shift_right_logical3A_2007 : vector<16xi32>
        %or3A_2009 = arith.ori %shift_left3A_2005, %shift_right_logical3A_2008 : vector<16xi32>
        %xor3A_2010 = arith.xori %or3A_2009, %add3A_2002 : vector<16xi32>
        %add3A_2011 = arith.addi %add3A_2002, %xor3A_2010 : vector<16xi32>
        %shift_left3A_2012 = arith.constant 26 : i32
        %shift_left3A_2013 = vector.broadcast %shift_left3A_2012 : i32 to vector<16xi32>
        %shift_left3A_2014 = arith.shli %xor3A_2010, %shift_left3A_2013 : vector<16xi32>
        %shift_right_logical3A_2015 = arith.constant 6 : i32
        %shift_right_logical3A_2016 = vector.broadcast %shift_right_logical3A_2015 : i32 to vector<16xi32>
        %shift_right_logical3A_2017 = arith.shrui %xor3A_2010, %shift_right_logical3A_2016 : vector<16xi32>
        %or3A_2018 = arith.ori %shift_left3A_2014, %shift_right_logical3A_2017 : vector<16xi32>
        %xor3A_2019 = arith.xori %or3A_2018, %add3A_2011 : vector<16xi32>
        %add3A_2020 = arith.addi %add3A_2011, %xor3A_2019 : vector<16xi32>
        %shift_left3A_2021 = arith.constant 6 : i32
        %shift_left3A_2022 = vector.broadcast %shift_left3A_2021 : i32 to vector<16xi32>
        %shift_left3A_2023 = arith.shli %xor3A_2019, %shift_left3A_2022 : vector<16xi32>
        %shift_right_logical3A_2024 = arith.constant 26 : i32
        %shift_right_logical3A_2025 = vector.broadcast %shift_right_logical3A_2024 : i32 to vector<16xi32>
        %shift_right_logical3A_2026 = arith.shrui %xor3A_2019, %shift_right_logical3A_2025 : vector<16xi32>
        %or3A_2027 = arith.ori %shift_left3A_2023, %shift_right_logical3A_2026 : vector<16xi32>
        %xor3A_2028 = arith.xori %or3A_2027, %add3A_2020 : vector<16xi32>
        %add3A_2029 = arith.constant -1821043740 : i32
        %add3A_2030 = vector.broadcast %add3A_2029 : i32 to vector<16xi32>
        %add3A_2031 = arith.addi %add3A_2020, %add3A_2030 : vector<16xi32>
        %add3A_2032 = arith.constant 1948878966 : i32
        %add3A_2033 = vector.broadcast %add3A_2032 : i32 to vector<16xi32>
        %add3A_2034 = arith.addi %xor3A_2028, %add3A_2033 : vector<16xi32>
        %add3A_2035 = arith.constant 5 : i32
        %add3A_2036 = vector.broadcast %add3A_2035 : i32 to vector<16xi32>
        %add3A_2037 = arith.addi %add3A_2034, %add3A_2036 : vector<16xi32>
        %xor3A_2038 = arith.xori %add3A_2031, %add3A_2037 : vector<16xi32>
        %shift_right_logical3A_2039 = arith.constant 9 : i32
        %shift_right_logical3A_2040 = vector.broadcast %shift_right_logical3A_2039 : i32 to vector<16xi32>
        %shift_right_logical3A_2041 = arith.shrui %xor3A_2038, %shift_right_logical3A_2040 : vector<16xi32>
        %or3A_2042 = arith.constant 1065353216 : i32
        %or3A_2043 = vector.broadcast %or3A_2042 : i32 to vector<16xi32>
        %or3A_2044 = arith.ori %shift_right_logical3A_2041, %or3A_2043 : vector<16xi32>
        %bitcast_convert_type3A_2045 = tpu.bitcast %or3A_2044 : vector<16xi32> -> vector<16xf32>
        %sub3A_2046 = arith.constant 1.000000e+00 : f32
        %sub3A_2047 = vector.broadcast %sub3A_2046 : f32 to vector<16xf32>
        %sub3A_2048 = arith.subf %bitcast_convert_type3A_2045, %sub3A_2047 : vector<16xf32>
        %mul3A_2049 = arith.constant 16 : i32
        %mul3A_2050 = arith.muli %mul3A_2049, %scan3A_1802 : i32
        %swap3A_2051 = arith.index_cast %mul3A_2050 : i32 to index
        %swap3A_2052 = tpu.vector_load %arg3[%swap3A_2051] {strides = array<i32>} : memref<30720xf32, #tpu.memory_space<vmem>>, vector<16xf32>,
        %swap3A_2053 = vector.shape_cast %swap3A_2052 : vector<16xf32> to vector<16xf32>
        %swap3A_2054 = vector.shape_cast %sub3A_2048 : vector<16xf32> to vector<16xf32>
        tpu.vector_store %arg3[%swap3A_2051], %swap3A_2054 {strides = array<i32>} : memref<30720xf32, #tpu.memory_space<vmem>>, vector<16xf32>,
      }
      %scan3A_19 = arith.constant 1920 : i32
      %add3A_20 = arith.addi %mul3A_2, %scan3A_8 : i32
      %dma_start3A = arith.constant 0 : i32
      %dma_start3A_21 = tpu.memref_slice %arg2[%add3A_20, %dma_start3A] : memref<512x30720xf32, #tpu.memory_space<hbm>> -> memref<1x30720xf32, #tpu.memory_space<hbm>>
      %dma_start3A_22 = tpu.memref_squeeze %dma_start3A_21 : memref<1x30720xf32, #tpu.memory_space<hbm>> -> memref<30720xf32, #tpu.memory_space<hbm>>
      %dma_start3A_23 = arith.constant 0 : i32
      %dma_start3A_24 = tpu.memref_slice %arg2[%add3A_20, %dma_start3A_23] : memref<512x30720xf32, #tpu.memory_space<hbm>> -> memref<1x30720xf32, #tpu.memory_space<hbm>>
      %dma_start3A_25 = tpu.memref_squeeze %dma_start3A_24 : memref<1x30720xf32, #tpu.memory_space<hbm>> -> memref<30720xf32, #tpu.memory_space<hbm>>
      tpu.enqueue_dma source(%arg3 : memref<30720xf32, #tpu.memory_space<vmem>>) target(%dma_start3A_25 : memref<30720xf32, #tpu.memory_space<hbm>>) target_semaphore(%arg4 : memref<!tpu.dma_semaphore, #tpu.memory_space<semaphore_mem>>)
      %dma_wait3A = arith.constant 0 : i32
      %dma_wait3A_26 = tpu.memref_slice %arg2[%add3A_20, %dma_wait3A] : memref<512x30720xf32, #tpu.memory_space<hbm>> -> memref<1x30720xf32, #tpu.memory_space<hbm>>
      %dma_wait3A_27 = tpu.memref_squeeze %dma_wait3A_26 : memref<1x30720xf32, #tpu.memory_space<hbm>> -> memref<30720xf32, #tpu.memory_space<hbm>>
      %dma_wait3A_28 = arith.constant 0 : i32
      %dma_wait3A_29 = tpu.memref_slice %arg2[%add3A_20, %dma_wait3A_28] : memref<512x30720xf32, #tpu.memory_space<hbm>> -> memref<1x30720xf32, #tpu.memory_space<hbm>>
      %dma_wait3A_30 = tpu.memref_squeeze %dma_wait3A_29 : memref<1x30720xf32, #tpu.memory_space<hbm>> -> memref<30720xf32, #tpu.memory_space<hbm>>
      tpu.wait_dma2 semaphore(%arg4 : memref<!tpu.dma_semaphore, #tpu.memory_space<semaphore_mem>>) src(%arg3 : memref<30720xf32, #tpu.memory_space<vmem>>) dst(%dma_wait3A_30 : memref<30720xf32, #tpu.memory_space<hbm>>)
    }
    %scan3A_7 = arith.constant 16 : i32
    return
  }
}

module attributes {stable_mosaic.version = 14 : i64} {
  func.func @_scan_b_body(%arg0: i32, %arg1: memref<512x128xi32, #tpu.memory_space<vmem>>, %arg2: memref<512x2048xf32, #tpu.memory_space<vmem>>, %arg3: memref<512x2048xf32, #tpu.memory_space<vmem>>, %arg4: memref<512x2048xf32, #tpu.memory_space<vmem>>, %arg5: memref<512x128xf32, #tpu.memory_space<vmem>>, %arg6: memref<512x128xi32, #tpu.memory_space<vmem>>, %arg7: memref<512x128xf32, #tpu.memory_space<vmem>>, %arg8: memref<512x128xf32, #tpu.memory_space<vmem>>, %arg9: memref<512x128xi32, #tpu.memory_space<vmem>>, %arg10: memref<512x128xf32, #tpu.memory_space<vmem>>, %arg11: memref<512x128xf32, #tpu.memory_space<vmem>>, %arg12: memref<512x128xf32, #tpu.memory_space<vmem>>, %arg13: memref<512x128xi32, #tpu.memory_space<vmem>>, %arg14: memref<512x128xf32, #tpu.memory_space<vmem>>, %arg15: memref<512x128xf32, #tpu.memory_space<vmem>>) attributes {dimension_semantics = [#tpu.dimension_semantics<arbitrary>], iteration_bounds = array<i64: 15>, scalar_prefetch = 0 : i64, scratch_operands = 4 : i64, tpu.core_type = #tpu.core_type<tc>, window_params = [{pipeline_mode = #tpu.pipeline_mode<synchronous>, transform_indices = @transform_0, window_bounds = array<i64: 512, 128>}, {transform_indices = @transform_1, window_bounds = array<i64: 512, 2048>}, {transform_indices = @transform_2, window_bounds = array<i64: 512, 2048>}, {transform_indices = @transform_3, window_bounds = array<i64: 512, 2048>}, {pipeline_mode = #tpu.pipeline_mode<synchronous>, transform_indices = @transform_4, window_bounds = array<i64: 512, 128>}, {pipeline_mode = #tpu.pipeline_mode<synchronous>, transform_indices = @transform_5, window_bounds = array<i64: 512, 128>}, {pipeline_mode = #tpu.pipeline_mode<synchronous>, transform_indices = @transform_6, window_bounds = array<i64: 512, 128>}, {pipeline_mode = #tpu.pipeline_mode<synchronous>, transform_indices = @transform_7, window_bounds = array<i64: 512, 128>}, {pipeline_mode = #tpu.pipeline_mode<synchronous>, transform_indices = @transform_8, window_bounds = array<i64: 512, 128>}, {pipeline_mode = #tpu.pipeline_mode<synchronous>, transform_indices = @transform_9, window_bounds = array<i64: 512, 128>}, {pipeline_mode = #tpu.pipeline_mode<synchronous>, transform_indices = @transform_10, window_bounds = array<i64: 512, 128>}]} {
    %eq3A = arith.constant 0 : i32
    %eq3A_0 = arith.cmpi eq, %arg0, %eq3A : i32
    %convert_element_type3A = arith.extui %eq3A_0 : i1 to i32
    %cond3A = arith.constant 0 : i32
    %cond3A_1 = arith.cmpi ne, %convert_element_type3A, %cond3A : i32
    scf.if %cond3A_1 {
      %get3A_83 = arith.constant 0 : index
      %get3A_84 = arith.constant 0 : index
      %get3A_85 = vector.load %arg5[%get3A_83, %get3A_84] : memref<512x128xf32, #tpu.memory_space<vmem>>, vector<512x128xf32>
      %swap3A_86 = arith.constant 0 : index
      %swap3A_87 = arith.constant 0 : index
      %swap3A_88 = vector.load %arg12[%swap3A_86, %swap3A_87] : memref<512x128xf32, #tpu.memory_space<vmem>>, vector<512x128xf32>
      tpu.vector_store %arg12[%swap3A_86, %swap3A_87], %get3A_85 {strides = array<i32>} : memref<512x128xf32, #tpu.memory_space<vmem>>, vector<512x128xf32>,
      %get3A_89 = arith.constant 0 : index
      %get3A_90 = arith.constant 0 : index
      %get3A_91 = vector.load %arg6[%get3A_89, %get3A_90] : memref<512x128xi32, #tpu.memory_space<vmem>>, vector<512x128xi32>
      %swap3A_92 = arith.constant 0 : index
      %swap3A_93 = arith.constant 0 : index
      %swap3A_94 = vector.load %arg13[%swap3A_92, %swap3A_93] : memref<512x128xi32, #tpu.memory_space<vmem>>, vector<512x128xi32>
      tpu.vector_store %arg13[%swap3A_92, %swap3A_93], %get3A_91 {strides = array<i32>} : memref<512x128xi32, #tpu.memory_space<vmem>>, vector<512x128xi32>,
      %get3A_95 = arith.constant 0 : index
      %get3A_96 = arith.constant 0 : index
      %get3A_97 = vector.load %arg7[%get3A_95, %get3A_96] : memref<512x128xf32, #tpu.memory_space<vmem>>, vector<512x128xf32>
      %swap3A_98 = arith.constant 0 : index
      %swap3A_99 = arith.constant 0 : index
      %swap3A_100 = vector.load %arg14[%swap3A_98, %swap3A_99] : memref<512x128xf32, #tpu.memory_space<vmem>>, vector<512x128xf32>
      tpu.vector_store %arg14[%swap3A_98, %swap3A_99], %get3A_97 {strides = array<i32>} : memref<512x128xf32, #tpu.memory_space<vmem>>, vector<512x128xf32>,
      %get3A_101 = arith.constant 0 : index
      %get3A_102 = arith.constant 0 : index
      %get3A_103 = vector.load %arg8[%get3A_101, %get3A_102] : memref<512x128xf32, #tpu.memory_space<vmem>>, vector<512x128xf32>
      %swap3A_104 = arith.constant 0 : index
      %swap3A_105 = arith.constant 0 : index
      %swap3A_106 = vector.load %arg15[%swap3A_104, %swap3A_105] : memref<512x128xf32, #tpu.memory_space<vmem>>, vector<512x128xf32>
      tpu.vector_store %arg15[%swap3A_104, %swap3A_105], %get3A_103 {strides = array<i32>} : memref<512x128xf32, #tpu.memory_space<vmem>>, vector<512x128xf32>,
    } else {
    }
    %iota3A = tpu.iota {dimensions = array<i32: 1>} : vector<512x2048xi32>
    %add3A = arith.constant 34 : i32
    %add3A_2 = arith.addi %add3A, %arg0 : i32
    %mul3A = arith.constant 2048 : i32
    %mul3A_3 = arith.muli %add3A_2, %mul3A : i32
    %add3A_4 = vector.broadcast %mul3A_3 : i32 to vector<512x2048xi32>
    %add3A_5 = arith.addi %iota3A, %add3A_4 : vector<512x2048xi32>
    %lt3A = arith.constant 100000 : i32
    %lt3A_6 = vector.broadcast %lt3A : i32 to vector<512x2048xi32>
    %lt3A_7 = arith.cmpi slt, %add3A_5, %lt3A_6 : vector<512x2048xi32>
    %get3A = arith.constant 0 : index
    %get3A_8 = arith.constant 0 : index
    %get3A_9 = vector.load %arg4[%get3A, %get3A_8] : memref<512x2048xf32, #tpu.memory_space<vmem>>, vector<512x2048xf32>
    %neg3A = arith.constant 0.000000e+00 : f32
    %neg3A_10 = vector.broadcast %neg3A : f32 to vector<512x2048xf32>
    %neg3A_11 = arith.subf %neg3A_10, %get3A_9 : vector<512x2048xf32>
    %log1p3A = math.log1p %neg3A_11 : vector<512x2048xf32>
    %neg3A_12 = arith.constant 0.000000e+00 : f32
    %neg3A_13 = vector.broadcast %neg3A_12 : f32 to vector<512x2048xf32>
    %neg3A_14 = arith.subf %neg3A_13, %log1p3A : vector<512x2048xf32>
    %get3A_15 = arith.constant 0 : index
    %get3A_16 = arith.constant 0 : index
    %get3A_17 = vector.load %arg2[%get3A_15, %get3A_16] : memref<512x2048xf32, #tpu.memory_space<vmem>>, vector<512x2048xf32>
    %get3A_18 = arith.constant 0 : index
    %get3A_19 = arith.constant 0 : index
    %get3A_20 = vector.load %arg3[%get3A_18, %get3A_19] : memref<512x2048xf32, #tpu.memory_space<vmem>>, vector<512x2048xf32>
    %sub3A = arith.subf %get3A_17, %get3A_20 : vector<512x2048xf32>
    %max3A = arith.constant 1.17549435E-38 : f32
    %max3A_21 = vector.broadcast %max3A : f32 to vector<512x2048xf32>
    %max3A_22 = arith.maximumf %sub3A, %max3A_21 : vector<512x2048xf32>
    %div3A = arith.divf %max3A_22, %neg3A_14 : vector<512x2048xf32>
    %jit3A = arith.constant -1.000000e+00 : f32
    %broadcast_in_dim3A = vector.broadcast %jit3A : f32 to vector<512x2048xf32>
    %select_n3A = arith.select %lt3A_7, %div3A, %broadcast_in_dim3A : vector<512x2048xi1>, vector<512x2048xf32>
    %reduce_max3A = arith.constant dense<0xFF800000> : vector<512xf32>
    %reduce_max3A_23 = vector.multi_reduction <maximumf>, %select_n3A, %reduce_max3A [1] : vector<512x2048xf32> to vector<512xf32>
    %broadcast_in_dim3A_24 = vector.shape_cast %reduce_max3A_23 : vector<512xf32> to vector<512x1xf32>
    %eq3A_25 = vector.broadcast %broadcast_in_dim3A_24 : vector<512x1xf32> to vector<512x2048xf32>
    %eq3A_26 = arith.cmpf oeq, %select_n3A, %eq3A_25 : vector<512x2048xf32>
    %jit3A_27 = arith.constant 1073741824 : i32
    %broadcast_in_dim3A_28 = vector.broadcast %jit3A_27 : i32 to vector<512x2048xi32>
    %select_n3A_29 = arith.select %eq3A_26, %add3A_5, %broadcast_in_dim3A_28 : vector<512x2048xi1>, vector<512x2048xi32>
    %reduce_min3A = arith.constant dense<2147483647> : vector<512xi32>
    %reduce_min3A_30 = vector.multi_reduction <minsi>, %select_n3A_29, %reduce_min3A [1] : vector<512x2048xi32> to vector<512xi32>
    %broadcast_in_dim3A_31 = vector.shape_cast %reduce_min3A_30 : vector<512xi32> to vector<512x1xi32>
    %get3A_32 = arith.constant 0 : index
    %get3A_33 = arith.constant 0 : index
    %get3A_34 = vector.load %arg1[%get3A_32, %get3A_33] : memref<512x128xi32, #tpu.memory_space<vmem>>, vector<512x1xi32>
    %eq3A_35 = vector.broadcast %get3A_34 : vector<512x1xi32> to vector<512x2048xi32>
    %eq3A_36 = arith.cmpi eq, %add3A_5, %eq3A_35 : vector<512x2048xi32>
    %jit3A_37 = arith.constant 0.000000e+00 : f32
    %broadcast_in_dim3A_38 = vector.broadcast %jit3A_37 : f32 to vector<512x2048xf32>
    %select_n3A_39 = arith.select %eq3A_36, %get3A_17, %broadcast_in_dim3A_38 : vector<512x2048xi1>, vector<512x2048xf32>
    %reduce_sum3A = arith.constant dense<0.000000e+00> : vector<512xf32>
    %reduce_sum3A_40 = vector.multi_reduction <add>, %select_n3A_39, %reduce_sum3A [1] : vector<512x2048xf32> to vector<512xf32>
    %broadcast_in_dim3A_41 = vector.shape_cast %reduce_sum3A_40 : vector<512xf32> to vector<512x1xf32>
    %jit3A_42 = arith.constant 0.000000e+00 : f32
    %broadcast_in_dim3A_43 = vector.broadcast %jit3A_42 : f32 to vector<512x2048xf32>
    %select_n3A_44 = arith.select %eq3A_36, %get3A_20, %broadcast_in_dim3A_43 : vector<512x2048xi1>, vector<512x2048xf32>
    %reduce_sum3A_45 = arith.constant dense<0.000000e+00> : vector<512xf32>
    %reduce_sum3A_46 = vector.multi_reduction <add>, %select_n3A_44, %reduce_sum3A_45 [1] : vector<512x2048xf32> to vector<512xf32>
    %broadcast_in_dim3A_47 = vector.shape_cast %reduce_sum3A_46 : vector<512xf32> to vector<512x1xf32>
    %get3A_48 = arith.constant 0 : index
    %get3A_49 = arith.constant 0 : index
    %get3A_50 = vector.load %arg12[%get3A_48, %get3A_49] : memref<512x128xf32, #tpu.memory_space<vmem>>, vector<512x1xf32>
    %gt3A = arith.cmpf ogt, %broadcast_in_dim3A_24, %get3A_50 : vector<512x1xf32>
    %get3A_51 = arith.constant 0 : index
    %get3A_52 = arith.constant 0 : index
    %get3A_53 = vector.load %arg12[%get3A_51, %get3A_52] : memref<512x128xf32, #tpu.memory_space<vmem>>, vector<512x1xf32>
    %select_n3A_54 = arith.select %gt3A, %broadcast_in_dim3A_24, %get3A_53 : vector<512x1xi1>, vector<512x1xf32>
    %swap3A = arith.constant 0 : index
    %swap3A_55 = arith.constant 0 : index
    %swap3A_56 = vector.load %arg12[%swap3A, %swap3A_55] : memref<512x128xf32, #tpu.memory_space<vmem>>, vector<512x1xf32>
    tpu.vector_store %arg12[%swap3A, %swap3A_55], %select_n3A_54 {strides = array<i32>} : memref<512x128xf32, #tpu.memory_space<vmem>>, vector<512x1xf32>,
    %get3A_57 = arith.constant 0 : index
    %get3A_58 = arith.constant 0 : index
    %get3A_59 = vector.load %arg13[%get3A_57, %get3A_58] : memref<512x128xi32, #tpu.memory_space<vmem>>, vector<512x1xi32>
    %select_n3A_60 = arith.select %gt3A, %broadcast_in_dim3A_31, %get3A_59 : vector<512x1xi1>, vector<512x1xi32>
    %swap3A_61 = arith.constant 0 : index
    %swap3A_62 = arith.constant 0 : index
    %swap3A_63 = vector.load %arg13[%swap3A_61, %swap3A_62] : memref<512x128xi32, #tpu.memory_space<vmem>>, vector<512x1xi32>
    tpu.vector_store %arg13[%swap3A_61, %swap3A_62], %select_n3A_60 {strides = array<i32>} : memref<512x128xi32, #tpu.memory_space<vmem>>, vector<512x1xi32>,
    %get3A_64 = arith.constant 0 : index
    %get3A_65 = arith.constant 0 : index
    %get3A_66 = vector.load %arg14[%get3A_64, %get3A_65] : memref<512x128xf32, #tpu.memory_space<vmem>>, vector<512x1xf32>
    %add3A_67 = arith.addf %get3A_66, %broadcast_in_dim3A_41 : vector<512x1xf32>
    %swap3A_68 = arith.constant 0 : index
    %swap3A_69 = arith.constant 0 : index
    %swap3A_70 = vector.load %arg14[%swap3A_68, %swap3A_69] : memref<512x128xf32, #tpu.memory_space<vmem>>, vector<512x1xf32>
    tpu.vector_store %arg14[%swap3A_68, %swap3A_69], %add3A_67 {strides = array<i32>} : memref<512x128xf32, #tpu.memory_space<vmem>>, vector<512x1xf32>,
    %get3A_71 = arith.constant 0 : index
    %get3A_72 = arith.constant 0 : index
    %get3A_73 = vector.load %arg15[%get3A_71, %get3A_72] : memref<512x128xf32, #tpu.memory_space<vmem>>, vector<512x1xf32>
    %add3A_74 = arith.addf %get3A_73, %broadcast_in_dim3A_47 : vector<512x1xf32>
    %swap3A_75 = arith.constant 0 : index
    %swap3A_76 = arith.constant 0 : index
    %swap3A_77 = vector.load %arg15[%swap3A_75, %swap3A_76] : memref<512x128xf32, #tpu.memory_space<vmem>>, vector<512x1xf32>
    tpu.vector_store %arg15[%swap3A_75, %swap3A_76], %add3A_74 {strides = array<i32>} : memref<512x128xf32, #tpu.memory_space<vmem>>, vector<512x1xf32>,
    %eq3A_78 = arith.constant 14 : i32
    %eq3A_79 = arith.cmpi eq, %arg0, %eq3A_78 : i32
    %convert_element_type3A_80 = arith.extui %eq3A_79 : i1 to i32
    %cond3A_81 = arith.constant 0 : i32
    %cond3A_82 = arith.cmpi ne, %convert_element_type3A_80, %cond3A_81 : i32
    scf.if %cond3A_82 {
      %get3A_83 = arith.constant 0 : index
      %get3A_84 = arith.constant 0 : index
      %get3A_85 = vector.load %arg13[%get3A_83, %get3A_84] : memref<512x128xi32, #tpu.memory_space<vmem>>, vector<512x128xi32>
      %swap3A_86 = arith.constant 0 : index
      %swap3A_87 = arith.constant 0 : index
      %swap3A_88 = vector.load %arg9[%swap3A_86, %swap3A_87] : memref<512x128xi32, #tpu.memory_space<vmem>>, vector<512x128xi32>
      tpu.vector_store %arg9[%swap3A_86, %swap3A_87], %get3A_85 {strides = array<i32>} : memref<512x128xi32, #tpu.memory_space<vmem>>, vector<512x128xi32>,
      %get3A_89 = arith.constant 0 : index
      %get3A_90 = arith.constant 0 : index
      %get3A_91 = vector.load %arg14[%get3A_89, %get3A_90] : memref<512x128xf32, #tpu.memory_space<vmem>>, vector<512x128xf32>
      %swap3A_92 = arith.constant 0 : index
      %swap3A_93 = arith.constant 0 : index
      %swap3A_94 = vector.load %arg10[%swap3A_92, %swap3A_93] : memref<512x128xf32, #tpu.memory_space<vmem>>, vector<512x128xf32>
      tpu.vector_store %arg10[%swap3A_92, %swap3A_93], %get3A_91 {strides = array<i32>} : memref<512x128xf32, #tpu.memory_space<vmem>>, vector<512x128xf32>,
      %get3A_95 = arith.constant 0 : index
      %get3A_96 = arith.constant 0 : index
      %get3A_97 = vector.load %arg15[%get3A_95, %get3A_96] : memref<512x128xf32, #tpu.memory_space<vmem>>, vector<512x128xf32>
      %swap3A_98 = arith.constant 0 : index
      %swap3A_99 = arith.constant 0 : index
      %swap3A_100 = vector.load %arg11[%swap3A_98, %swap3A_99] : memref<512x128xf32, #tpu.memory_space<vmem>>, vector<512x128xf32>
      tpu.vector_store %arg11[%swap3A_98, %swap3A_99], %get3A_97 {strides = array<i32>} : memref<512x128xf32, #tpu.memory_space<vmem>>, vector<512x128xf32>,
    } else {
    }
    return
  }
  func.func @transform_0(%arg0: i32) -> (i32, i32) {
    %c0_i32 = arith.constant 0 : i32
    %c0_i32_0 = arith.constant 0 : i32
    %c0_i32_1 = arith.constant 0 : i32
    return %c0_i32, %c0_i32_0 : i32, i32
  }
  func.func @transform_1(%arg0: i32) -> (i32, i32) {
    %add3A = arith.constant 34 : i32
    %add3A_0 = arith.addi %arg0, %add3A : i32
    %c0_i32 = arith.constant 0 : i32
    %c0_i32_1 = arith.constant 0 : i32
    return %c0_i32, %add3A_0 : i32, i32
  }
  func.func @transform_2(%arg0: i32) -> (i32, i32) {
    %add3A = arith.constant 34 : i32
    %add3A_0 = arith.addi %arg0, %add3A : i32
    %c0_i32 = arith.constant 0 : i32
    %c0_i32_1 = arith.constant 0 : i32
    return %c0_i32, %add3A_0 : i32, i32
  }
  func.func @transform_3(%arg0: i32) -> (i32, i32) {
    %c0_i32 = arith.constant 0 : i32
    %c0_i32_0 = arith.constant 0 : i32
    return %c0_i32, %arg0 : i32, i32
  }
  func.func @transform_4(%arg0: i32) -> (i32, i32) {
    %c0_i32 = arith.constant 0 : i32
    %c0_i32_0 = arith.constant 0 : i32
    %c0_i32_1 = arith.constant 0 : i32
    return %c0_i32, %c0_i32_0 : i32, i32
  }
  func.func @transform_5(%arg0: i32) -> (i32, i32) {
    %c0_i32 = arith.constant 0 : i32
    %c0_i32_0 = arith.constant 0 : i32
    %c0_i32_1 = arith.constant 0 : i32
    return %c0_i32, %c0_i32_0 : i32, i32
  }
  func.func @transform_6(%arg0: i32) -> (i32, i32) {
    %c0_i32 = arith.constant 0 : i32
    %c0_i32_0 = arith.constant 0 : i32
    %c0_i32_1 = arith.constant 0 : i32
    return %c0_i32, %c0_i32_0 : i32, i32
  }
  func.func @transform_7(%arg0: i32) -> (i32, i32) {
    %c0_i32 = arith.constant 0 : i32
    %c0_i32_0 = arith.constant 0 : i32
    %c0_i32_1 = arith.constant 0 : i32
    return %c0_i32, %c0_i32_0 : i32, i32
  }
  func.func @transform_8(%arg0: i32) -> (i32, i32) {
    %c0_i32 = arith.constant 0 : i32
    %c0_i32_0 = arith.constant 0 : i32
    %c0_i32_1 = arith.constant 0 : i32
    return %c0_i32, %c0_i32_0 : i32, i32
  }
  func.func @transform_9(%arg0: i32) -> (i32, i32) {
    %c0_i32 = arith.constant 0 : i32
    %c0_i32_0 = arith.constant 0 : i32
    %c0_i32_1 = arith.constant 0 : i32
    return %c0_i32, %c0_i32_0 : i32, i32
  }
  func.func @transform_10(%arg0: i32) -> (i32, i32) {
    %c0_i32 = arith.constant 0 : i32
    %c0_i32_0 = arith.constant 0 : i32
    %c0_i32_1 = arith.constant 0 : i32
    return %c0_i32, %c0_i32_0 : i32, i32
  }
}

module attributes {stable_mosaic.version = 14 : i64} {
  func.func @_scan_a_body(%arg0: i32, %arg1: memref<512x128xi32, #tpu.memory_space<vmem>>, %arg2: memref<2xi32, #tpu.memory_space<smem>>, %arg3: memref<512x2048xf32, #tpu.memory_space<vmem>>, %arg4: memref<512x2048xf32, #tpu.memory_space<vmem>>, %arg5: memref<512x128xf32, #tpu.memory_space<vmem>>, %arg6: memref<512x128xi32, #tpu.memory_space<vmem>>, %arg7: memref<512x128xf32, #tpu.memory_space<vmem>>, %arg8: memref<512x128xf32, #tpu.memory_space<vmem>>, %arg9: memref<512x128xf32, #tpu.memory_space<vmem>>, %arg10: memref<512x128xi32, #tpu.memory_space<vmem>>, %arg11: memref<512x128xf32, #tpu.memory_space<vmem>>, %arg12: memref<512x128xf32, #tpu.memory_space<vmem>>) attributes {dimension_semantics = [#tpu.dimension_semantics<arbitrary>], iteration_bounds = array<i64: 34>, scalar_prefetch = 0 : i64, scratch_operands = 4 : i64, tpu.core_type = #tpu.core_type<tc>, window_params = [{pipeline_mode = #tpu.pipeline_mode<synchronous>, transform_indices = @transform_0, window_bounds = array<i64: 512, 128>}, {transform_indices = @transform_1, window_bounds = array<i64: 2>}, {transform_indices = @transform_2, window_bounds = array<i64: 512, 2048>}, {transform_indices = @transform_3, window_bounds = array<i64: 512, 2048>}, {pipeline_mode = #tpu.pipeline_mode<synchronous>, transform_indices = @transform_4, window_bounds = array<i64: 512, 128>}, {pipeline_mode = #tpu.pipeline_mode<synchronous>, transform_indices = @transform_5, window_bounds = array<i64: 512, 128>}, {pipeline_mode = #tpu.pipeline_mode<synchronous>, transform_indices = @transform_6, window_bounds = array<i64: 512, 128>}, {pipeline_mode = #tpu.pipeline_mode<synchronous>, transform_indices = @transform_7, window_bounds = array<i64: 512, 128>}]} {
    %eq3A = arith.constant 0 : i32
    %eq3A_0 = arith.cmpi eq, %arg0, %eq3A : i32
    %convert_element_type3A = arith.extui %eq3A_0 : i1 to i32
    %cond3A = arith.constant 0 : i32
    %cond3A_1 = arith.cmpi ne, %convert_element_type3A, %cond3A : i32
    scf.if %cond3A_1 {
      %broadcast_in_dim3A_311 = arith.constant 0xFF800000 : f32
      %broadcast_in_dim3A_312 = vector.broadcast %broadcast_in_dim3A_311 : f32 to vector<512x128xf32>
      %swap3A_313 = arith.constant 0 : index
      %swap3A_314 = arith.constant 0 : index
      %swap3A_315 = vector.load %arg9[%swap3A_313, %swap3A_314] : memref<512x128xf32, #tpu.memory_space<vmem>>, vector<512x128xf32>
      tpu.vector_store %arg9[%swap3A_313, %swap3A_314], %broadcast_in_dim3A_312 {strides = array<i32>} : memref<512x128xf32, #tpu.memory_space<vmem>>, vector<512x128xf32>,
      %broadcast_in_dim3A_316 = arith.constant 0 : i32
      %broadcast_in_dim3A_317 = vector.broadcast %broadcast_in_dim3A_316 : i32 to vector<512x128xi32>
      %swap3A_318 = arith.constant 0 : index
      %swap3A_319 = arith.constant 0 : index
      %swap3A_320 = vector.load %arg10[%swap3A_318, %swap3A_319] : memref<512x128xi32, #tpu.memory_space<vmem>>, vector<512x128xi32>
      tpu.vector_store %arg10[%swap3A_318, %swap3A_319], %broadcast_in_dim3A_317 {strides = array<i32>} : memref<512x128xi32, #tpu.memory_space<vmem>>, vector<512x128xi32>,
      %broadcast_in_dim3A_321 = arith.constant 0.000000e+00 : f32
      %broadcast_in_dim3A_322 = vector.broadcast %broadcast_in_dim3A_321 : f32 to vector<512x128xf32>
      %swap3A_323 = arith.constant 0 : index
      %swap3A_324 = arith.constant 0 : index
      %swap3A_325 = vector.load %arg11[%swap3A_323, %swap3A_324] : memref<512x128xf32, #tpu.memory_space<vmem>>, vector<512x128xf32>
      tpu.vector_store %arg11[%swap3A_323, %swap3A_324], %broadcast_in_dim3A_322 {strides = array<i32>} : memref<512x128xf32, #tpu.memory_space<vmem>>, vector<512x128xf32>,
      %broadcast_in_dim3A_326 = arith.constant 0.000000e+00 : f32
      %broadcast_in_dim3A_327 = vector.broadcast %broadcast_in_dim3A_326 : f32 to vector<512x128xf32>
      %swap3A_328 = arith.constant 0 : index
      %swap3A_329 = arith.constant 0 : index
      %swap3A_330 = vector.load %arg12[%swap3A_328, %swap3A_329] : memref<512x128xf32, #tpu.memory_space<vmem>>, vector<512x128xf32>
      tpu.vector_store %arg12[%swap3A_328, %swap3A_329], %broadcast_in_dim3A_327 {strides = array<i32>} : memref<512x128xf32, #tpu.memory_space<vmem>>, vector<512x128xf32>,
    } else {
    }
    %iota3A = tpu.iota {dimensions = array<i32: 1>} : vector<512x2048xi32>
    %mul3A = arith.constant 2048 : i32
    %mul3A_2 = arith.muli %arg0, %mul3A : i32
    %add3A = vector.broadcast %mul3A_2 : i32 to vector<512x2048xi32>
    %add3A_3 = arith.addi %iota3A, %add3A : vector<512x2048xi32>
    %iota3A_4 = tpu.iota {dimensions = array<i32: 0>} : vector<512x2048xi32>
    %mul3A_5 = arith.constant 100000 : i32
    %mul3A_6 = vector.broadcast %mul3A_5 : i32 to vector<512x2048xi32>
    %mul3A_7 = arith.muli %iota3A_4, %mul3A_6 : vector<512x2048xi32>
    %add3A_8 = arith.addi %mul3A_7, %add3A_3 : vector<512x2048xi32>
    %get3A = arith.constant 0 : index
    %get3A_9 = memref.load %arg2[%get3A] : memref<2xi32, #tpu.memory_space<smem>>
    %get3A_10 = arith.constant 1 : index
    %get3A_11 = memref.load %arg2[%get3A_10] : memref<2xi32, #tpu.memory_space<smem>>
    %xor3A = arith.xori %get3A_9, %get3A_11 : i32
    %xor3A_12 = arith.constant 466688986 : i32
    %xor3A_13 = arith.xori %xor3A, %xor3A_12 : i32
    %add3A_14 = arith.constant 0 : i32
    %add3A_15 = arith.addi %add3A_14, %get3A_9 : i32
    %add3A_16 = vector.broadcast %get3A_11 : i32 to vector<512x2048xi32>
    %add3A_17 = arith.addi %add3A_8, %add3A_16 : vector<512x2048xi32>
    %add3A_18 = vector.broadcast %add3A_15 : i32 to vector<512x2048xi32>
    %add3A_19 = arith.addi %add3A_18, %add3A_17 : vector<512x2048xi32>
    %shift_left3A = arith.constant 13 : i32
    %shift_left3A_20 = vector.broadcast %shift_left3A : i32 to vector<512x2048xi32>
    %shift_left3A_21 = arith.shli %add3A_17, %shift_left3A_20 : vector<512x2048xi32>
    %shift_right_logical3A = arith.constant 19 : i32
    %shift_right_logical3A_22 = vector.broadcast %shift_right_logical3A : i32 to vector<512x2048xi32>
    %shift_right_logical3A_23 = arith.shrui %add3A_17, %shift_right_logical3A_22 : vector<512x2048xi32>
    %or3A = arith.ori %shift_left3A_21, %shift_right_logical3A_23 : vector<512x2048xi32>
    %xor3A_24 = arith.xori %or3A, %add3A_19 : vector<512x2048xi32>
    %add3A_25 = arith.addi %add3A_19, %xor3A_24 : vector<512x2048xi32>
    %shift_left3A_26 = arith.constant 15 : i32
    %shift_left3A_27 = vector.broadcast %shift_left3A_26 : i32 to vector<512x2048xi32>
    %shift_left3A_28 = arith.shli %xor3A_24, %shift_left3A_27 : vector<512x2048xi32>
    %shift_right_logical3A_29 = arith.constant 17 : i32
    %shift_right_logical3A_30 = vector.broadcast %shift_right_logical3A_29 : i32 to vector<512x2048xi32>
    %shift_right_logical3A_31 = arith.shrui %xor3A_24, %shift_right_logical3A_30 : vector<512x2048xi32>
    %or3A_32 = arith.ori %shift_left3A_28, %shift_right_logical3A_31 : vector<512x2048xi32>
    %xor3A_33 = arith.xori %or3A_32, %add3A_25 : vector<512x2048xi32>
    %add3A_34 = arith.addi %add3A_25, %xor3A_33 : vector<512x2048xi32>
    %shift_left3A_35 = arith.constant 26 : i32
    %shift_left3A_36 = vector.broadcast %shift_left3A_35 : i32 to vector<512x2048xi32>
    %shift_left3A_37 = arith.shli %xor3A_33, %shift_left3A_36 : vector<512x2048xi32>
    %shift_right_logical3A_38 = arith.constant 6 : i32
    %shift_right_logical3A_39 = vector.broadcast %shift_right_logical3A_38 : i32 to vector<512x2048xi32>
    %shift_right_logical3A_40 = arith.shrui %xor3A_33, %shift_right_logical3A_39 : vector<512x2048xi32>
    %or3A_41 = arith.ori %shift_left3A_37, %shift_right_logical3A_40 : vector<512x2048xi32>
    %xor3A_42 = arith.xori %or3A_41, %add3A_34 : vector<512x2048xi32>
    %add3A_43 = arith.addi %add3A_34, %xor3A_42 : vector<512x2048xi32>
    %shift_left3A_44 = arith.constant 6 : i32
    %shift_left3A_45 = vector.broadcast %shift_left3A_44 : i32 to vector<512x2048xi32>
    %shift_left3A_46 = arith.shli %xor3A_42, %shift_left3A_45 : vector<512x2048xi32>
    %shift_right_logical3A_47 = arith.constant 26 : i32
    %shift_right_logical3A_48 = vector.broadcast %shift_right_logical3A_47 : i32 to vector<512x2048xi32>
    %shift_right_logical3A_49 = arith.shrui %xor3A_42, %shift_right_logical3A_48 : vector<512x2048xi32>
    %or3A_50 = arith.ori %shift_left3A_46, %shift_right_logical3A_49 : vector<512x2048xi32>
    %xor3A_51 = arith.xori %or3A_50, %add3A_43 : vector<512x2048xi32>
    %add3A_52 = vector.broadcast %get3A_11 : i32 to vector<512x2048xi32>
    %add3A_53 = arith.addi %add3A_43, %add3A_52 : vector<512x2048xi32>
    %add3A_54 = vector.broadcast %xor3A_13 : i32 to vector<512x2048xi32>
    %add3A_55 = arith.addi %xor3A_51, %add3A_54 : vector<512x2048xi32>
    %add3A_56 = arith.constant 1 : i32
    %add3A_57 = vector.broadcast %add3A_56 : i32 to vector<512x2048xi32>
    %add3A_58 = arith.addi %add3A_55, %add3A_57 : vector<512x2048xi32>
    %add3A_59 = arith.addi %add3A_53, %add3A_58 : vector<512x2048xi32>
    %shift_left3A_60 = arith.constant 17 : i32
    %shift_left3A_61 = vector.broadcast %shift_left3A_60 : i32 to vector<512x2048xi32>
    %shift_left3A_62 = arith.shli %add3A_58, %shift_left3A_61 : vector<512x2048xi32>
    %shift_right_logical3A_63 = arith.constant 15 : i32
    %shift_right_logical3A_64 = vector.broadcast %shift_right_logical3A_63 : i32 to vector<512x2048xi32>
    %shift_right_logical3A_65 = arith.shrui %add3A_58, %shift_right_logical3A_64 : vector<512x2048xi32>
    %or3A_66 = arith.ori %shift_left3A_62, %shift_right_logical3A_65 : vector<512x2048xi32>
    %xor3A_67 = arith.xori %or3A_66, %add3A_59 : vector<512x2048xi32>
    %add3A_68 = arith.addi %add3A_59, %xor3A_67 : vector<512x2048xi32>
    %shift_left3A_69 = arith.constant 29 : i32
    %shift_left3A_70 = vector.broadcast %shift_left3A_69 : i32 to vector<512x2048xi32>
    %shift_left3A_71 = arith.shli %xor3A_67, %shift_left3A_70 : vector<512x2048xi32>
    %shift_right_logical3A_72 = arith.constant 3 : i32
    %shift_right_logical3A_73 = vector.broadcast %shift_right_logical3A_72 : i32 to vector<512x2048xi32>
    %shift_right_logical3A_74 = arith.shrui %xor3A_67, %shift_right_logical3A_73 : vector<512x2048xi32>
    %or3A_75 = arith.ori %shift_left3A_71, %shift_right_logical3A_74 : vector<512x2048xi32>
    %xor3A_76 = arith.xori %or3A_75, %add3A_68 : vector<512x2048xi32>
    %add3A_77 = arith.addi %add3A_68, %xor3A_76 : vector<512x2048xi32>
    %shift_left3A_78 = arith.constant 16 : i32
    %shift_left3A_79 = vector.broadcast %shift_left3A_78 : i32 to vector<512x2048xi32>
    %shift_left3A_80 = arith.shli %xor3A_76, %shift_left3A_79 : vector<512x2048xi32>
    %shift_right_logical3A_81 = arith.constant 16 : i32
    %shift_right_logical3A_82 = vector.broadcast %shift_right_logical3A_81 : i32 to vector<512x2048xi32>
    %shift_right_logical3A_83 = arith.shrui %xor3A_76, %shift_right_logical3A_82 : vector<512x2048xi32>
    %or3A_84 = arith.ori %shift_left3A_80, %shift_right_logical3A_83 : vector<512x2048xi32>
    %xor3A_85 = arith.xori %or3A_84, %add3A_77 : vector<512x2048xi32>
    %add3A_86 = arith.addi %add3A_77, %xor3A_85 : vector<512x2048xi32>
    %shift_left3A_87 = arith.constant 24 : i32
    %shift_left3A_88 = vector.broadcast %shift_left3A_87 : i32 to vector<512x2048xi32>
    %shift_left3A_89 = arith.shli %xor3A_85, %shift_left3A_88 : vector<512x2048xi32>
    %shift_right_logical3A_90 = arith.constant 8 : i32
    %shift_right_logical3A_91 = vector.broadcast %shift_right_logical3A_90 : i32 to vector<512x2048xi32>
    %shift_right_logical3A_92 = arith.shrui %xor3A_85, %shift_right_logical3A_91 : vector<512x2048xi32>
    %or3A_93 = arith.ori %shift_left3A_89, %shift_right_logical3A_92 : vector<512x2048xi32>
    %xor3A_94 = arith.xori %or3A_93, %add3A_86 : vector<512x2048xi32>
    %add3A_95 = vector.broadcast %xor3A_13 : i32 to vector<512x2048xi32>
    %add3A_96 = arith.addi %add3A_86, %add3A_95 : vector<512x2048xi32>
    %add3A_97 = vector.broadcast %get3A_9 : i32 to vector<512x2048xi32>
    %add3A_98 = arith.addi %xor3A_94, %add3A_97 : vector<512x2048xi32>
    %add3A_99 = arith.constant 2 : i32
    %add3A_100 = vector.broadcast %add3A_99 : i32 to vector<512x2048xi32>
    %add3A_101 = arith.addi %add3A_98, %add3A_100 : vector<512x2048xi32>
    %add3A_102 = arith.addi %add3A_96, %add3A_101 : vector<512x2048xi32>
    %shift_left3A_103 = arith.constant 13 : i32
    %shift_left3A_104 = vector.broadcast %shift_left3A_103 : i32 to vector<512x2048xi32>
    %shift_left3A_105 = arith.shli %add3A_101, %shift_left3A_104 : vector<512x2048xi32>
    %shift_right_logical3A_106 = arith.constant 19 : i32
    %shift_right_logical3A_107 = vector.broadcast %shift_right_logical3A_106 : i32 to vector<512x2048xi32>
    %shift_right_logical3A_108 = arith.shrui %add3A_101, %shift_right_logical3A_107 : vector<512x2048xi32>
    %or3A_109 = arith.ori %shift_left3A_105, %shift_right_logical3A_108 : vector<512x2048xi32>
    %xor3A_110 = arith.xori %or3A_109, %add3A_102 : vector<512x2048xi32>
    %add3A_111 = arith.addi %add3A_102, %xor3A_110 : vector<512x2048xi32>
    %shift_left3A_112 = arith.constant 15 : i32
    %shift_left3A_113 = vector.broadcast %shift_left3A_112 : i32 to vector<512x2048xi32>
    %shift_left3A_114 = arith.shli %xor3A_110, %shift_left3A_113 : vector<512x2048xi32>
    %shift_right_logical3A_115 = arith.constant 17 : i32
    %shift_right_logical3A_116 = vector.broadcast %shift_right_logical3A_115 : i32 to vector<512x2048xi32>
    %shift_right_logical3A_117 = arith.shrui %xor3A_110, %shift_right_logical3A_116 : vector<512x2048xi32>
    %or3A_118 = arith.ori %shift_left3A_114, %shift_right_logical3A_117 : vector<512x2048xi32>
    %xor3A_119 = arith.xori %or3A_118, %add3A_111 : vector<512x2048xi32>
    %add3A_120 = arith.addi %add3A_111, %xor3A_119 : vector<512x2048xi32>
    %shift_left3A_121 = arith.constant 26 : i32
    %shift_left3A_122 = vector.broadcast %shift_left3A_121 : i32 to vector<512x2048xi32>
    %shift_left3A_123 = arith.shli %xor3A_119, %shift_left3A_122 : vector<512x2048xi32>
    %shift_right_logical3A_124 = arith.constant 6 : i32
    %shift_right_logical3A_125 = vector.broadcast %shift_right_logical3A_124 : i32 to vector<512x2048xi32>
    %shift_right_logical3A_126 = arith.shrui %xor3A_119, %shift_right_logical3A_125 : vector<512x2048xi32>
    %or3A_127 = arith.ori %shift_left3A_123, %shift_right_logical3A_126 : vector<512x2048xi32>
    %xor3A_128 = arith.xori %or3A_127, %add3A_120 : vector<512x2048xi32>
    %add3A_129 = arith.addi %add3A_120, %xor3A_128 : vector<512x2048xi32>
    %shift_left3A_130 = arith.constant 6 : i32
    %shift_left3A_131 = vector.broadcast %shift_left3A_130 : i32 to vector<512x2048xi32>
    %shift_left3A_132 = arith.shli %xor3A_128, %shift_left3A_131 : vector<512x2048xi32>
    %shift_right_logical3A_133 = arith.constant 26 : i32
    %shift_right_logical3A_134 = vector.broadcast %shift_right_logical3A_133 : i32 to vector<512x2048xi32>
    %shift_right_logical3A_135 = arith.shrui %xor3A_128, %shift_right_logical3A_134 : vector<512x2048xi32>
    %or3A_136 = arith.ori %shift_left3A_132, %shift_right_logical3A_135 : vector<512x2048xi32>
    %xor3A_137 = arith.xori %or3A_136, %add3A_129 : vector<512x2048xi32>
    %add3A_138 = vector.broadcast %get3A_9 : i32 to vector<512x2048xi32>
    %add3A_139 = arith.addi %add3A_129, %add3A_138 : vector<512x2048xi32>
    %add3A_140 = vector.broadcast %get3A_11 : i32 to vector<512x2048xi32>
    %add3A_141 = arith.addi %xor3A_137, %add3A_140 : vector<512x2048xi32>
    %add3A_142 = arith.constant 3 : i32
    %add3A_143 = vector.broadcast %add3A_142 : i32 to vector<512x2048xi32>
    %add3A_144 = arith.addi %add3A_141, %add3A_143 : vector<512x2048xi32>
    %add3A_145 = arith.addi %add3A_139, %add3A_144 : vector<512x2048xi32>
    %shift_left3A_146 = arith.constant 17 : i32
    %shift_left3A_147 = vector.broadcast %shift_left3A_146 : i32 to vector<512x2048xi32>
    %shift_left3A_148 = arith.shli %add3A_144, %shift_left3A_147 : vector<512x2048xi32>
    %shift_right_logical3A_149 = arith.constant 15 : i32
    %shift_right_logical3A_150 = vector.broadcast %shift_right_logical3A_149 : i32 to vector<512x2048xi32>
    %shift_right_logical3A_151 = arith.shrui %add3A_144, %shift_right_logical3A_150 : vector<512x2048xi32>
    %or3A_152 = arith.ori %shift_left3A_148, %shift_right_logical3A_151 : vector<512x2048xi32>
    %xor3A_153 = arith.xori %or3A_152, %add3A_145 : vector<512x2048xi32>
    %add3A_154 = arith.addi %add3A_145, %xor3A_153 : vector<512x2048xi32>
    %shift_left3A_155 = arith.constant 29 : i32
    %shift_left3A_156 = vector.broadcast %shift_left3A_155 : i32 to vector<512x2048xi32>
    %shift_left3A_157 = arith.shli %xor3A_153, %shift_left3A_156 : vector<512x2048xi32>
    %shift_right_logical3A_158 = arith.constant 3 : i32
    %shift_right_logical3A_159 = vector.broadcast %shift_right_logical3A_158 : i32 to vector<512x2048xi32>
    %shift_right_logical3A_160 = arith.shrui %xor3A_153, %shift_right_logical3A_159 : vector<512x2048xi32>
    %or3A_161 = arith.ori %shift_left3A_157, %shift_right_logical3A_160 : vector<512x2048xi32>
    %xor3A_162 = arith.xori %or3A_161, %add3A_154 : vector<512x2048xi32>
    %add3A_163 = arith.addi %add3A_154, %xor3A_162 : vector<512x2048xi32>
    %shift_left3A_164 = arith.constant 16 : i32
    %shift_left3A_165 = vector.broadcast %shift_left3A_164 : i32 to vector<512x2048xi32>
    %shift_left3A_166 = arith.shli %xor3A_162, %shift_left3A_165 : vector<512x2048xi32>
    %shift_right_logical3A_167 = arith.constant 16 : i32
    %shift_right_logical3A_168 = vector.broadcast %shift_right_logical3A_167 : i32 to vector<512x2048xi32>
    %shift_right_logical3A_169 = arith.shrui %xor3A_162, %shift_right_logical3A_168 : vector<512x2048xi32>
    %or3A_170 = arith.ori %shift_left3A_166, %shift_right_logical3A_169 : vector<512x2048xi32>
    %xor3A_171 = arith.xori %or3A_170, %add3A_163 : vector<512x2048xi32>
    %add3A_172 = arith.addi %add3A_163, %xor3A_171 : vector<512x2048xi32>
    %shift_left3A_173 = arith.constant 24 : i32
    %shift_left3A_174 = vector.broadcast %shift_left3A_173 : i32 to vector<512x2048xi32>
    %shift_left3A_175 = arith.shli %xor3A_171, %shift_left3A_174 : vector<512x2048xi32>
    %shift_right_logical3A_176 = arith.constant 8 : i32
    %shift_right_logical3A_177 = vector.broadcast %shift_right_logical3A_176 : i32 to vector<512x2048xi32>
    %shift_right_logical3A_178 = arith.shrui %xor3A_171, %shift_right_logical3A_177 : vector<512x2048xi32>
    %or3A_179 = arith.ori %shift_left3A_175, %shift_right_logical3A_178 : vector<512x2048xi32>
    %xor3A_180 = arith.xori %or3A_179, %add3A_172 : vector<512x2048xi32>
    %add3A_181 = vector.broadcast %get3A_11 : i32 to vector<512x2048xi32>
    %add3A_182 = arith.addi %add3A_172, %add3A_181 : vector<512x2048xi32>
    %add3A_183 = vector.broadcast %xor3A_13 : i32 to vector<512x2048xi32>
    %add3A_184 = arith.addi %xor3A_180, %add3A_183 : vector<512x2048xi32>
    %add3A_185 = arith.constant 4 : i32
    %add3A_186 = vector.broadcast %add3A_185 : i32 to vector<512x2048xi32>
    %add3A_187 = arith.addi %add3A_184, %add3A_186 : vector<512x2048xi32>
    %add3A_188 = arith.addi %add3A_182, %add3A_187 : vector<512x2048xi32>
    %shift_left3A_189 = arith.constant 13 : i32
    %shift_left3A_190 = vector.broadcast %shift_left3A_189 : i32 to vector<512x2048xi32>
    %shift_left3A_191 = arith.shli %add3A_187, %shift_left3A_190 : vector<512x2048xi32>
    %shift_right_logical3A_192 = arith.constant 19 : i32
    %shift_right_logical3A_193 = vector.broadcast %shift_right_logical3A_192 : i32 to vector<512x2048xi32>
    %shift_right_logical3A_194 = arith.shrui %add3A_187, %shift_right_logical3A_193 : vector<512x2048xi32>
    %or3A_195 = arith.ori %shift_left3A_191, %shift_right_logical3A_194 : vector<512x2048xi32>
    %xor3A_196 = arith.xori %or3A_195, %add3A_188 : vector<512x2048xi32>
    %add3A_197 = arith.addi %add3A_188, %xor3A_196 : vector<512x2048xi32>
    %shift_left3A_198 = arith.constant 15 : i32
    %shift_left3A_199 = vector.broadcast %shift_left3A_198 : i32 to vector<512x2048xi32>
    %shift_left3A_200 = arith.shli %xor3A_196, %shift_left3A_199 : vector<512x2048xi32>
    %shift_right_logical3A_201 = arith.constant 17 : i32
    %shift_right_logical3A_202 = vector.broadcast %shift_right_logical3A_201 : i32 to vector<512x2048xi32>
    %shift_right_logical3A_203 = arith.shrui %xor3A_196, %shift_right_logical3A_202 : vector<512x2048xi32>
    %or3A_204 = arith.ori %shift_left3A_200, %shift_right_logical3A_203 : vector<512x2048xi32>
    %xor3A_205 = arith.xori %or3A_204, %add3A_197 : vector<512x2048xi32>
    %add3A_206 = arith.addi %add3A_197, %xor3A_205 : vector<512x2048xi32>
    %shift_left3A_207 = arith.constant 26 : i32
    %shift_left3A_208 = vector.broadcast %shift_left3A_207 : i32 to vector<512x2048xi32>
    %shift_left3A_209 = arith.shli %xor3A_205, %shift_left3A_208 : vector<512x2048xi32>
    %shift_right_logical3A_210 = arith.constant 6 : i32
    %shift_right_logical3A_211 = vector.broadcast %shift_right_logical3A_210 : i32 to vector<512x2048xi32>
    %shift_right_logical3A_212 = arith.shrui %xor3A_205, %shift_right_logical3A_211 : vector<512x2048xi32>
    %or3A_213 = arith.ori %shift_left3A_209, %shift_right_logical3A_212 : vector<512x2048xi32>
    %xor3A_214 = arith.xori %or3A_213, %add3A_206 : vector<512x2048xi32>
    %add3A_215 = arith.addi %add3A_206, %xor3A_214 : vector<512x2048xi32>
    %shift_left3A_216 = arith.constant 6 : i32
    %shift_left3A_217 = vector.broadcast %shift_left3A_216 : i32 to vector<512x2048xi32>
    %shift_left3A_218 = arith.shli %xor3A_214, %shift_left3A_217 : vector<512x2048xi32>
    %shift_right_logical3A_219 = arith.constant 26 : i32
    %shift_right_logical3A_220 = vector.broadcast %shift_right_logical3A_219 : i32 to vector<512x2048xi32>
    %shift_right_logical3A_221 = arith.shrui %xor3A_214, %shift_right_logical3A_220 : vector<512x2048xi32>
    %or3A_222 = arith.ori %shift_left3A_218, %shift_right_logical3A_221 : vector<512x2048xi32>
    %xor3A_223 = arith.xori %or3A_222, %add3A_215 : vector<512x2048xi32>
    %add3A_224 = vector.broadcast %xor3A_13 : i32 to vector<512x2048xi32>
    %add3A_225 = arith.addi %add3A_215, %add3A_224 : vector<512x2048xi32>
    %add3A_226 = vector.broadcast %get3A_9 : i32 to vector<512x2048xi32>
    %add3A_227 = arith.addi %xor3A_223, %add3A_226 : vector<512x2048xi32>
    %add3A_228 = arith.constant 5 : i32
    %add3A_229 = vector.broadcast %add3A_228 : i32 to vector<512x2048xi32>
    %add3A_230 = arith.addi %add3A_227, %add3A_229 : vector<512x2048xi32>
    %xor3A_231 = arith.xori %add3A_225, %add3A_230 : vector<512x2048xi32>
    %shift_right_logical3A_232 = arith.constant 9 : i32
    %shift_right_logical3A_233 = vector.broadcast %shift_right_logical3A_232 : i32 to vector<512x2048xi32>
    %shift_right_logical3A_234 = arith.shrui %xor3A_231, %shift_right_logical3A_233 : vector<512x2048xi32>
    %or3A_235 = arith.constant 1065353216 : i32
    %or3A_236 = vector.broadcast %or3A_235 : i32 to vector<512x2048xi32>
    %or3A_237 = arith.ori %shift_right_logical3A_234, %or3A_236 : vector<512x2048xi32>
    %bitcast_convert_type3A = tpu.bitcast %or3A_237 : vector<512x2048xi32> -> vector<512x2048xf32>
    %sub3A = arith.constant 1.000000e+00 : f32
    %sub3A_238 = vector.broadcast %sub3A : f32 to vector<512x2048xf32>
    %sub3A_239 = arith.subf %bitcast_convert_type3A, %sub3A_238 : vector<512x2048xf32>
    %neg3A = arith.constant 0.000000e+00 : f32
    %neg3A_240 = vector.broadcast %neg3A : f32 to vector<512x2048xf32>
    %neg3A_241 = arith.subf %neg3A_240, %sub3A_239 : vector<512x2048xf32>
    %log1p3A = math.log1p %neg3A_241 : vector<512x2048xf32>
    %neg3A_242 = arith.constant 0.000000e+00 : f32
    %neg3A_243 = vector.broadcast %neg3A_242 : f32 to vector<512x2048xf32>
    %neg3A_244 = arith.subf %neg3A_243, %log1p3A : vector<512x2048xf32>
    %get3A_245 = arith.constant 0 : index
    %get3A_246 = arith.constant 0 : index
    %get3A_247 = vector.load %arg3[%get3A_245, %get3A_246] : memref<512x2048xf32, #tpu.memory_space<vmem>>, vector<512x2048xf32>
    %get3A_248 = arith.constant 0 : index
    %get3A_249 = arith.constant 0 : index
    %get3A_250 = vector.load %arg4[%get3A_248, %get3A_249] : memref<512x2048xf32, #tpu.memory_space<vmem>>, vector<512x2048xf32>
    %sub3A_251 = arith.subf %get3A_247, %get3A_250 : vector<512x2048xf32>
    %max3A = arith.constant 1.17549435E-38 : f32
    %max3A_252 = vector.broadcast %max3A : f32 to vector<512x2048xf32>
    %max3A_253 = arith.maximumf %sub3A_251, %max3A_252 : vector<512x2048xf32>
    %div3A = arith.divf %max3A_253, %neg3A_244 : vector<512x2048xf32>
    %reduce_max3A = arith.constant dense<0xFF800000> : vector<512xf32>
    %reduce_max3A_254 = vector.multi_reduction <maximumf>, %div3A, %reduce_max3A [1] : vector<512x2048xf32> to vector<512xf32>
    %broadcast_in_dim3A = vector.shape_cast %reduce_max3A_254 : vector<512xf32> to vector<512x1xf32>
    %eq3A_255 = vector.broadcast %broadcast_in_dim3A : vector<512x1xf32> to vector<512x2048xf32>
    %eq3A_256 = arith.cmpf oeq, %div3A, %eq3A_255 : vector<512x2048xf32>
    %jit3A = arith.constant 1073741824 : i32
    %broadcast_in_dim3A_257 = vector.broadcast %jit3A : i32 to vector<512x2048xi32>
    %select_n3A = arith.select %eq3A_256, %add3A_3, %broadcast_in_dim3A_257 : vector<512x2048xi1>, vector<512x2048xi32>
    %reduce_min3A = arith.constant dense<2147483647> : vector<512xi32>
    %reduce_min3A_258 = vector.multi_reduction <minsi>, %select_n3A, %reduce_min3A [1] : vector<512x2048xi32> to vector<512xi32>
    %broadcast_in_dim3A_259 = vector.shape_cast %reduce_min3A_258 : vector<512xi32> to vector<512x1xi32>
    %get3A_260 = arith.constant 0 : index
    %get3A_261 = arith.constant 0 : index
    %get3A_262 = vector.load %arg1[%get3A_260, %get3A_261] : memref<512x128xi32, #tpu.memory_space<vmem>>, vector<512x1xi32>
    %eq3A_263 = vector.broadcast %get3A_262 : vector<512x1xi32> to vector<512x2048xi32>
    %eq3A_264 = arith.cmpi eq, %add3A_3, %eq3A_263 : vector<512x2048xi32>
    %jit3A_265 = arith.constant 0.000000e+00 : f32
    %broadcast_in_dim3A_266 = vector.broadcast %jit3A_265 : f32 to vector<512x2048xf32>
    %select_n3A_267 = arith.select %eq3A_264, %get3A_247, %broadcast_in_dim3A_266 : vector<512x2048xi1>, vector<512x2048xf32>
    %reduce_sum3A = arith.constant dense<0.000000e+00> : vector<512xf32>
    %reduce_sum3A_268 = vector.multi_reduction <add>, %select_n3A_267, %reduce_sum3A [1] : vector<512x2048xf32> to vector<512xf32>
    %broadcast_in_dim3A_269 = vector.shape_cast %reduce_sum3A_268 : vector<512xf32> to vector<512x1xf32>
    %jit3A_270 = arith.constant 0.000000e+00 : f32
    %broadcast_in_dim3A_271 = vector.broadcast %jit3A_270 : f32 to vector<512x2048xf32>
    %select_n3A_272 = arith.select %eq3A_264, %get3A_250, %broadcast_in_dim3A_271 : vector<512x2048xi1>, vector<512x2048xf32>
    %reduce_sum3A_273 = arith.constant dense<0.000000e+00> : vector<512xf32>
    %reduce_sum3A_274 = vector.multi_reduction <add>, %select_n3A_272, %reduce_sum3A_273 [1] : vector<512x2048xf32> to vector<512xf32>
    %broadcast_in_dim3A_275 = vector.shape_cast %reduce_sum3A_274 : vector<512xf32> to vector<512x1xf32>
    %get3A_276 = arith.constant 0 : index
    %get3A_277 = arith.constant 0 : index
    %get3A_278 = vector.load %arg9[%get3A_276, %get3A_277] : memref<512x128xf32, #tpu.memory_space<vmem>>, vector<512x1xf32>
    %gt3A = arith.cmpf ogt, %broadcast_in_dim3A, %get3A_278 : vector<512x1xf32>
    %get3A_279 = arith.constant 0 : index
    %get3A_280 = arith.constant 0 : index
    %get3A_281 = vector.load %arg9[%get3A_279, %get3A_280] : memref<512x128xf32, #tpu.memory_space<vmem>>, vector<512x1xf32>
    %select_n3A_282 = arith.select %gt3A, %broadcast_in_dim3A, %get3A_281 : vector<512x1xi1>, vector<512x1xf32>
    %swap3A = arith.constant 0 : index
    %swap3A_283 = arith.constant 0 : index
    %swap3A_284 = vector.load %arg9[%swap3A, %swap3A_283] : memref<512x128xf32, #tpu.memory_space<vmem>>, vector<512x1xf32>
    tpu.vector_store %arg9[%swap3A, %swap3A_283], %select_n3A_282 {strides = array<i32>} : memref<512x128xf32, #tpu.memory_space<vmem>>, vector<512x1xf32>,
    %get3A_285 = arith.constant 0 : index
    %get3A_286 = arith.constant 0 : index
    %get3A_287 = vector.load %arg10[%get3A_285, %get3A_286] : memref<512x128xi32, #tpu.memory_space<vmem>>, vector<512x1xi32>
    %select_n3A_288 = arith.select %gt3A, %broadcast_in_dim3A_259, %get3A_287 : vector<512x1xi1>, vector<512x1xi32>
    %swap3A_289 = arith.constant 0 : index
    %swap3A_290 = arith.constant 0 : index
    %swap3A_291 = vector.load %arg10[%swap3A_289, %swap3A_290] : memref<512x128xi32, #tpu.memory_space<vmem>>, vector<512x1xi32>
    tpu.vector_store %arg10[%swap3A_289, %swap3A_290], %select_n3A_288 {strides = array<i32>} : memref<512x128xi32, #tpu.memory_space<vmem>>, vector<512x1xi32>,
    %get3A_292 = arith.constant 0 : index
    %get3A_293 = arith.constant 0 : index
    %get3A_294 = vector.load %arg11[%get3A_292, %get3A_293] : memref<512x128xf32, #tpu.memory_space<vmem>>, vector<512x1xf32>
    %add3A_295 = arith.addf %get3A_294, %broadcast_in_dim3A_269 : vector<512x1xf32>
    %swap3A_296 = arith.constant 0 : index
    %swap3A_297 = arith.constant 0 : index
    %swap3A_298 = vector.load %arg11[%swap3A_296, %swap3A_297] : memref<512x128xf32, #tpu.memory_space<vmem>>, vector<512x1xf32>
    tpu.vector_store %arg11[%swap3A_296, %swap3A_297], %add3A_295 {strides = array<i32>} : memref<512x128xf32, #tpu.memory_space<vmem>>, vector<512x1xf32>,
    %get3A_299 = arith.constant 0 : index
    %get3A_300 = arith.constant 0 : index
    %get3A_301 = vector.load %arg12[%get3A_299, %get3A_300] : memref<512x128xf32, #tpu.memory_space<vmem>>, vector<512x1xf32>
    %add3A_302 = arith.addf %get3A_301, %broadcast_in_dim3A_275 : vector<512x1xf32>
    %swap3A_303 = arith.constant 0 : index
    %swap3A_304 = arith.constant 0 : index
    %swap3A_305 = vector.load %arg12[%swap3A_303, %swap3A_304] : memref<512x128xf32, #tpu.memory_space<vmem>>, vector<512x1xf32>
    tpu.vector_store %arg12[%swap3A_303, %swap3A_304], %add3A_302 {strides = array<i32>} : memref<512x128xf32, #tpu.memory_space<vmem>>, vector<512x1xf32>,
    %eq3A_306 = arith.constant 33 : i32
    %eq3A_307 = arith.cmpi eq, %arg0, %eq3A_306 : i32
    %convert_element_type3A_308 = arith.extui %eq3A_307 : i1 to i32
    %cond3A_309 = arith.constant 0 : i32
    %cond3A_310 = arith.cmpi ne, %convert_element_type3A_308, %cond3A_309 : i32
    scf.if %cond3A_310 {
      %get3A_311 = arith.constant 0 : index
      %get3A_312 = arith.constant 0 : index
      %get3A_313 = vector.load %arg9[%get3A_311, %get3A_312] : memref<512x128xf32, #tpu.memory_space<vmem>>, vector<512x128xf32>
      %swap3A_314 = arith.constant 0 : index
      %swap3A_315 = arith.constant 0 : index
      %swap3A_316 = vector.load %arg5[%swap3A_314, %swap3A_315] : memref<512x128xf32, #tpu.memory_space<vmem>>, vector<512x128xf32>
      tpu.vector_store %arg5[%swap3A_314, %swap3A_315], %get3A_313 {strides = array<i32>} : memref<512x128xf32, #tpu.memory_space<vmem>>, vector<512x128xf32>,
      %get3A_317 = arith.constant 0 : index
      %get3A_318 = arith.constant 0 : index
      %get3A_319 = vector.load %arg10[%get3A_317, %get3A_318] : memref<512x128xi32, #tpu.memory_space<vmem>>, vector<512x128xi32>
      %swap3A_320 = arith.constant 0 : index
      %swap3A_321 = arith.constant 0 : index
      %swap3A_322 = vector.load %arg6[%swap3A_320, %swap3A_321] : memref<512x128xi32, #tpu.memory_space<vmem>>, vector<512x128xi32>
      tpu.vector_store %arg6[%swap3A_320, %swap3A_321], %get3A_319 {strides = array<i32>} : memref<512x128xi32, #tpu.memory_space<vmem>>, vector<512x128xi32>,
      %get3A_323 = arith.constant 0 : index
      %get3A_324 = arith.constant 0 : index
      %get3A_325 = vector.load %arg11[%get3A_323, %get3A_324] : memref<512x128xf32, #tpu.memory_space<vmem>>, vector<512x128xf32>
      %swap3A_326 = arith.constant 0 : index
      %swap3A_327 = arith.constant 0 : index
      %swap3A_328 = vector.load %arg7[%swap3A_326, %swap3A_327] : memref<512x128xf32, #tpu.memory_space<vmem>>, vector<512x128xf32>
      tpu.vector_store %arg7[%swap3A_326, %swap3A_327], %get3A_325 {strides = array<i32>} : memref<512x128xf32, #tpu.memory_space<vmem>>, vector<512x128xf32>,
      %get3A_329 = arith.constant 0 : index
      %get3A_330 = arith.constant 0 : index
      %get3A_331 = vector.load %arg12[%get3A_329, %get3A_330] : memref<512x128xf32, #tpu.memory_space<vmem>>, vector<512x128xf32>
      %swap3A_332 = arith.constant 0 : index
      %swap3A_333 = arith.constant 0 : index
      %swap3A_334 = vector.load %arg8[%swap3A_332, %swap3A_333] : memref<512x128xf32, #tpu.memory_space<vmem>>, vector<512x128xf32>
      tpu.vector_store %arg8[%swap3A_332, %swap3A_333], %get3A_331 {strides = array<i32>} : memref<512x128xf32, #tpu.memory_space<vmem>>, vector<512x128xf32>,
    } else {
    }
    return
  }
  func.func @transform_0(%arg0: i32) -> (i32, i32) {
    %c0_i32 = arith.constant 0 : i32
    %c0_i32_0 = arith.constant 0 : i32
    %c0_i32_1 = arith.constant 0 : i32
    return %c0_i32, %c0_i32_0 : i32, i32
  }
  func.func @transform_1(%arg0: i32) -> i32 {
    %c0_i32 = arith.constant 0 : i32
    %c0_i32_0 = arith.constant 0 : i32
    return %c0_i32 : i32
  }
  func.func @transform_2(%arg0: i32) -> (i32, i32) {
    %c0_i32 = arith.constant 0 : i32
    %c0_i32_0 = arith.constant 0 : i32
    return %c0_i32, %arg0 : i32, i32
  }
  func.func @transform_3(%arg0: i32) -> (i32, i32) {
    %c0_i32 = arith.constant 0 : i32
    %c0_i32_0 = arith.constant 0 : i32
    return %c0_i32, %arg0 : i32, i32
  }
  func.func @transform_4(%arg0: i32) -> (i32, i32) {
    %c0_i32 = arith.constant 0 : i32
    %c0_i32_0 = arith.constant 0 : i32
    %c0_i32_1 = arith.constant 0 : i32
    return %c0_i32, %c0_i32_0 : i32, i32
  }
  func.func @transform_5(%arg0: i32) -> (i32, i32) {
    %c0_i32 = arith.constant 0 : i32
    %c0_i32_0 = arith.constant 0 : i32
    %c0_i32_1 = arith.constant 0 : i32
    return %c0_i32, %c0_i32_0 : i32, i32
  }
  func.func @transform_6(%arg0: i32) -> (i32, i32) {
    %c0_i32 = arith.constant 0 : i32
    %c0_i32_0 = arith.constant 0 : i32
    %c0_i32_1 = arith.constant 0 : i32
    return %c0_i32, %c0_i32_0 : i32, i32
  }
  func.func @transform_7(%arg0: i32) -> (i32, i32) {
    %c0_i32 = arith.constant 0 : i32
    %c0_i32_0 = arith.constant 0 : i32
    %c0_i32_1 = arith.constant 0 : i32
    return %c0_i32, %c0_i32_0 : i32, i32
  }
}

module attributes {stable_mosaic.version = 14 : i64} {
  func.func @_out_body(%arg0: memref<64x8xf32, #tpu.memory_space<vmem>>, %arg1: memref<64x8xf32, #tpu.memory_space<vmem>>, %arg2: memref<64x8xf32, #tpu.memory_space<vmem>>, %arg3: memref<64x9xi32, #tpu.memory_space<vmem>>, %arg4: memref<64x9xi32, #tpu.memory_space<vmem>>, %arg5: memref<64x1xi32, #tpu.memory_space<vmem>>, %arg6: memref<64x9xi32, #tpu.memory_space<vmem>>) attributes {dimension_semantics = [], scalar_prefetch = 0 : i64, scratch_operands = 0 : i64, tpu.core_type = #tpu.core_type<tc>} {
    %get3A = arith.constant 0 : index
    %get3A_0 = arith.constant 0 : index
    %get3A_1 = vector.load %arg0[%get3A, %get3A_0] : memref<64x8xf32, #tpu.memory_space<vmem>>, vector<64x8xf32>
    %get3A_2 = arith.constant 0 : index
    %get3A_3 = arith.constant 0 : index
    %get3A_4 = vector.load %arg1[%get3A_2, %get3A_3] : memref<64x8xf32, #tpu.memory_space<vmem>>, vector<64x8xf32>
    %get3A_5 = arith.constant 0 : index
    %get3A_6 = arith.constant 0 : index
    %get3A_7 = vector.load %arg2[%get3A_5, %get3A_6] : memref<64x8xf32, #tpu.memory_space<vmem>>, vector<64x8xf32>
    %div3A = arith.divf %get3A_4, %get3A_7 : vector<64x8xf32>
    %min3A = arith.constant 1.000000e+00 : f32
    %min3A_8 = vector.broadcast %min3A : f32 to vector<64x8xf32>
    %min3A_9 = arith.minimumf %div3A, %min3A_8 : vector<64x8xf32>
    %lt3A = arith.cmpf olt, %get3A_1, %min3A_9 : vector<64x8xf32>
    %not3A = arith.constant dense<true> : vector<64x8xi1>
    %not3A_10 = arith.xori %lt3A, %not3A : vector<64x8xi1>
    %iota3A = tpu.iota {dimensions = array<i32: 1>} : vector<64x8xi32>
    %jit3A = arith.constant 8 : i32
    %broadcast_in_dim3A = vector.broadcast %jit3A : i32 to vector<64x8xi32>
    %select_n3A = arith.select %not3A_10, %iota3A, %broadcast_in_dim3A : vector<64x8xi1>, vector<64x8xi32>
    %reduce_min3A = arith.constant dense<2147483647> : vector<64xi32>
    %reduce_min3A_11 = vector.multi_reduction <minsi>, %select_n3A, %reduce_min3A [1] : vector<64x8xi32> to vector<64xi32>
    %broadcast_in_dim3A_12 = vector.shape_cast %reduce_min3A_11 : vector<64xi32> to vector<64x1xi32>
    %iota3A_13 = tpu.iota {dimensions = array<i32: 1>} : vector<64x9xi32>
    %get3A_14 = arith.constant 0 : index
    %get3A_15 = arith.constant 0 : index
    %get3A_16 = vector.load %arg3[%get3A_14, %get3A_15] : memref<64x9xi32, #tpu.memory_space<vmem>>, vector<64x9xi32>
    %get3A_17 = arith.constant 0 : index
    %get3A_18 = arith.constant 0 : index
    %get3A_19 = vector.load %arg4[%get3A_17, %get3A_18] : memref<64x9xi32, #tpu.memory_space<vmem>>, vector<64x9xi32>
    %get3A_20 = arith.constant 0 : index
    %get3A_21 = arith.constant 0 : index
    %get3A_22 = vector.load %arg5[%get3A_20, %get3A_21] : memref<64x1xi32, #tpu.memory_space<vmem>>, vector<64x1xi32>
    %broadcast_in_dim3A_23 = vector.shape_cast %get3A_22 : vector<64x1xi32> to vector<64x1xi32>
    %broadcast_in_dim3A_24 = vector.broadcast %broadcast_in_dim3A_23 : vector<64x1xi32> to vector<64x9xi32>
    %broadcast_in_dim3A_25 = arith.constant -1 : i32
    %broadcast_in_dim3A_26 = vector.broadcast %broadcast_in_dim3A_25 : i32 to vector<64x9xi32>
    %lt3A_27 = vector.broadcast %broadcast_in_dim3A_12 : vector<64x1xi32> to vector<64x9xi32>
    %lt3A_28 = arith.cmpi slt, %iota3A_13, %lt3A_27 : vector<64x9xi32>
    %eq3A = vector.broadcast %broadcast_in_dim3A_12 : vector<64x1xi32> to vector<64x9xi32>
    %eq3A_29 = arith.cmpi eq, %iota3A_13, %eq3A : vector<64x9xi32>
    %select_n3A_30 = arith.select %eq3A_29, %get3A_19, %broadcast_in_dim3A_26 : vector<64x9xi1>, vector<64x9xi32>
    %select_n3A_31 = arith.select %lt3A_28, %get3A_16, %select_n3A_30 : vector<64x9xi1>, vector<64x9xi32>
    %eq3A_32 = arith.constant 8 : i32
    %eq3A_33 = vector.broadcast %eq3A_32 : i32 to vector<64x9xi32>
    %eq3A_34 = arith.cmpi eq, %iota3A_13, %eq3A_33 : vector<64x9xi32>
    %eq3A_35 = arith.constant 8 : i32
    %eq3A_36 = vector.broadcast %eq3A_35 : i32 to vector<64x1xi32>
    %eq3A_37 = arith.cmpi eq, %broadcast_in_dim3A_12, %eq3A_36 : vector<64x1xi32>
    %broadcast_in_dim3A_38 = vector.shape_cast %eq3A_37 : vector<64x1xi1> to vector<64x1xi1>
    %broadcast_in_dim3A_39 = vector.broadcast %broadcast_in_dim3A_38 : vector<64x1xi1> to vector<64x9xi1>
    %select_n3A_40 = arith.select %broadcast_in_dim3A_39, %broadcast_in_dim3A_24, %broadcast_in_dim3A_26 : vector<64x9xi1>, vector<64x9xi32>
    %select_n3A_41 = arith.select %eq3A_34, %select_n3A_40, %select_n3A_31 : vector<64x9xi1>, vector<64x9xi32>
    %swap3A = arith.constant 0 : index
    %swap3A_42 = arith.constant 0 : index
    %swap3A_43 = vector.load %arg6[%swap3A, %swap3A_42] : memref<64x9xi32, #tpu.memory_space<vmem>>, vector<64x9xi32>
    tpu.vector_store %arg6[%swap3A, %swap3A_42], %select_n3A_41 {strides = array<i32>} : memref<64x9xi32, #tpu.memory_space<vmem>>, vector<64x9xi32>,
    return
  }
}

</mosaic_0001>

<sc_bundles>
// kernel: kernel.6.cloned.1.call-start
scs
__scs_entry_jumppad:
0x0: {  	(pc) =	sbr.rel $0x88, $3  }
0x1: {  	(tag) =	ssettag $0x0;
	lr =	simm.s32 $0x1  }
0x2: {  	[smem:$0x3F9D] =	sst lr;
	_ =	strace $0xD0000000  }
0x3: {  	_ = 	snop  }
0x4: {  	_ = 	snop  }
0x5: {  	_ = 	snop  }
0x6: {  	_ = 	snop  }
0x7: {  	_ = 	snop  }
__scs_overlays_trampoline_lowered:
0x8: {  	[smem:$0x3FAC] =	sst s0  }
0x9: {  	[smem:$0x3FAD] =	sst s1  }
0xa: {  	[smem:$0x3FAE] =	sst s2  }
0xb: {  	[smem:$0x3FAF] =	sst s3  }
0xc: {  	[smem:$0x3FB0] =	sst s4  }
0xd: {  	[smem:$0x3FB1] =	sst s5  }
0xe: {  	[smem:$0x3FB2] =	sst s6  }
0xf: {  	[smem:$0x3FB3] =	sst s7  }
0x10: {  	[smem:$0x3FB4] =	sst s8  }
0x11: {  	[smem:$0x3FB5] =	sst s9;
	s0 =	simm.s32 @!p0 $0x0  }
0x12: {  	s1 =	sld [smem:$0x3F9B];
	s0 =	simm.s32 @p0 $0x1  }
0x13: {  	[smem:$0x3FB6] =	sst s0;
	s0 =	simm.s32 @!p1 $0x0  }
0x14: {  	s2 =	sld [smem:$0x3F9A];
	s0 =	simm.s32 @p1 $0x1  }
0x15: {  	[smem:$0x3FB7] =	sst s0;
	s0 =	simm.s32 @!p2 $0x0  }
0x16: {  	s3 =	sld [smem:$0x3FDB];
	s0 =	simm.s32 @p2 $0x1  }
0x17: {  	s4 =	simm.s32 $0x1BF5;
	[smem:$0x3FB9] =	sst s0  }
0x18: {  	s0 =	sld [smem:$0x3F9C];
	_ =	swait.ge [sflag:s4], $0x0  }
0x19: {  	s7 =	sld [smem:$0x3F9D]  }
0x1a: {  	s8 =	sadd.s32 $0xFFFFE003, lr  }
0x1b: {  	s9 =	sadd.s32 $0xFFFFFEF7, lr;
	s5 =	simm.s32 $0xFFFFFFFF;
	p2 =	slt.u32 s8, $0xFFFFF086  }
0x1c: {  	p1 =	slt.u32 s9, $0xF7A;
	s5 =	simm.s32 @!p2 $0x0  }
0x1d: {  	s5 =	simm.s32 @p1 $0x1;
	p0 =	seq.s32 s7, s2  }
0x1e: {  	s7 =	smul.u32 @!p0 $0xF7A, s2;
	p2 =	seq.s32 @!p0 s5, $0x0  }
0x1f: {  	s9 =	smul.u32 $0xF7A, s1;
	s8 =	simm.s32 @!p0 $0x1BF5;
	p2 =	por !p2, p0  }
0x20: {  	[sflag:s8] =	ssyncset.s32 @!p0 $0xFFFFF086;
	s6 =	sadd.s32 @!p0 s3, s7;
	s7 =	simm.s32 @!p0 $0x108  }
0x21: {  	s3 =	sadd.s32 s3, s9;
	s6 =	sadd.s32 @!p0 $0x88, s6;
	s7 =	simm.s32 @p2 $0x1082  }
0x22: {  	[simem:s7], [sflag:s8] =	dma.local @!p0 [hbm:s6], $0xF7A  }
0x23: {  	s9 =	sor.u32 $0xD0000000, s2;
	s6 =	simm.s32 $0x108;
	_ =	swait.ge @!p0 [sflag:s8], $0x0  }
0x24: {  	s3 =	sadd.s32 $0x88, s3;
	s6 =	simm.s32 @!p1 $0x1082;
	[sflag:s4] =	ssyncset.s32 $0xFFFFF086  }
0x25: {  	[simem:s6], [sflag:s4] =	dma.local [hbm:s3], $0xF7A  }
0x26: {  	[smem:$0x3F9D] =	sst s1;
	(tag) =	ssettag s2;
	_ =	strace s9  }
0x27: {  	s1 =	sld [smem:$0x3FAD]  }
0x28: {  	s2 =	sld [smem:$0x3FAE]  }
0x29: {  	s4 =	sld [smem:$0x3FB0]  }
0x2a: {  	p0 =	seq.s32 s5, $0x0;
	s5 =	sld [smem:$0x3FB1]  }
0x2b: {  	s6 =	sld [smem:$0x3FB2]  }
0x2c: {  	s7 =	sld [smem:$0x3FB3]  }
0x2d: {  	s3 =	simm.s32 $0x108;
	s8 =	sld [smem:$0x3FB4]  }
0x2e: {  	s3 =	simm.s32 @!p0 $0x1082;
	s9 =	sld [smem:$0x3FB5]  }
0x2f: {  	lr =	sadd.s32 s0, s3;
	s0 =	sld [smem:$0x3FAC]  }
0x30: {  	s3 =	sld [smem:$0x3FAF]  }
0x31: {  	[smem:$0x3FB8] =	sst s10  }
0x32: {  	s10 =	sld [smem:$0x3FB6];
	_ =	sdelay $0x3  }
0x33: {  	p0 =	seq.s32 s10, $0x1;
	s10 =	sld [smem:$0x3FB8];
	_ =	sdelay $0x3  }
0x34: {  	[smem:$0x3FB8] =	sst s10  }
0x35: {  	s10 =	sld [smem:$0x3FB7];
	_ =	sdelay $0x3  }
0x36: {  	p1 =	seq.s32 s10, $0x1;
	s10 =	sld [smem:$0x3FB8];
	_ =	sdelay $0x3  }
0x37: {  	[smem:$0x3FB8] =	sst s10  }
0x38: {  	s10 =	sld [smem:$0x3FB9]  }
0x39: {  	_ = 	snop;
	(pc) =	sbr.ind lr, $3  }
0x3a: {  	_ = 	snop  }
0x3b: {  	_ = 	snop  }
0x3c: {  	p2 =	seq.s32 s10, $0x1;
	s10 =	sld [smem:$0x3FB8]  }
0x3d: {  	_ =	shalt  }
0x3e: {  	_ =	shalt  }
0x3f: {  	_ =	shalt  }
0x40: {  	_ =	shalt  }
0x41: {  	_ =	shalt  }
0x42: {  	_ =	shalt  }
0x43: {  	_ =	shalt  }
0x44: {  	_ =	shalt  }
0x45: {  	_ =	shalt  }
0x46: {  	_ =	shalt  }
0x47: {  	_ =	shalt  }
0x48: {  	_ =	shalt  }
0x49: {  	_ =	shalt  }
0x4a: {  	_ =	shalt  }
0x4b: {  	_ =	shalt  }
0x4c: {  	_ =	shalt  }
0x4d: {  	_ =	shalt  }
0x4e: {  	_ =	shalt  }
0x4f: {  	_ =	shalt  }
0x50: {  	_ =	shalt  }
0x51: {  	_ =	shalt  }
0x52: {  	_ =	shalt  }
0x53: {  	_ =	shalt  }
0x54: {  	_ =	shalt  }
0x55: {  	_ =	shalt  }
0x56: {  	_ =	shalt  }
0x57: {  	_ =	shalt  }
0x58: {  	_ =	shalt  }
0x59: {  	_ =	shalt  }
0x5a: {  	_ =	shalt  }
0x5b: {  	_ =	shalt  }
0x5c: {  	_ =	shalt  }
0x5d: {  	_ =	shalt  }
0x5e: {  	_ =	shalt  }
0x5f: {  	_ =	shalt  }
0x60: {  	_ =	shalt  }
0x61: {  	_ =	shalt  }
0x62: {  	_ =	shalt  }
0x63: {  	_ =	shalt  }
0x64: {  	_ =	shalt  }
0x65: {  	_ =	shalt  }
0x66: {  	_ =	shalt  }
0x67: {  	_ =	shalt  }
0x68: {  	_ =	shalt  }
0x69: {  	_ =	shalt  }
0x6a: {  	_ =	shalt  }
0x6b: {  	_ =	shalt  }
0x6c: {  	_ =	shalt  }
0x6d: {  	_ =	shalt  }
0x6e: {  	_ =	shalt  }
0x6f: {  	_ =	shalt  }
0x70: {  	_ =	shalt  }
0x71: {  	_ =	shalt  }
0x72: {  	_ =	shalt  }
0x73: {  	_ =	shalt  }
0x74: {  	_ =	shalt  }
0x75: {  	_ =	shalt  }
0x76: {  	_ =	shalt  }
0x77: {  	_ =	shalt  }
0x78: {  	_ =	shalt  }
0x79: {  	_ =	shalt  }
0x7a: {  	_ =	shalt  }
0x7b: {  	_ =	shalt  }
0x7c: {  	_ =	shalt  }
0x7d: {  	_ =	shalt  }
0x7e: {  	_ =	shalt  }
0x7f: {  	_ =	shalt  }
0x80: {  	_ =	shalt  }
0x81: {  	_ =	shalt  }
0x82: {  	_ =	shalt  }
0x83: {  	_ =	shalt  }
0x84: {  	_ =	shalt  }
0x85: {  	_ =	shalt  }
0x86: {  	_ =	shalt  }
0x87: {  	_ =	shalt  }
.Lfunc_end0:
.L_simem_size_0:
called_computation_lowered:
.L_overlay_start_0:
0x88: {  	s2 =	sld [smem:$0x3FD9]  }
0x89: {  	s3 =	sld [smem:$0x3FFE];
	_ =	sdelay $0x1  }
0x8a: {  	s1 =	srdreg.scid  }
0x8b: {  	s0 =	sand.u32 $0x1, s1  }
0x8c: {  	s16 =	sshll.u32 s0, $0xA;
	s2 =	sadd.s32 s3, s2  }
0x8d: {  	s2 =	sadd.s32 s2, s16  }
0x8e: {  	[smem:$0x3FC4] =	sst s2  }
0x8f: {  	_ = 	snop  }
0x90: {  	(tm) =	ssettm $0x1  }
0x91: {  	s17 =	sld [smem:$0x3FFB];
	_ =	sdelay $0x3  }
0x92: {  	_ =	strace s17  }
0x93: {  	s2 =	sld [smem:$0x3FFC];
	_ =	sdelay $0x3  }
0x94: {  	_ =	strace s2  }
0x95: {  	s2 =	sld [smem:$0x3FFD];
	_ =	sdelay $0x3  }
0x96: {  	_ =	strace s2  }
0x97: {  	_ =	strace $0x8FFFFFFF  }
0x98: {  	s18 =	sld [smem:$0x3FDB];
	_ =	sdelay $0x1  }
0x99: {  	s19 =	simm.s32 $_scs_section_size  }
0x9a: {  	s4 =	simm.s32 $_size__tile_overlayer_lowered;
	s5 =	simm.s32 $_tile_overlayer_lowered  }
0x9b: {  	s22 =	simm.s32 $0x1BFF;
	s21 =	sshll.u32 s5, $0x1;
	s2 =	sadd.s32 s19, s18  }
0x9c: {  	s6 =	simm.s32 $0x0;
	s20 =	sshll.u32 s4, $0x1;
	s4 =	sadd.s32 s21, s2  }
0x9d: {  	[timem:s6], [sflag:s22] =	dma.local [hbm:s4], s20  }
0x9e: {  	_ =	swait.ge [sflag:s22], s20  }
0x9f: {  	s3 =	ssub.s32 $0x0, s20;
	[sflag:s22] =	ssyncset.done $0x0  }
0xa0: {  	[sflag:s22] =	ssyncadd.s32 s3;
	_ =	sdelay $0x1  }
0xa1: {  	s23 =	simm.s32 $0x1B8B  }
0xa2: {  	_ =	swait.ge [sflag:s23], $0x1  }
0xa3: {  	[sflag:s23] =	ssyncset.done $0x0  }
0xa4: {  	s25 =	simm.s32 $0x1B8E;
	s24 =	sld [smem:$0x3FFE];
	[sflag:s23] =	ssyncadd.s32 $0xFFFFFFFF  }
0xa5: {  	s26 =	simm.s32 $execute0_lowered;
	[smem:$0x3FD2] =	sst s25  }
0xa6: {  	s4 =	sshll.u32 s26, $0x1;
	_ =	strace $0x80000046;
	[dreg:$0x1] =	wrdreg $0xFFFFFFFF  }
0xa7: {  	s28 =	simm.s32 $_size_execute0_lowered;
	s2 =	sadd.s32 s2, s4;
	[dreg:$0x0] =	wrdreg $0x0  }
0xa8: {  	s4 =	sshll.u32 s28, $0x1;
	[dreg:$0x2] =	wrdreg s2  }
0xa9: {  	[dreg:$0x3] =	wrdreg s4  }
0xaa: {  	[dreg:$0x4] =	wrdreg $0xC0  }
0xab: {  	_ =	task [dreg:s6], $0x5FFFF  }
0xac: {  	[dreg:$0x1] =	wrdreg $0xFFFFFFFF  }
0xad: {  	[dreg:$0x0] =	wrdreg $0x60  }
0xae: {  	[dreg:$0x2] =	wrdreg s24  }
0xaf: {  	[dreg:$0x3] =	wrdreg $0x9  }
0xb0: {  	_ =	task.clear_ibuf [dreg:s6], $0x4FFFF;
	_ =	strace $0x90000046  }
0xb1: {  	s29 =	simm.s32 $0x9;
	_ =	strace $0x80000048  }
0xb2: {  	_ =	swait.ge [sflag:s29], $0x1  }
0xb3: {  	[sflag:s29] =	ssyncadd.s32 $0xFFFFFFFF  }
0xb4: {  	_ =	strace $0x90000048  }
0xb5: {  	_ =	sfence  }
0xb6: {  	s30 =	sld [smem:$0x0];
	_ =	sdelay $0x2  }
0xb7: {  	s31 =	sshll.u32 s1, $0xD;
	s1 =	sshrl.u32 s1, $0x2  }
0xb8: {  	s3 =	sand.u32 $0x4000, s31;
	s1 =	sadd.s32 s1, s30  }
0xb9: {  	s0 =	sor.u32 s3, s0;
	s1 =	sshll.u32 s1, $0x11  }
0xba: {  	s0 =	sor.u32 s1, s0  }
0xbb: {  	s0 =	sadd.s32 $0x8F2B, s0  }
0xbc: {  	[sflag:s0] =	ssyncadd.remote.s32 $0x1  }
0xbd: {  	_ =	sfence.sel $0xFFFF  }
0xbe: {  	[dreg:$0x0] =	wrdreg $0xFFFFFFFF;
	(pc) =	sbr.abs _section_cstart, $3  }
0xbf: {  	[dreg:$0x1] =	wrdreg $0xFFFFFFFF  }
0xc0: {  	_ =	task.clear_ibuf [dreg:s6], $0x2FFFF;
	_ =	strace $0x9FFFFFFF  }
0xc1: {  	(tm) =	ssettm $0x7FFFFFFF  }
tec
execute0_lowered:
.L_overlay_start_1:
0x0: {  	(tag) =	ssettag $0x1  }
0x1: {  	s3 =	rddreg [dreg:$0x0]  }
0x2: {  	s0 =	rddreg [dreg:$0x1];
	s2 =	simm.s32 $0x0  }
0x3: {  	s4 =	srdreg.scid;
	s1 =	stileid.u32;
	s10 =	simm.s32 $0x0  }
0x4: {  	[smem:$0x7FF] =	sst s2;
	s4 =	sand.u32 $0x1, s4;
	s5 =	smul.u32 $0x30D400, s1  }
0x5: {  	s3 =	sadd.s32 $0x600, s3;
	s9 =	sshll.u32 s1, $0x5;
	_ =	strace $0x80000047  }
0x6: {  	s6 =	ssub.s32 $0x2, s4;
	s7 =	smul.u32 $0x186A00, s4;
	s4 =	sshll.u32 s4, $0x4  }
0x7: {  	s8 =	sshrl.u32 s6, $0x1;
	s4 =	sor.u32 s4, s9;
	s9 =	simm.s32 $0x1  }
0x8: {  	v1 =	vlaneseq.u32;
	s6 =	ssub.s32 s6, s8;
	s7 =	sadd.s32 s7, s5;
	s8 =	simm.s32 $0x400  }
0x9: {  	v0 =	vadd.s32 $0xFC8D8048, v1;
	v1 =	vadd.s32 $0x70B708BE, v1;
	s5 =	smax.u32 s6, $0x1;
	s6 =	sadd.s32 $0x11070, s7;
	s7 =	simm.s32 $0x80  }
.LBB2_1:
0xa: {  	s11 =	smov.u32 s6;
	s12 =	simm.s32 $0x0  }
.LBB2_2:
0xb: {  	s15 =	sadd.s32 $0xFFFFFFF0, s11  }
0xc: {  	s13 =	sadd.s32 $0xFFFFFFA0, s11;
	v3 =	vadd.s32 s11, v0;
	v2 =	vadd.s32 s11, v1;
	v4 =	vadd.s32 s15, v0  }
0xd: {  	s17 =	sadd.s32 $0xFFFFFF90, s11;
	s31 =	sadd.s32 $0xFFFFFFC0, s11;
	s16 =	sadd.s32 $0xFFFFFFD0, s11;
	v5 =	vadd.s32 s13, v0;
	v7 =	vshrl.u32 v3, $0x13;
	v8 =	vadd.s32 s15, v1  }
0xe: {  	s18 =	sadd.s32 $0xFFFFFFE0, s11;
	v9 =	vadd.s32 s17, v0;
	v10 =	vadd.s32 s31, v0;
	v13 =	vadd.s32 s16, v0  }
0xf: {  	s14 =	sadd.s32 $0xFFFFFFB0, s11;
	v35 =	vadd.s32 s18, v0;
	v3 =	vshll.u32 v3, $0xD;
	v46 =	vadd.s32 s13, v1  }
0x10: {  	v47 =	vadd.s32 s14, v1;
	v50 =	vadd.s32 s31, v1;
	v51 =	vadd.s32 s16, v1  }
0x11: {  	v52 =	vadd.s32 s18, v1;
	v6 =	vshrl.u32 v4, $0x13;
	v4 =	vshll.u32 v4, $0xD  }
0x12: {  	v36 =	vshrl.u32 v9, $0x13;
	v9 =	vshll.u32 v9, $0xD;
	v16 =	vshrl.u32 v5, $0x13  }
0x13: {  	v5 =	vshll.u32 v5, $0xD;
	v18 =	vshrl.u32 v10, $0x13;
	v10 =	vshll.u32 v10, $0xD  }
0x14: {  	v39 =	vshrl.u32 v13, $0x13;
	v13 =	vshll.u32 v13, $0xD;
	v40 =	vshrl.u32 v35, $0x13  }
0x15: {  	v3 =	vor.u32 v7, v3;
	v4 =	vor.u32 v6, v4;
	v6 =	vadd.s32 s14, v0  }
0x16: {  	v9 =	vor.u32 v36, v9;
	v5 =	vor.u32 v16, v5;
	v10 =	vor.u32 v18, v10  }
0x17: {  	v43 =	vor.u32 v39, v13;
	v3 =	vxor.u32 v2, v3;
	v4 =	vxor.u32 v8, v4  }
0x18: {  	v37 =	vshrl.u32 v6, $0x13;
	v6 =	vshll.u32 v6, $0xD;
	v5 =	vxor.u32 v46, v5  }
0x19: {  	v10 =	vxor.u32 v50, v10;
	v31 =	vshrl.u32 v3, $0x11;
	v62 =	vshll.u32 v3, $0xF  }
0x1a: {  	v3 =	vadd.s32 v2, v3;
	v11 =	vshrl.u32 v4, $0x11;
	v12 =	vshll.u32 v4, $0xF  }
0x1b: {  	v4 =	vadd.s32 v8, v4;
	v6 =	vor.u32 v37, v6;
	v20 =	vshrl.u32 v5, $0x11  }
0x1c: {  	v23 =	vshll.u32 v5, $0xF;
	v24 =	vshrl.u32 v10, $0x11;
	v8 =	vor.u32 v11, v12  }
0x1d: {  	v27 =	vshll.u32 v10, $0xF;
	v5 =	vadd.s32 v46, v5;
	v8 =	vxor.u32 v4, v8  }
0x1e: {  	v11 =	vshll.u32 v35, $0xD;
	v14 =	vshrl.u32 v8, $0x6;
	v15 =	vshll.u32 v8, $0x1A  }
0x1f: {  	v6 =	vxor.u32 v47, v6;
	v4 =	vadd.s32 v4, v8;
	v8 =	vor.u32 v14, v15  }
0x20: {  	v12 =	vxor.u32 v51, v43;
	v63 =	vor.u32 v20, v23;
	v8 =	vxor.u32 v4, v8  }
0x21: {  	v34 =	vor.u32 v24, v27;
	v38 =	vshrl.u32 v8, $0x1A;
	v17 =	vshll.u32 v8, $0x6  }
0x22: {  	v11 =	vor.u32 v40, v11;
	v4 =	vadd.s32 v4, v8;
	v8 =	vor.u32 v38, v17  }
0x23: {  	v58 =	vshrl.u32 v6, $0x11;
	v59 =	vshll.u32 v6, $0xF;
	v8 =	vxor.u32 v4, v8  }
0x24: {  	v60 =	vshrl.u32 v12, $0x11;
	v61 =	vshll.u32 v12, $0xF;
	v8 =	vadd.s32 $0x937513E5, v8  }
0x25: {  	v4 =	vadd.s32 v8, v4;
	v19 =	vshrl.u32 v8, $0xF;
	v8 =	vshll.u32 v8, $0x11  }
0x26: {  	v6 =	vadd.s32 v47, v6;
	v4 =	vadd.s32 $0xFC8D8048, v4;
	v8 =	vor.u32 v19, v8  }
0x27: {  	v12 =	vadd.s32 v51, v12;
	v43 =	vxor.u32 v5, v63;
	v8 =	vxor.u32 v4, v8  }
0x28: {  	v11 =	vxor.u32 v52, v11;
	v41 =	vshrl.u32 v8, $0x3;
	v42 =	vshll.u32 v8, $0x1D  }
0x29: {  	v35 =	vor.u32 v60, v61;
	v4 =	vadd.s32 v4, v8;
	v8 =	vor.u32 v41, v42  }
0x2a: {  	v28 =	vshrl.u32 v11, $0x11;
	v29 =	vshll.u32 v11, $0xF;
	v8 =	vxor.u32 v4, v8  }
0x2b: {  	v5 =	vadd.s32 v5, v43;
	v38 =	vor.u32 v28, v29;
	v44 =	vshrl.u32 v8, $0x10  }
0x2c: {  	v45 =	vshll.u32 v8, $0x10;
	v4 =	vadd.s32 v4, v8;
	v8 =	vadd.s32 s17, v1  }
0x2d: {  	v41 =	vor.u32 v31, v62;
	v7 =	vor.u32 v44, v45;
	v9 =	vxor.u32 v8, v9  }
0x2e: {  	v45 =	vxor.u32 v12, v35;
	v7 =	vxor.u32 v4, v7;
	v56 =	vshrl.u32 v9, $0x11  }
0x2f: {  	v57 =	vshll.u32 v9, $0xF;
	v8 =	vadd.s32 v8, v9;
	v9 =	vadd.s32 v50, v10  }
0x30: {  	v10 =	vadd.s32 v52, v11;
	v48 =	vshrl.u32 v7, $0x8;
	v49 =	vshll.u32 v7, $0x18  }
0x31: {  	v11 =	vxor.u32 v3, v41;
	v4 =	vadd.s32 v4, v7;
	v7 =	vor.u32 v48, v49  }
0x32: {  	v61 =	vshrl.u32 v45, $0x6;
	v62 =	vshll.u32 v45, $0x1A;
	v7 =	vxor.u32 v4, v7  }
0x33: {  	v18 =	vor.u32 v56, v57;
	v44 =	vxor.u32 v9, v34;
	v7 =	vadd.s32 $0x74298878, v7  }
0x34: {  	v4 =	vadd.s32 v7, v4;
	v53 =	vshrl.u32 v7, $0x13;
	v7 =	vshll.u32 v7, $0xD  }
0x35: {  	v34 =	vshll.u32 v11, $0x1A;
	v4 =	vadd.s32 $0x937513E4, v4;
	v7 =	vor.u32 v53, v7  }
0x36: {  	v3 =	vadd.s32 v3, v11;
	v42 =	vxor.u32 v8, v18;
	v7 =	vxor.u32 v4, v7  }
0x37: {  	v48 =	vxor.u32 v10, v38;
	v54 =	vshrl.u32 v7, $0x11;
	v55 =	vshll.u32 v7, $0xF  }
0x38: {  	v60 =	vshll.u32 v44, $0x1A;
	v4 =	vadd.s32 v4, v7;
	v7 =	vor.u32 v54, v55  }
0x39: {  	v38 =	vor.u32 v61, v62;
	v49 =	vshrl.u32 v42, $0x6;
	v7 =	vxor.u32 v4, v7  }
0x3a: {  	v50 =	vshll.u32 v42, $0x1A;
	v21 =	vshrl.u32 v7, $0x6;
	v22 =	vshll.u32 v7, $0x1A  }
0x3b: {  	v63 =	vshrl.u32 v48, $0x6;
	v4 =	vadd.s32 v4, v7;
	v7 =	vor.u32 v21, v22  }
0x3c: {  	v8 =	vadd.s32 v8, v42;
	v10 =	vadd.s32 v10, v48;
	v7 =	vxor.u32 v4, v7  }
0x3d: {  	v17 =	vor.u32 v49, v50;
	v25 =	vshrl.u32 v7, $0x1A;
	v26 =	vshll.u32 v7, $0x6  }
0x3e: {  	v41 =	vxor.u32 v8, v17;
	v4 =	vadd.s32 v4, v7;
	v7 =	vor.u32 v25, v26  }
0x3f: {  	v53 =	vshrl.u32 v43, $0x6;
	v17 =	vshrl.u32 v41, $0x1A;
	v7 =	vxor.u32 v4, v7  }
0x40: {  	v8 =	vadd.s32 v8, v41;
	v54 =	vshll.u32 v43, $0x1A;
	v7 =	vadd.s32 $0xFC8D804B, v7  }
0x41: {  	v4 =	vadd.s32 v7, v4;
	v30 =	vshrl.u32 v7, $0xF;
	v7 =	vshll.u32 v7, $0x11  }
0x42: {  	v35 =	vor.u32 v53, v54;
	v4 =	vadd.s32 $0x74298876, v4;
	v7 =	vor.u32 v30, v7  }
0x43: {  	v42 =	vxor.u32 v5, v35;
	v21 =	vor.u32 v58, v59;
	v7 =	vxor.u32 v4, v7  }
0x44: {  	v59 =	vshrl.u32 v44, $0x6;
	v32 =	vshrl.u32 v7, $0x3;
	v33 =	vshll.u32 v7, $0x1D  }
0x45: {  	v49 =	vshll.u32 v42, $0x6;
	v4 =	vadd.s32 v4, v7;
	v7 =	vor.u32 v32, v33  }
0x46: {  	v33 =	vshll.u32 v48, $0x1A;
	v48 =	vshrl.u32 v42, $0x1A;
	v7 =	vxor.u32 v4, v7  }
0x47: {  	v5 =	vadd.s32 v5, v42;
	v19 =	vor.u32 v48, v49;
	v36 =	vshrl.u32 v7, $0x10  }
0x48: {  	v37 =	vshll.u32 v7, $0x10;
	v4 =	vadd.s32 v4, v7;
	v25 =	vxor.u32 v5, v19  }
0x49: {  	v7 =	vor.u32 v36, v37;
	v37 =	vor.u32 v59, v60;
	v14 =	vadd.s32 $0x937513E5, v25  }
0x4a: {  	v7 =	vxor.u32 v4, v7;
	v5 =	vadd.s32 v14, v5;
	v28 =	vshrl.u32 v14, $0xF  }
0x4b: {  	v14 =	vshll.u32 v14, $0x11;
	v39 =	vshrl.u32 v7, $0x8;
	v40 =	vshll.u32 v7, $0x18  }
0x4c: {  	v4 =	vadd.s32 v4, v7;
	v5 =	vadd.s32 $0xFC8D8048, v5;
	v14 =	vor.u32 v28, v14  }
0x4d: {  	v7 =	vor.u32 v39, v40;
	v39 =	vor.u32 v63, v33;
	v40 =	vadd.s32 v12, v45  }
0x4e: {  	v14 =	vxor.u32 v5, v14;
	v7 =	vxor.u32 v4, v7;
	v45 =	vxor.u32 v40, v38  }
0x4f: {  	v5 =	vadd.s32 v5, v14;
	v2 =	vadd.s32 $0x937513E8, v7;
	v54 =	vshrl.u32 v45, $0x1A  }
0x50: {  	v4 =	vadd.s32 v2, v4;
	v7 =	vshrl.u32 v2, $0x13;
	v2 =	vshll.u32 v2, $0xD  }
0x51: {  	v4 =	vadd.s32 $0xFC8D8048, v4;
	v2 =	vor.u32 v7, v2;
	v7 =	vxor.u32 v6, v21  }
0x52: {  	v2 =	vxor.u32 v4, v2;
	v55 =	vshrl.u32 v7, $0x6;
	v56 =	vshll.u32 v7, $0x1A  }
0x53: {  	v6 =	vadd.s32 v6, v7;
	v7 =	vadd.s32 v9, v44;
	v9 =	vadd.s32 v40, v45  }
0x54: {  	v46 =	vshrl.u32 v2, $0x11;
	v47 =	vshll.u32 v2, $0xF;
	v2 =	vadd.s32 v4, v2  }
0x55: {  	v36 =	vor.u32 v55, v56;
	v44 =	vxor.u32 v7, v37;
	v55 =	vshll.u32 v45, $0x6  }
0x56: {  	v37 =	vshll.u32 v14, $0x1D;
	v4 =	vor.u32 v46, v47;
	v43 =	vxor.u32 v6, v36  }
0x57: {  	v46 =	vxor.u32 v10, v39;
	v47 =	vshll.u32 v41, $0x6;
	v53 =	vshll.u32 v44, $0x6  }
0x58: {  	v62 =	vor.u32 v54, v55;
	v7 =	vadd.s32 v7, v44;
	v36 =	vshrl.u32 v14, $0x3  }
0x59: {  	v4 =	vxor.u32 v2, v4;
	v50 =	vshrl.u32 v43, $0x1A;
	v56 =	vshrl.u32 v46, $0x1A  }
0x5a: {  	v17 =	vor.u32 v17, v47;
	v6 =	vadd.s32 v6, v43;
	v10 =	vadd.s32 v10, v46  }
0x5b: {  	v12 =	vxor.u32 v9, v62;
	v19 =	vor.u32 v36, v37;
	v51 =	vshrl.u32 v4, $0x6  }
0x5c: {  	v52 =	vshll.u32 v4, $0x1A;
	v2 =	vadd.s32 v2, v4;
	v24 =	vxor.u32 v8, v17  }
0x5d: {  	v12 =	vadd.s32 $0x937513E5, v12;
	v14 =	vxor.u32 v5, v19;
	v4 =	vor.u32 v51, v52  }
0x5e: {  	v51 =	vshll.u32 v43, $0x6;
	v52 =	vshrl.u32 v44, $0x1A;
	v13 =	vadd.s32 $0x937513E5, v24  }
0x5f: {  	v9 =	vadd.s32 v12, v9;
	v31 =	vshrl.u32 v12, $0xF;
	v12 =	vshll.u32 v12, $0x11  }
0x60: {  	v19 =	vshrl.u32 v14, $0x10;
	v5 =	vadd.s32 v5, v14;
	v4 =	vxor.u32 v2, v4  }
0x61: {  	v60 =	vor.u32 v50, v51;
	v61 =	vor.u32 v52, v53;
	v8 =	vadd.s32 v13, v8  }
0x62: {  	v27 =	vshrl.u32 v13, $0xF;
	v13 =	vshll.u32 v13, $0x11;
	v9 =	vadd.s32 $0xFC8D8048, v9  }
0x63: {  	v12 =	vor.u32 v31, v12;
	v57 =	vshrl.u32 v4, $0x1A;
	v58 =	vshll.u32 v4, $0x6  }
0x64: {  	v2 =	vadd.s32 v2, v4;
	v26 =	vxor.u32 v7, v61;
	v8 =	vadd.s32 $0xFC8D8048, v8  }
0x65: {  	v13 =	vor.u32 v27, v13;
	v12 =	vxor.u32 v9, v12;
	v4 =	vor.u32 v57, v58  }
0x66: {  	v57 =	vshll.u32 v46, $0x6;
	v15 =	vadd.s32 $0x937513E5, v26;
	v13 =	vxor.u32 v8, v13  }
0x67: {  	v42 =	vshrl.u32 v12, $0x3;
	v43 =	vshll.u32 v12, $0x1D;
	v4 =	vxor.u32 v2, v4  }
0x68: {  	v2 =	vadd.s32 $0x937513E4, v2;
	v63 =	vor.u32 v56, v57;
	v7 =	vadd.s32 v15, v7  }
0x69: {  	v30 =	vshrl.u32 v15, $0xF;
	v15 =	vshll.u32 v15, $0x11;
	v35 =	vshll.u32 v13, $0x1D  }
0x6a: {  	v8 =	vadd.s32 v8, v13;
	v50 =	vor.u32 v42, v43;
	v4 =	vadd.s32 $0x7429887B, v4  }
0x6b: {  	v16 =	vxor.u32 v10, v63;
	v7 =	vadd.s32 $0xFC8D8048, v7;
	v15 =	vor.u32 v30, v15  }
0x6c: {  	v2 =	vxor.u32 v2, v4;
	v4 =	vshrl.u32 v11, $0x6;
	v16 =	vadd.s32 $0x937513E5, v16  }
0x6d: {  	v15 =	vxor.u32 v7, v15;
	v2 =	vshrl.u32 v2, $0x9;
	v4 =	vor.u32 v4, v34  }
0x6e: {  	v10 =	vadd.s32 v16, v10;
	v32 =	vshrl.u32 v16, $0xF;
	v16 =	vshll.u32 v16, $0x11  }
0x6f: {  	v34 =	vshrl.u32 v13, $0x3;
	v40 =	vshrl.u32 v15, $0x3;
	v41 =	vshll.u32 v15, $0x1D  }
0x70: {  	v2 =	vor.u32 $0x3F800000, v2;
	v4 =	vxor.u32 v3, v4;
	v10 =	vadd.s32 $0xFC8D8048, v10  }
0x71: {  	v16 =	vor.u32 v32, v16;
	v17 =	vor.u32 v34, v35;
	v49 =	vor.u32 v40, v41  }
0x72: {  	v2 =	vadd.f32 $-1.000000000e+00, v2;
	v58 =	vshrl.u32 v4, $0x1A;
	v59 =	vshll.u32 v4, $0x6  }
0x73: {  	v3 =	vadd.s32 v3, v4;
	v4 =	vxor.u32 v6, v60;
	v16 =	vxor.u32 v10, v16  }
0x74: {  	v54 =	vxor.u32 v8, v17;
	v23 =	vor.u32 v58, v59;
	v4 =	vadd.s32 $0x937513E5, v4  }
0x75: {  	v44 =	vshrl.u32 v16, $0x3;
	v45 =	vshll.u32 v16, $0x1D;
	v52 =	vadd.s32 v10, v16  }
0x76: {  	v56 =	vshrl.u32 v54, $0x10;
	v58 =	vshll.u32 v54, $0x10;
	v59 =	vshll.u32 v14, $0x10  }
0x77: {  	v8 =	vadd.s32 v8, v54;
	v11 =	vxor.u32 v3, v23;
	v6 =	vadd.s32 v4, v6  }
0x78: {  	v29 =	vshrl.u32 v4, $0xF;
	v4 =	vshll.u32 v4, $0x11;
	v51 =	vor.u32 v44, v45  }
0x79: {  	v16 =	vor.u32 v56, v58;
	v37 =	vor.u32 v19, v59;
	v11 =	vadd.s32 $0x937513E5, v11  }
0x7a: {  	v6 =	vadd.s32 $0xFC8D8048, v6;
	v4 =	vor.u32 v29, v4;
	v57 =	vxor.u32 v52, v51  }
0x7b: {  	v44 =	vxor.u32 v8, v16;
	v45 =	vxor.u32 v5, v37;
	v3 =	vadd.s32 v11, v3  }
0x7c: {  	v33 =	vshrl.u32 v11, $0xF;
	v11 =	vshll.u32 v11, $0x11;
	v4 =	vxor.u32 v6, v4  }
0x7d: {  	v34 =	vshrl.u32 v57, $0x10;
	v35 =	vshll.u32 v57, $0x10;
	v51 =	vshll.u32 v45, $0x18  }
0x7e: {  	v8 =	vadd.s32 v8, v44;
	v5 =	vadd.s32 v5, v45;
	v3 =	vadd.s32 $0xFC8D8048, v3  }
0x7f: {  	v11 =	vor.u32 v33, v11;
	v38 =	vshrl.u32 v4, $0x3;
	v39 =	vshll.u32 v4, $0x1D  }
0x80: {  	v4 =	vadd.s32 v6, v4;
	v6 =	vadd.s32 v7, v15;
	v7 =	vadd.s32 v9, v12  }
0x81: {  	v42 =	vor.u32 v34, v35;
	v9 =	vadd.s32 v52, v57;
	v11 =	vxor.u32 v3, v11  }
0x82: {  	v48 =	vor.u32 v38, v39;
	v15 =	vxor.u32 v6, v49;
	v13 =	vxor.u32 v7, v50  }
0x83: {  	v12 =	vxor.u32 v9, v42;
	v49 =	vshll.u32 v44, $0x18;
	v50 =	vshrl.u32 v45, $0x8  }
0x84: {  	v46 =	vshrl.u32 v11, $0x3;
	v47 =	vshll.u32 v11, $0x1D;
	v3 =	vadd.s32 v3, v11  }
0x85: {  	v55 =	vxor.u32 v4, v48;
	v62 =	vshrl.u32 v15, $0x10;
	v63 =	vshll.u32 v15, $0x10  }
0x86: {  	v32 =	vshrl.u32 v13, $0x10;
	v33 =	vshll.u32 v13, $0x10;
	v6 =	vadd.s32 v6, v15  }
0x87: {  	v7 =	vadd.s32 v7, v13;
	v48 =	vshrl.u32 v44, $0x8;
	v58 =	vshrl.u32 v12, $0x8  }
0x88: {  	v59 =	vshll.u32 v12, $0x18;
	v9 =	vadd.s32 v9, v12;
	v53 =	vor.u32 v46, v47  }
0x89: {  	v60 =	vshrl.u32 v55, $0x10;
	v61 =	vshll.u32 v55, $0x10;
	v40 =	vor.u32 v62, v63  }
0x8a: {  	v41 =	vor.u32 v32, v33;
	v4 =	vadd.s32 v4, v55;
	v17 =	vor.u32 v48, v49  }
0x8b: {  	v62 =	vor.u32 v50, v51;
	v27 =	vor.u32 v58, v59;
	v10 =	vxor.u32 v3, v53  }
0x8c: {  	v39 =	vor.u32 v60, v61;
	v15 =	vxor.u32 v6, v40;
	v47 =	vxor.u32 v7, v41  }
0x8d: {  	v11 =	vxor.u32 v8, v17;
	v29 =	vxor.u32 v5, v62;
	v33 =	vxor.u32 v9, v27  }
0x8e: {  	v36 =	vshrl.u32 v10, $0x10;
	v38 =	vshll.u32 v10, $0x10;
	v3 =	vadd.s32 v3, v10  }
0x8f: {  	v46 =	vxor.u32 v4, v39;
	v54 =	vshrl.u32 v15, $0x8;
	v55 =	vshll.u32 v15, $0x18  }
0x90: {  	v56 =	vshrl.u32 v47, $0x8;
	v57 =	vshll.u32 v47, $0x18;
	v6 =	vadd.s32 v6, v15  }
0x91: {  	v7 =	vadd.s32 v7, v47;
	v11 =	vadd.s32 $0x74298878, v11;
	v12 =	vadd.s32 $0x74298878, v29  }
0x92: {  	v16 =	vadd.s32 $0x74298878, v33;
	v43 =	vor.u32 v36, v38;
	v52 =	vshrl.u32 v46, $0x8  }
0x93: {  	v53 =	vshll.u32 v46, $0x18;
	v24 =	vor.u32 v54, v55;
	v26 =	vor.u32 v56, v57  }
0x94: {  	v4 =	vadd.s32 v4, v46;
	v8 =	vadd.s32 v11, v8;
	v34 =	vshrl.u32 v11, $0x13  }
0x95: {  	v11 =	vshll.u32 v11, $0xD;
	v5 =	vadd.s32 v12, v5;
	v35 =	vshrl.u32 v12, $0x13  }
0x96: {  	v12 =	vshll.u32 v12, $0xD;
	v9 =	vadd.s32 v16, v9;
	v39 =	vshrl.u32 v16, $0x13  }
0x97: {  	v16 =	vshll.u32 v16, $0xD;
	v10 =	vxor.u32 v3, v43;
	v63 =	vor.u32 v52, v53  }
0x98: {  	v31 =	vxor.u32 v6, v24;
	v32 =	vxor.u32 v7, v26;
	v8 =	vadd.s32 $0x937513E4, v8  }
0x99: {  	v11 =	vor.u32 v34, v11;
	v5 =	vadd.s32 $0x937513E4, v5;
	v12 =	vor.u32 v35, v12  }
0x9a: {  	v9 =	vadd.s32 $0x937513E4, v9;
	v16 =	vor.u32 v39, v16;
	v60 =	vshrl.u32 v10, $0x8  }
0x9b: {  	v61 =	vshll.u32 v10, $0x18;
	v3 =	vadd.s32 v3, v10;
	v30 =	vxor.u32 v4, v63  }
0x9c: {  	v14 =	vadd.s32 $0x74298878, v31;
	v15 =	vadd.s32 $0x74298878, v32;
	v11 =	vxor.u32 v8, v11  }
0x9d: {  	v12 =	vxor.u32 v5, v12;
	v16 =	vxor.u32 v9, v16;
	v28 =	vor.u32 v60, v61  }
0x9e: {  	v13 =	vadd.s32 $0x74298878, v30;
	v6 =	vadd.s32 v14, v6;
	v37 =	vshrl.u32 v14, $0x13  }
0x9f: {  	v14 =	vshll.u32 v14, $0xD;
	v7 =	vadd.s32 v15, v7;
	v38 =	vshrl.u32 v15, $0x13  }
0xa0: {  	v15 =	vshll.u32 v15, $0xD;
	v41 =	vshrl.u32 v11, $0x11;
	v42 =	vshll.u32 v11, $0xF  }
0xa1: {  	v43 =	vshrl.u32 v12, $0x11;
	v44 =	vshll.u32 v12, $0xF;
	v51 =	vshrl.u32 v16, $0x11  }
0xa2: {  	v52 =	vshll.u32 v16, $0xF;
	v8 =	vadd.s32 v8, v11;
	v5 =	vadd.s32 v5, v12  }
0xa3: {  	v9 =	vadd.s32 v9, v16;
	v10 =	vxor.u32 v3, v28;
	v4 =	vadd.s32 v13, v4  }
0xa4: {  	v36 =	vshrl.u32 v13, $0x13;
	v13 =	vshll.u32 v13, $0xD;
	v6 =	vadd.s32 $0x937513E4, v6  }
0xa5: {  	v14 =	vor.u32 v37, v14;
	v7 =	vadd.s32 $0x937513E4, v7;
	v15 =	vor.u32 v38, v15  }
0xa6: {  	v17 =	vor.u32 v41, v42;
	v55 =	vor.u32 v43, v44;
	v59 =	vor.u32 v51, v52  }
0xa7: {  	v10 =	vadd.s32 $0x74298878, v10;
	v4 =	vadd.s32 $0x937513E4, v4;
	v13 =	vor.u32 v36, v13  }
0xa8: {  	v14 =	vxor.u32 v6, v14;
	v15 =	vxor.u32 v7, v15;
	v11 =	vxor.u32 v8, v17  }
0xa9: {  	v12 =	vxor.u32 v5, v55;
	v16 =	vxor.u32 v9, v59;
	v3 =	vadd.s32 v10, v3  }
0xaa: {  	v40 =	vshrl.u32 v10, $0x13;
	v10 =	vshll.u32 v10, $0xD;
	v13 =	vxor.u32 v4, v13  }
0xab: {  	v47 =	vshrl.u32 v14, $0x11;
	v48 =	vshll.u32 v14, $0xF;
	v49 =	vshrl.u32 v15, $0x11  }
0xac: {  	v50 =	vshll.u32 v15, $0xF;
	v6 =	vadd.s32 v6, v14;
	v7 =	vadd.s32 v7, v15  }
0xad: {  	v17 =	vshrl.u32 v11, $0x6;
	v61 =	vshll.u32 v11, $0x1A;
	v62 =	vshrl.u32 v12, $0x6  }
0xae: {  	v63 =	vshll.u32 v12, $0x1A;
	v38 =	vshrl.u32 v16, $0x6;
	v39 =	vshll.u32 v16, $0x1A  }
0xaf: {  	v8 =	vadd.s32 v8, v11;
	v5 =	vadd.s32 v5, v12;
	v9 =	vadd.s32 v9, v16  }
0xb0: {  	v3 =	vadd.s32 $0x937513E4, v3;
	v10 =	vor.u32 v40, v10;
	v45 =	vshrl.u32 v13, $0x11  }
0xb1: {  	v46 =	vshll.u32 v13, $0xF;
	v57 =	vor.u32 v47, v48;
	v58 =	vor.u32 v49, v50  }
0xb2: {  	v4 =	vadd.s32 v4, v13;
	v17 =	vor.u32 v17, v61;
	v19 =	vor.u32 v62, v63  }
0xb3: {  	v10 =	vxor.u32 v3, v10;
	v56 =	vor.u32 v45, v46;
	v14 =	vxor.u32 v6, v57  }
0xb4: {  	v15 =	vxor.u32 v7, v58;
	v45 =	vor.u32 v38, v39;
	v47 =	vxor.u32 v8, v17  }
0xb5: {  	v48 =	vxor.u32 v5, v19;
	v53 =	vshrl.u32 v10, $0x11;
	v54 =	vshll.u32 v10, $0xF  }
0xb6: {  	v3 =	vadd.s32 v3, v10;
	v13 =	vxor.u32 v4, v56;
	v34 =	vshrl.u32 v14, $0x6  }
0xb7: {  	v35 =	vshll.u32 v14, $0x1A;
	v36 =	vshrl.u32 v15, $0x6;
	v37 =	vshll.u32 v15, $0x1A  }
0xb8: {  	v6 =	vadd.s32 v6, v14;
	v7 =	vadd.s32 v7, v15;
	v51 =	vshrl.u32 v47, $0x1A  }
0xb9: {  	v52 =	vxor.u32 v9, v45;
	v19 =	vshrl.u32 v48, $0x1A;
	v8 =	vadd.s32 v8, v47  }
0xba: {  	v5 =	vadd.s32 v5, v48;
	v60 =	vor.u32 v53, v54;
	v32 =	vshrl.u32 v13, $0x6  }
0xbb: {  	v33 =	vshll.u32 v13, $0x1A;
	v43 =	vor.u32 v34, v35;
	v44 =	vor.u32 v36, v37  }
0xbc: {  	v4 =	vadd.s32 v4, v13;
	v53 =	vshll.u32 v47, $0x6;
	v54 =	vshll.u32 v48, $0x6  }
0xbd: {  	v61 =	vshrl.u32 v52, $0x1A;
	v62 =	vshll.u32 v52, $0x6;
	v9 =	vadd.s32 v9, v52  }
0xbe: {  	v10 =	vxor.u32 v3, v60;
	v42 =	vor.u32 v32, v33;
	v50 =	vxor.u32 v6, v43  }
0xbf: {  	v11 =	vxor.u32 v7, v44;
	v16 =	vor.u32 v51, v53;
	v31 =	vor.u32 v19, v54  }
0xc0: {  	v36 =	vor.u32 v61, v62;
	v40 =	vshrl.u32 v10, $0x6;
	v41 =	vshll.u32 v10, $0x1A  }
0xc1: {  	v3 =	vadd.s32 v3, v10;
	v49 =	vxor.u32 v4, v42;
	v57 =	vshrl.u32 v50, $0x1A  }
0xc2: {  	v58 =	vshll.u32 v50, $0x6;
	v59 =	vshrl.u32 v11, $0x1A;
	v60 =	vshll.u32 v11, $0x6  }
0xc3: {  	v6 =	vadd.s32 v6, v50;
	v7 =	vadd.s32 v7, v11;
	v38 =	vxor.u32 v8, v16  }
0xc4: {  	v39 =	vxor.u32 v5, v31;
	v13 =	vxor.u32 v9, v36;
	v46 =	vor.u32 v40, v41  }
0xc5: {  	v55 =	vshrl.u32 v49, $0x1A;
	v56 =	vshll.u32 v49, $0x6;
	v34 =	vor.u32 v57, v58  }
0xc6: {  	v35 =	vor.u32 v59, v60;
	v4 =	vadd.s32 v4, v49;
	v11 =	vadd.s32 $0xFC8D804B, v38  }
0xc7: {  	v13 =	vadd.s32 $0xFC8D804B, v13;
	v12 =	vxor.u32 v3, v46;
	v33 =	vor.u32 v55, v56  }
0xc8: {  	v15 =	vxor.u32 v6, v34;
	v41 =	vxor.u32 v7, v35;
	v8 =	vadd.s32 v11, v8  }
0xc9: {  	v42 =	vshrl.u32 v11, $0xF;
	v11 =	vshll.u32 v11, $0x11;
	v9 =	vadd.s32 v13, v9  }
0xca: {  	v47 =	vshrl.u32 v13, $0xF;
	v13 =	vshll.u32 v13, $0x11;
	v63 =	vshrl.u32 v12, $0x1A  }
0xcb: {  	v32 =	vshll.u32 v12, $0x6;
	v3 =	vadd.s32 v3, v12;
	v40 =	vxor.u32 v4, v33  }
0xcc: {  	v12 =	vadd.s32 $0xFC8D804B, v39;
	v15 =	vadd.s32 $0xFC8D804B, v15;
	v16 =	vadd.s32 $0xFC8D804B, v41  }
0xcd: {  	v8 =	vadd.s32 $0x74298876, v8;
	v11 =	vor.u32 v42, v11;
	v9 =	vadd.s32 $0x74298876, v9  }
0xce: {  	v13 =	vor.u32 v47, v13;
	v37 =	vor.u32 v63, v32;
	v14 =	vadd.s32 $0xFC8D804B, v40  }
0xcf: {  	v5 =	vadd.s32 v12, v5;
	v43 =	vshrl.u32 v12, $0xF;
	v12 =	vshll.u32 v12, $0x11  }
0xd0: {  	v6 =	vadd.s32 v15, v6;
	v45 =	vshrl.u32 v15, $0xF;
	v15 =	vshll.u32 v15, $0x11  }
0xd1: {  	v7 =	vadd.s32 v16, v7;
	v46 =	vshrl.u32 v16, $0xF;
	v16 =	vshll.u32 v16, $0x11  }
0xd2: {  	v11 =	vxor.u32 v8, v11;
	v13 =	vxor.u32 v9, v13;
	v10 =	vxor.u32 v3, v37  }
0xd3: {  	v4 =	vadd.s32 v14, v4;
	v44 =	vshrl.u32 v14, $0xF;
	v14 =	vshll.u32 v14, $0x11  }
0xd4: {  	v5 =	vadd.s32 $0x74298876, v5;
	v12 =	vor.u32 v43, v12;
	v6 =	vadd.s32 $0x74298876, v6  }
0xd5: {  	v15 =	vor.u32 v45, v15;
	v7 =	vadd.s32 $0x74298876, v7;
	v16 =	vor.u32 v46, v16  }
0xd6: {  	v49 =	vshrl.u32 v11, $0x3;
	v50 =	vshll.u32 v11, $0x1D;
	v59 =	vshrl.u32 v13, $0x3  }
0xd7: {  	v60 =	vshll.u32 v13, $0x1D;
	v8 =	vadd.s32 v8, v11;
	v9 =	vadd.s32 v9, v13  }
0xd8: {  	v10 =	vadd.s32 $0xFC8D804B, v10;
	v4 =	vadd.s32 $0x74298876, v4;
	v14 =	vor.u32 v44, v14  }
0xd9: {  	v12 =	vxor.u32 v5, v12;
	v15 =	vxor.u32 v6, v15;
	v16 =	vxor.u32 v7, v16  }
0xda: {  	v17 =	vor.u32 v49, v50;
	v33 =	vor.u32 v59, v60;
	v3 =	vadd.s32 v10, v3  }
0xdb: {  	v48 =	vshrl.u32 v10, $0xF;
	v10 =	vshll.u32 v10, $0x11;
	v14 =	vxor.u32 v4, v14  }
0xdc: {  	v51 =	vshrl.u32 v12, $0x3;
	v52 =	vshll.u32 v12, $0x1D;
	v55 =	vshrl.u32 v15, $0x3  }
0xdd: {  	v56 =	vshll.u32 v15, $0x1D;
	v57 =	vshrl.u32 v16, $0x3;
	v58 =	vshll.u32 v16, $0x1D  }
0xde: {  	v5 =	vadd.s32 v5, v12;
	v6 =	vadd.s32 v6, v15;
	v7 =	vadd.s32 v7, v16  }
0xdf: {  	v35 =	vxor.u32 v8, v17;
	v11 =	vxor.u32 v9, v33;
	v3 =	vadd.s32 $0x74298876, v3  }
0xe0: {  	v10 =	vor.u32 v48, v10;
	v53 =	vshrl.u32 v14, $0x3;
	v54 =	vshll.u32 v14, $0x1D  }
0xe1: {  	v62 =	vor.u32 v51, v52;
	v31 =	vor.u32 v55, v56;
	v32 =	vor.u32 v57, v58  }
0xe2: {  	v4 =	vadd.s32 v4, v14;
	v17 =	vshrl.u32 v35, $0x10;
	v37 =	vshll.u32 v35, $0x10  }
0xe3: {  	v46 =	vshrl.u32 v11, $0x10;
	v47 =	vshll.u32 v11, $0x10;
	v8 =	vadd.s32 v8, v35  }
0xe4: {  	v9 =	vadd.s32 v9, v11;
	v10 =	vxor.u32 v3, v10;
	v30 =	vor.u32 v53, v54  }
0xe5: {  	v36 =	vxor.u32 v5, v62;
	v15 =	vxor.u32 v6, v31;
	v16 =	vxor.u32 v7, v32  }
0xe6: {  	v17 =	vor.u32 v17, v37;
	v54 =	vor.u32 v46, v47;
	v61 =	vshrl.u32 v10, $0x3  }
0xe7: {  	v63 =	vshll.u32 v10, $0x1D;
	v3 =	vadd.s32 v3, v10;
	v14 =	vxor.u32 v4, v30  }
0xe8: {  	v38 =	vshrl.u32 v36, $0x10;
	v39 =	vshll.u32 v36, $0x10;
	v42 =	vshrl.u32 v15, $0x10  }
0xe9: {  	v43 =	vshll.u32 v15, $0x10;
	v44 =	vshrl.u32 v16, $0x10;
	v45 =	vshll.u32 v16, $0x10  }
0xea: {  	v5 =	vadd.s32 v5, v36;
	v6 =	vadd.s32 v6, v15;
	v7 =	vadd.s32 v7, v16  }
0xeb: {  	v55 =	vxor.u32 v8, v17;
	v34 =	vor.u32 v61, v63;
	v40 =	vshrl.u32 v14, $0x10  }
0xec: {  	v41 =	vshll.u32 v14, $0x10;
	v50 =	vor.u32 v38, v39;
	v52 =	vor.u32 v42, v43  }
0xed: {  	v53 =	vor.u32 v44, v45;
	v4 =	vadd.s32 v4, v14;
	v61 =	vxor.u32 v9, v54  }
0xee: {  	v17 =	vshrl.u32 v55, $0x8;
	v62 =	vshll.u32 v55, $0x18;
	v8 =	vadd.s32 v8, v55  }
0xef: {  	v10 =	vxor.u32 v3, v34;
	v51 =	vor.u32 v40, v41;
	v57 =	vxor.u32 v5, v50  }
0xf0: {  	v59 =	vxor.u32 v6, v52;
	v60 =	vxor.u32 v7, v53;
	v39 =	vshrl.u32 v61, $0x8  }
0xf1: {  	v40 =	vshll.u32 v61, $0x18;
	v17 =	vor.u32 v17, v62;
	v9 =	vadd.s32 v9, v61  }
0xf2: {  	v48 =	vshrl.u32 v10, $0x10;
	v49 =	vshll.u32 v10, $0x10;
	v3 =	vadd.s32 v3, v10  }
0xf3: {  	v58 =	vxor.u32 v4, v51;
	v63 =	vshrl.u32 v57, $0x8;
	v32 =	vshll.u32 v57, $0x18  }
0xf4: {  	v35 =	vshrl.u32 v59, $0x8;
	v36 =	vshll.u32 v59, $0x18;
	v37 =	vshrl.u32 v60, $0x8  }
0xf5: {  	v38 =	vshll.u32 v60, $0x18;
	v46 =	vor.u32 v39, v40;
	v5 =	vadd.s32 v5, v57  }
0xf6: {  	v6 =	vadd.s32 v6, v59;
	v7 =	vadd.s32 v7, v60;
	v56 =	vor.u32 v48, v49  }
0xf7: {  	v33 =	vshrl.u32 v58, $0x8;
	v34 =	vshll.u32 v58, $0x18;
	v19 =	vor.u32 v63, v32  }
0xf8: {  	v44 =	vor.u32 v35, v36;
	v45 =	vor.u32 v37, v38;
	v4 =	vadd.s32 v4, v58  }
0xf9: {  	v48 =	vxor.u32 v8, v17;
	v16 =	vxor.u32 v9, v46;
	v10 =	vxor.u32 v3, v56  }
0xfa: {  	v43 =	vor.u32 v33, v34;
	v49 =	vxor.u32 v5, v19;
	v51 =	vxor.u32 v6, v44  }
0xfb: {  	v11 =	vxor.u32 v7, v45;
	v13 =	vadd.s32 $0x937513E8, v48;
	v16 =	vadd.s32 $0x937513E8, v16  }
0xfc: {  	v41 =	vshrl.u32 v10, $0x8;
	v42 =	vshll.u32 v10, $0x18;
	v3 =	vadd.s32 v3, v10  }
0xfd: {  	v50 =	vxor.u32 v4, v43;
	v14 =	vadd.s32 $0x937513E8, v49;
	v15 =	vadd.s32 $0x937513E8, v51  }
0xfe: {  	v11 =	vadd.s32 $0x937513E8, v11;
	v8 =	vadd.s32 v13, v8;
	v52 =	vshrl.u32 v13, $0x13  }
0xff: {  	v13 =	vshll.u32 v13, $0xD;
	v9 =	vadd.s32 v16, v9;
	v57 =	vshrl.u32 v16, $0x13  }
0x100: {  	v16 =	vshll.u32 v16, $0xD;
	v47 =	vor.u32 v41, v42;
	v10 =	vadd.s32 $0x937513E8, v50  }
0x101: {  	v5 =	vadd.s32 v14, v5;
	v53 =	vshrl.u32 v14, $0x13;
	v14 =	vshll.u32 v14, $0xD  }
0x102: {  	v6 =	vadd.s32 v15, v6;
	v55 =	vshrl.u32 v15, $0x13;
	v15 =	vshll.u32 v15, $0xD  }
0x103: {  	v7 =	vadd.s32 v11, v7;
	v56 =	vshrl.u32 v11, $0x13;
	v11 =	vshll.u32 v11, $0xD  }
0x104: {  	v8 =	vadd.s32 $0xFC8D8048, v8;
	v13 =	vor.u32 v52, v13;
	v9 =	vadd.s32 $0xFC8D8048, v9  }
0x105: {  	v16 =	vor.u32 v57, v16;
	v12 =	vxor.u32 v3, v47;
	v4 =	vadd.s32 v10, v4  }
0x106: {  	v54 =	vshrl.u32 v10, $0x13;
	v10 =	vshll.u32 v10, $0xD;
	v5 =	vadd.s32 $0xFC8D8048, v5  }
0x107: {  	v14 =	vor.u32 v53, v14;
	v6 =	vadd.s32 $0xFC8D8048, v6;
	v15 =	vor.u32 v55, v15  }
0x108: {  	v7 =	vadd.s32 $0xFC8D8048, v7;
	v11 =	vor.u32 v56, v11;
	v13 =	vxor.u32 v8, v13  }
0x109: {  	v16 =	vxor.u32 v9, v16;
	v12 =	vadd.s32 $0x937513E8, v12;
	v4 =	vadd.s32 $0xFC8D8048, v4  }
0x10a: {  	v10 =	vor.u32 v54, v10;
	v14 =	vxor.u32 v5, v14;
	v15 =	vxor.u32 v6, v15  }
0x10b: {  	v11 =	vxor.u32 v7, v11;
	v59 =	vshrl.u32 v13, $0x11;
	v60 =	vshll.u32 v13, $0xF  }
0x10c: {  	v37 =	vshrl.u32 v16, $0x11;
	v38 =	vshll.u32 v16, $0xF;
	v8 =	vadd.s32 v8, v13  }
0x10d: {  	v9 =	vadd.s32 v9, v16;
	v3 =	vadd.s32 v12, v3;
	v58 =	vshrl.u32 v12, $0x13  }
0x10e: {  	v12 =	vshll.u32 v12, $0xD;
	v10 =	vxor.u32 v4, v10;
	v61 =	vshrl.u32 v14, $0x11  }
0x10f: {  	v62 =	vshll.u32 v14, $0xF;
	v33 =	vshrl.u32 v15, $0x11;
	v34 =	vshll.u32 v15, $0xF  }
0x110: {  	v35 =	vshrl.u32 v11, $0x11;
	v36 =	vshll.u32 v11, $0xF;
	v17 =	vor.u32 v59, v60  }
0x111: {  	v44 =	vor.u32 v37, v38;
	v5 =	vadd.s32 v5, v14;
	v6 =	vadd.s32 v6, v15  }
0x112: {  	v7 =	vadd.s32 v7, v11;
	v3 =	vadd.s32 $0xFC8D8048, v3;
	v12 =	vor.u32 v58, v12  }
0x113: {  	v63 =	vshrl.u32 v10, $0x11;
	v32 =	vshll.u32 v10, $0xF;
	v19 =	vor.u32 v61, v62  }
0x114: {  	v42 =	vor.u32 v33, v34;
	v43 =	vor.u32 v35, v36;
	v4 =	vadd.s32 v4, v10  }
0x115: {  	v46 =	vxor.u32 v8, v17;
	v49 =	vxor.u32 v9, v44;
	v12 =	vxor.u32 v3, v12  }
0x116: {  	v41 =	vor.u32 v63, v32;
	v14 =	vxor.u32 v5, v19;
	v15 =	vxor.u32 v6, v42  }
0x117: {  	v13 =	vxor.u32 v7, v43;
	v48 =	vshrl.u32 v46, $0x6;
	v50 =	vshll.u32 v46, $0x1A  }
0x118: {  	v58 =	vshrl.u32 v49, $0x6;
	v59 =	vshll.u32 v49, $0x1A;
	v8 =	vadd.s32 v8, v46  }
0x119: {  	v9 =	vadd.s32 v9, v49;
	v39 =	vshrl.u32 v12, $0x11;
	v40 =	vshll.u32 v12, $0xF  }
0x11a: {  	v3 =	vadd.s32 v3, v12;
	v47 =	vxor.u32 v4, v41;
	v19 =	vshrl.u32 v14, $0x6  }
0x11b: {  	v51 =	vshll.u32 v14, $0x1A;
	v54 =	vshrl.u32 v15, $0x6;
	v55 =	vshll.u32 v15, $0x1A  }
0x11c: {  	v56 =	vshrl.u32 v13, $0x6;
	v57 =	vshll.u32 v13, $0x1A;
	v16 =	vor.u32 v48, v50  }
0x11d: {  	v5 =	vadd.s32 v5, v14;
	v31 =	vor.u32 v58, v59;
	v6 =	vadd.s32 v6, v15  }
0x11e: {  	v7 =	vadd.s32 v7, v13;
	v45 =	vor.u32 v39, v40;
	v52 =	vshrl.u32 v47, $0x6  }
0x11f: {  	v53 =	vshll.u32 v47, $0x1A;
	v61 =	vor.u32 v19, v51;
	v24 =	vor.u32 v54, v55  }
0x120: {  	v30 =	vor.u32 v56, v57;
	v4 =	vadd.s32 v4, v47;
	v33 =	vxor.u32 v8, v16  }
0x121: {  	v11 =	vxor.u32 v9, v31;
	v10 =	vxor.u32 v3, v45;
	v63 =	vor.u32 v52, v53  }
0x122: {  	v34 =	vxor.u32 v5, v61;
	v15 =	vxor.u32 v6, v24;
	v36 =	vxor.u32 v7, v30  }
0x123: {  	v37 =	vshrl.u32 v33, $0x1A;
	v38 =	vshll.u32 v33, $0x6;
	v47 =	vshrl.u32 v11, $0x1A  }
0x124: {  	v48 =	vshll.u32 v11, $0x6;
	v8 =	vadd.s32 v8, v33;
	v9 =	vadd.s32 v9, v11  }
0x125: {  	v60 =	vshrl.u32 v10, $0x6;
	v62 =	vshll.u32 v10, $0x1A;
	v3 =	vadd.s32 v3, v10  }
0x126: {  	v35 =	vxor.u32 v4, v63;
	v39 =	vshrl.u32 v34, $0x1A;
	v40 =	vshll.u32 v34, $0x6  }
0x127: {  	v43 =	vshrl.u32 v15, $0x1A;
	v44 =	vshll.u32 v15, $0x6;
	v45 =	vshrl.u32 v36, $0x1A  }
0x128: {  	v46 =	vshll.u32 v36, $0x6;
	v17 =	vor.u32 v37, v38;
	v55 =	vor.u32 v47, v48  }
0x129: {  	v5 =	vadd.s32 v5, v34;
	v6 =	vadd.s32 v6, v15;
	v7 =	vadd.s32 v7, v36  }
0x12a: {  	v32 =	vor.u32 v60, v62;
	v41 =	vshrl.u32 v35, $0x1A;
	v42 =	vshll.u32 v35, $0x6  }
0x12b: {  	v51 =	vor.u32 v39, v40;
	v53 =	vor.u32 v43, v44;
	v54 =	vor.u32 v45, v46  }
0x12c: {  	v4 =	vadd.s32 v4, v35;
	v56 =	vxor.u32 v8, v17;
	v62 =	vxor.u32 v9, v55  }
0x12d: {  	v8 =	vadd.s32 $0x937513E4, v8;
	v9 =	vadd.s32 $0x937513E4, v9;
	v10 =	vxor.u32 v3, v32  }
0x12e: {  	v52 =	vor.u32 v41, v42;
	v58 =	vxor.u32 v5, v51;
	v60 =	vxor.u32 v6, v53  }
0x12f: {  	v61 =	vxor.u32 v7, v54;
	v11 =	vadd.s32 $0x7429887B, v56;
	v16 =	vadd.s32 $0x7429887B, v62  }
0x130: {  	v5 =	vadd.s32 $0x937513E4, v5;
	v6 =	vadd.s32 $0x937513E4, v6;
	v7 =	vadd.s32 $0x937513E4, v7  }
0x131: {  	v49 =	vshrl.u32 v10, $0x1A;
	v50 =	vshll.u32 v10, $0x6;
	v3 =	vadd.s32 v3, v10  }
0x132: {  	v59 =	vxor.u32 v4, v52;
	v12 =	vadd.s32 $0x7429887B, v58;
	v14 =	vadd.s32 $0x7429887B, v60  }
0x133: {  	v15 =	vadd.s32 $0x7429887B, v61;
	v4 =	vadd.s32 $0x937513E4, v4;
	v8 =	vxor.u32 v8, v11  }
0x134: {  	v9 =	vxor.u32 v9, v16;
	v57 =	vor.u32 v49, v50;
	v13 =	vadd.s32 $0x7429887B, v59  }
0x135: {  	v5 =	vxor.u32 v5, v12;
	v6 =	vxor.u32 v6, v14;
	v7 =	vxor.u32 v7, v15  }
0x136: {  	v8 =	vshrl.u32 v8, $0x9;
	v9 =	vshrl.u32 v9, $0x9;
	v10 =	vxor.u32 v3, v57  }
0x137: {  	v3 =	vadd.s32 $0x937513E4, v3;
	v4 =	vxor.u32 v4, v13;
	v5 =	vshrl.u32 v5, $0x9  }
0x138: {  	s13 =	simm.s32 $0x40;
	v6 =	vshrl.u32 v6, $0x9;
	v7 =	vshrl.u32 v7, $0x9;
	v8 =	vor.u32 $0x3F800000, v8  }
0x139: {  	[tilespmem:s13+$0x20] =	vst v2;
	v2 =	vor.u32 $0x3F800000, v9;
	v10 =	vadd.s32 $0x7429887B, v10;
	v4 =	vshrl.u32 v4, $0x9  }
0x13a: {  	v5 =	vor.u32 $0x3F800000, v5;
	v6 =	vor.u32 $0x3F800000, v6;
	v63 =	vor.u32 $0x3F800000, v7  }
0x13b: {  	v8 =	vadd.f32 $-1.000000000e+00, v8;
	v3 =	vxor.u32 v3, v10;
	v4 =	vor.u32 $0x3F800000, v4  }
0x13c: {  	v5 =	vadd.f32 $-1.000000000e+00, v5;
	v6 =	vadd.f32 $-1.000000000e+00, v6;
	v3 =	vshrl.u32 v3, $0x9  }
0x13d: {  	v7 =	vadd.f32 $-1.000000000e+00, v4;
	[tilespmem:s13+$0xFFFFFFC0] =	vst v8;
	v4 =	vadd.f32 $-1.000000000e+00, v63;
	v3 =	vor.u32 $0x3F800000, v3  }
0x13e: {  	s15 =	simm.s32 $0x0;
	s16 =	sadd.s32 $0x80, s11;
	s14 =	sadd.s32 s4, s12;
	[tilespmem:s13+$0xFFFFFFD0] =	vst v5;
	v5 =	vadd.f32 $-1.000000000e+00, v2;
	v3 =	vadd.f32 $-1.000000000e+00, v3  }
.LBB2_3:
0x13f: {  	s17 =	sadd.s32 $0xFFFFFFA0, s16;
	s23 =	sadd.s32 $0xFFFFFFF0, s16;
	v8 =	vadd.s32 s16, v0;
	v2 =	vadd.s32 s16, v1;
	s15 =	sadd.s32 $0x8, s15;
	[tilespmem:s13+$0xFFFFFFE0] =	vst v7  }
0x140: {  	s18 =	sadd.s32 $0xFFFFFFB0, s16;
	s19 =	sadd.s32 $0xFFFFFFC0, s16;
	v7 =	vadd.s32 s17, v0;
	v9 =	vadd.s32 s23, v0;
	v10 =	vshrl.u32 v8, $0x13;
	p0 =	slt.u32 s15, $0x778;
	[tilespmem:s13+$0xFFFFFFF0] =	vst v6  }
0x141: {  	s22 =	sadd.s32 $0xFFFFFF90, s16;
	s21 =	sadd.s32 $0xFFFFFFD0, s16;
	s20 =	sadd.s32 $0xFFFFFFE0, s16;
	v6 =	vadd.s32 s18, v0;
	v11 =	vshrl.u32 v9, $0x13;
	v9 =	vshll.u32 v9, $0xD;
	[tilespmem:s13+$0x0] =	vst v4  }
0x142: {  	v12 =	vadd.s32 s23, v1;
	v4 =	vadd.s32 s22, v0;
	v9 =	vor.u32 v11, v9;
	[tilespmem:s13+$0x10] =	vst v5  }
0x143: {  	v5 =	vadd.s32 s19, v0;
	v11 =	vadd.s32 s21, v0;
	v9 =	vxor.u32 v12, v9;
	[tilespmem:s13+$0x30] =	vst v3  }
0x144: {  	v3 =	vadd.s32 s20, v0;
	v13 =	vshrl.u32 v9, $0x11;
	v14 =	vshll.u32 v9, $0xF  }
0x145: {  	v15 =	vshrl.u32 v4, $0x13;
	v9 =	vadd.s32 v12, v9;
	v12 =	vor.u32 v13, v14  }
0x146: {  	v4 =	vshll.u32 v4, $0xD;
	v13 =	vshrl.u32 v7, $0x13;
	v12 =	vxor.u32 v9, v12  }
0x147: {  	v7 =	vshll.u32 v7, $0xD;
	v14 =	vshrl.u32 v12, $0x6;
	v16 =	vshll.u32 v12, $0x1A  }
0x148: {  	v17 =	vshrl.u32 v6, $0x13;
	v9 =	vadd.s32 v9, v12;
	v12 =	vor.u32 v14, v16  }
0x149: {  	v6 =	vshll.u32 v6, $0xD;
	v14 =	vshrl.u32 v5, $0x13;
	v12 =	vxor.u32 v9, v12  }
0x14a: {  	v5 =	vshll.u32 v5, $0xD;
	v16 =	vshrl.u32 v12, $0x1A;
	v18 =	vshll.u32 v12, $0x6  }
0x14b: {  	v19 =	vshrl.u32 v11, $0x13;
	v9 =	vadd.s32 v9, v12;
	v12 =	vor.u32 v16, v18  }
0x14c: {  	v11 =	vshll.u32 v11, $0xD;
	v16 =	vshrl.u32 v3, $0x13;
	v12 =	vxor.u32 v9, v12  }
0x14d: {  	v8 =	vshll.u32 v8, $0xD;
	v3 =	vshll.u32 v3, $0xD;
	v12 =	vadd.s32 $0x937513E5, v12  }
0x14e: {  	v9 =	vadd.s32 v12, v9;
	v18 =	vshrl.u32 v12, $0xF;
	v12 =	vshll.u32 v12, $0x11  }
0x14f: {  	v4 =	vor.u32 v15, v4;
	v9 =	vadd.s32 $0xFC8D8048, v9;
	v12 =	vor.u32 v18, v12  }
0x150: {  	v6 =	vor.u32 v17, v6;
	v7 =	vor.u32 v13, v7;
	v12 =	vxor.u32 v9, v12  }
0x151: {  	v5 =	vor.u32 v14, v5;
	v13 =	vshrl.u32 v12, $0x3;
	v14 =	vshll.u32 v12, $0x1D  }
0x152: {  	v11 =	vor.u32 v19, v11;
	v9 =	vadd.s32 v9, v12;
	v12 =	vor.u32 v13, v14  }
0x153: {  	v8 =	vor.u32 v10, v8;
	v3 =	vor.u32 v16, v3;
	v12 =	vxor.u32 v9, v12  }
0x154: {  	v10 =	vadd.s32 s22, v1;
	v13 =	vshrl.u32 v12, $0x10;
	v14 =	vshll.u32 v12, $0x10  }
0x155: {  	v15 =	vadd.s32 s17, v1;
	v9 =	vadd.s32 v9, v12;
	v12 =	vor.u32 v13, v14  }
0x156: {  	v13 =	vadd.s32 s18, v1;
	v14 =	vadd.s32 s19, v1;
	v12 =	vxor.u32 v9, v12  }
0x157: {  	v16 =	vadd.s32 s21, v1;
	v17 =	vshrl.u32 v12, $0x8;
	v18 =	vshll.u32 v12, $0x18  }
0x158: {  	v19 =	vadd.s32 s20, v1;
	v9 =	vadd.s32 v9, v12;
	v12 =	vor.u32 v17, v18  }
0x159: {  	v4 =	vxor.u32 v10, v4;
	v7 =	vxor.u32 v15, v7;
	v12 =	vxor.u32 v9, v12  }
0x15a: {  	v6 =	vxor.u32 v13, v6;
	v5 =	vxor.u32 v14, v5;
	v12 =	vadd.s32 $0x74298878, v12  }
0x15b: {  	v9 =	vadd.s32 v12, v9;
	v17 =	vshrl.u32 v12, $0x13;
	v12 =	vshll.u32 v12, $0xD  }
0x15c: {  	v11 =	vxor.u32 v16, v11;
	v9 =	vadd.s32 $0x937513E4, v9;
	v12 =	vor.u32 v17, v12  }
0x15d: {  	v8 =	vxor.u32 v2, v8;
	v3 =	vxor.u32 v19, v3;
	v12 =	vxor.u32 v9, v12  }
0x15e: {  	v17 =	vshrl.u32 v4, $0x11;
	v18 =	vshrl.u32 v12, $0x11;
	v20 =	vshll.u32 v12, $0xF  }
0x15f: {  	v21 =	vshll.u32 v4, $0xF;
	v9 =	vadd.s32 v9, v12;
	v12 =	vor.u32 v18, v20  }
0x160: {  	v18 =	vshrl.u32 v7, $0x11;
	v20 =	vshll.u32 v7, $0xF;
	v12 =	vxor.u32 v9, v12  }
0x161: {  	v22 =	vshrl.u32 v6, $0x11;
	v23 =	vshrl.u32 v12, $0x6;
	v24 =	vshll.u32 v12, $0x1A  }
0x162: {  	v25 =	vshll.u32 v6, $0xF;
	v9 =	vadd.s32 v9, v12;
	v12 =	vor.u32 v23, v24  }
0x163: {  	v23 =	vshrl.u32 v5, $0x11;
	v24 =	vshll.u32 v5, $0xF;
	v12 =	vxor.u32 v9, v12  }
0x164: {  	v26 =	vshrl.u32 v11, $0x11;
	v27 =	vshrl.u32 v12, $0x1A;
	v28 =	vshll.u32 v12, $0x6  }
0x165: {  	v29 =	vshll.u32 v11, $0xF;
	v9 =	vadd.s32 v9, v12;
	v12 =	vor.u32 v27, v28  }
0x166: {  	v27 =	vshrl.u32 v3, $0x11;
	v28 =	vshll.u32 v3, $0xF;
	v12 =	vxor.u32 v9, v12  }
0x167: {  	v30 =	vshrl.u32 v8, $0x11;
	v31 =	vshll.u32 v8, $0xF;
	v12 =	vadd.s32 $0xFC8D804B, v12  }
0x168: {  	v9 =	vadd.s32 v12, v9;
	v32 =	vshrl.u32 v12, $0xF;
	v12 =	vshll.u32 v12, $0x11  }
0x169: {  	v17 =	vor.u32 v17, v21;
	v9 =	vadd.s32 $0x74298876, v9;
	v12 =	vor.u32 v32, v12  }
0x16a: {  	v18 =	vor.u32 v18, v20;
	v20 =	vor.u32 v22, v25;
	v12 =	vxor.u32 v9, v12  }
0x16b: {  	v21 =	vor.u32 v23, v24;
	v22 =	vshrl.u32 v12, $0x3;
	v23 =	vshll.u32 v12, $0x1D  }
0x16c: {  	v24 =	vor.u32 v26, v29;
	v9 =	vadd.s32 v9, v12;
	v12 =	vor.u32 v22, v23  }
0x16d: {  	v4 =	vadd.s32 v10, v4;
	v10 =	vor.u32 v27, v28;
	v12 =	vxor.u32 v9, v12  }
0x16e: {  	v7 =	vadd.s32 v15, v7;
	v15 =	vshrl.u32 v12, $0x10;
	v22 =	vshll.u32 v12, $0x10  }
0x16f: {  	v6 =	vadd.s32 v13, v6;
	v9 =	vadd.s32 v9, v12;
	v12 =	vor.u32 v15, v22  }
0x170: {  	v11 =	vadd.s32 v16, v11;
	v5 =	vadd.s32 v14, v5;
	v12 =	vxor.u32 v9, v12  }
0x171: {  	v3 =	vadd.s32 v19, v3;
	v13 =	vshrl.u32 v12, $0x8;
	v14 =	vshll.u32 v12, $0x18  }
0x172: {  	v9 =	vadd.s32 v9, v12;
	v12 =	vor.u32 v13, v14;
	v13 =	vor.u32 v30, v31  }
0x173: {  	v2 =	vadd.s32 v2, v8;
	v14 =	vxor.u32 v4, v17;
	v12 =	vxor.u32 v9, v12  }
0x174: {  	v8 =	vxor.u32 v7, v18;
	v15 =	vxor.u32 v6, v20;
	v12 =	vadd.s32 $0x937513E8, v12  }
0x175: {  	v9 =	vadd.s32 v12, v9;
	v16 =	vshrl.u32 v12, $0x13;
	v12 =	vshll.u32 v12, $0xD  }
0x176: {  	v17 =	vxor.u32 v5, v21;
	v9 =	vadd.s32 $0xFC8D8048, v9;
	v12 =	vor.u32 v16, v12  }
0x177: {  	v10 =	vxor.u32 v3, v10;
	v16 =	vxor.u32 v11, v24;
	v12 =	vxor.u32 v9, v12  }
0x178: {  	v13 =	vxor.u32 v2, v13;
	v18 =	vshrl.u32 v12, $0x11;
	v19 =	vshll.u32 v12, $0xF  }
0x179: {  	v20 =	vshrl.u32 v14, $0x6;
	v9 =	vadd.s32 v9, v12;
	v12 =	vor.u32 v18, v19  }
0x17a: {  	v18 =	vshll.u32 v14, $0x1A;
	v19 =	vshrl.u32 v8, $0x6;
	v12 =	vxor.u32 v9, v12  }
0x17b: {  	v21 =	vshll.u32 v8, $0x1A;
	v22 =	vshrl.u32 v12, $0x6;
	v23 =	vshll.u32 v12, $0x1A  }
0x17c: {  	v24 =	vshrl.u32 v15, $0x6;
	v9 =	vadd.s32 v9, v12;
	v12 =	vor.u32 v22, v23  }
0x17d: {  	v22 =	vshll.u32 v15, $0x1A;
	v23 =	vshrl.u32 v17, $0x6;
	v12 =	vxor.u32 v9, v12  }
0x17e: {  	v25 =	vshll.u32 v17, $0x1A;
	v26 =	vshrl.u32 v12, $0x1A;
	v27 =	vshll.u32 v12, $0x6  }
0x17f: {  	v28 =	vshrl.u32 v16, $0x6;
	v9 =	vadd.s32 v9, v12;
	v12 =	vor.u32 v26, v27  }
0x180: {  	v26 =	vshll.u32 v16, $0x1A;
	v27 =	vshrl.u32 v10, $0x6;
	v12 =	vxor.u32 v9, v12  }
0x181: {  	v29 =	vshll.u32 v10, $0x1A;
	v9 =	vadd.s32 $0x937513E4, v9;
	v12 =	vadd.s32 $0x7429887B, v12  }
0x182: {  	v30 =	vshll.u32 v13, $0x1A;
	v9 =	vxor.u32 v9, v12;
	v12 =	vshrl.u32 v13, $0x6  }
0x183: {  	v18 =	vor.u32 v20, v18;
	v19 =	vor.u32 v19, v21;
	v9 =	vshrl.u32 v9, $0x9  }
0x184: {  	v20 =	vor.u32 v24, v22;
	v21 =	vor.u32 v23, v25;
	v9 =	vor.u32 $0x3F800000, v9  }
0x185: {  	v22 =	vor.u32 v28, v26;
	v23 =	vor.u32 v27, v29;
	v9 =	vadd.f32 $-1.000000000e+00, v9  }
0x186: {  	s13 =	sadd.s32 $0x80, s13;
	v7 =	vadd.s32 v7, v8;
	v6 =	vadd.s32 v6, v15;
	v4 =	vadd.s32 v4, v14  }
0x187: {  	v3 =	vadd.s32 v3, v10;
	v5 =	vadd.s32 v5, v17;
	v8 =	vadd.s32 v11, v16;
	[tilespmem:s13+$0x20] =	vst v9  }
0x188: {  	v2 =	vadd.s32 v2, v13;
	v10 =	vor.u32 v12, v30;
	v9 =	vxor.u32 v4, v18  }
0x189: {  	v11 =	vxor.u32 v7, v19;
	v13 =	vxor.u32 v5, v21;
	v12 =	vxor.u32 v6, v20  }
0x18a: {  	v14 =	vxor.u32 v8, v22;
	v15 =	vxor.u32 v3, v23;
	v10 =	vxor.u32 v2, v10  }
0x18b: {  	v18 =	vshrl.u32 v11, $0x1A;
	v16 =	vshrl.u32 v9, $0x1A;
	v17 =	vshll.u32 v9, $0x6  }
0x18c: {  	v19 =	vshll.u32 v11, $0x6;
	v20 =	vshrl.u32 v12, $0x1A;
	v21 =	vshll.u32 v12, $0x6  }
0x18d: {  	v24 =	vshrl.u32 v14, $0x1A;
	v22 =	vshrl.u32 v13, $0x1A;
	v23 =	vshll.u32 v13, $0x6  }
0x18e: {  	v25 =	vshll.u32 v14, $0x6;
	v26 =	vshrl.u32 v15, $0x1A;
	v27 =	vshll.u32 v15, $0x6  }
0x18f: {  	v28 =	vshll.u32 v10, $0x6;
	v16 =	vor.u32 v16, v17;
	v17 =	vshrl.u32 v10, $0x1A  }
0x190: {  	v18 =	vor.u32 v18, v19;
	v19 =	vor.u32 v20, v21;
	v20 =	vor.u32 v22, v23  }
0x191: {  	v4 =	vadd.s32 v4, v9;
	v9 =	vor.u32 v24, v25;
	v21 =	vor.u32 v26, v27  }
0x192: {  	v7 =	vadd.s32 v7, v11;
	v5 =	vadd.s32 v5, v13;
	v6 =	vadd.s32 v6, v12  }
0x193: {  	v8 =	vadd.s32 v8, v14;
	v3 =	vadd.s32 v3, v15;
	v11 =	vor.u32 v17, v28  }
0x194: {  	v2 =	vadd.s32 v2, v10;
	v13 =	vxor.u32 v7, v18;
	v12 =	vxor.u32 v4, v16  }
0x195: {  	v10 =	vxor.u32 v6, v19;
	v14 =	vxor.u32 v5, v20;
	v9 =	vxor.u32 v8, v9  }
0x196: {  	v15 =	vxor.u32 v3, v21;
	v12 =	vadd.s32 $0x937513E5, v12;
	v11 =	vxor.u32 v2, v11  }
0x197: {  	v13 =	vadd.s32 $0x937513E5, v13;
	v10 =	vadd.s32 $0x937513E5, v10;
	v14 =	vadd.s32 $0x937513E5, v14  }
0x198: {  	v9 =	vadd.s32 $0x937513E5, v9;
	v15 =	vadd.s32 $0x937513E5, v15;
	v11 =	vadd.s32 $0x937513E5, v11  }
0x199: {  	v4 =	vadd.s32 v12, v4;
	v16 =	vshrl.u32 v12, $0xF;
	v12 =	vshll.u32 v12, $0x11  }
0x19a: {  	v7 =	vadd.s32 v13, v7;
	v17 =	vshrl.u32 v13, $0xF;
	v13 =	vshll.u32 v13, $0x11  }
0x19b: {  	v6 =	vadd.s32 v10, v6;
	v18 =	vshrl.u32 v10, $0xF;
	v10 =	vshll.u32 v10, $0x11  }
0x19c: {  	v5 =	vadd.s32 v14, v5;
	v19 =	vshrl.u32 v14, $0xF;
	v14 =	vshll.u32 v14, $0x11  }
0x19d: {  	v8 =	vadd.s32 v9, v8;
	v20 =	vshrl.u32 v9, $0xF;
	v9 =	vshll.u32 v9, $0x11  }
0x19e: {  	v3 =	vadd.s32 v15, v3;
	v21 =	vshrl.u32 v15, $0xF;
	v15 =	vshll.u32 v15, $0x11  }
0x19f: {  	v2 =	vadd.s32 v11, v2;
	v22 =	vshrl.u32 v11, $0xF;
	v11 =	vshll.u32 v11, $0x11  }
0x1a0: {  	v7 =	vadd.s32 $0xFC8D8048, v7;
	v4 =	vadd.s32 $0xFC8D8048, v4;
	v12 =	vor.u32 v16, v12  }
0x1a1: {  	v13 =	vor.u32 v17, v13;
	v6 =	vadd.s32 $0xFC8D8048, v6;
	v10 =	vor.u32 v18, v10  }
0x1a2: {  	v5 =	vadd.s32 $0xFC8D8048, v5;
	v14 =	vor.u32 v19, v14;
	v8 =	vadd.s32 $0xFC8D8048, v8  }
0x1a3: {  	v9 =	vor.u32 v20, v9;
	v3 =	vadd.s32 $0xFC8D8048, v3;
	v15 =	vor.u32 v21, v15  }
0x1a4: {  	v12 =	vxor.u32 v4, v12;
	v2 =	vadd.s32 $0xFC8D8048, v2;
	v11 =	vor.u32 v22, v11  }
0x1a5: {  	v13 =	vxor.u32 v7, v13;
	v10 =	vxor.u32 v6, v10;
	v14 =	vxor.u32 v5, v14  }
0x1a6: {  	v9 =	vxor.u32 v8, v9;
	v15 =	vxor.u32 v3, v15;
	v11 =	vxor.u32 v2, v11  }
0x1a7: {  	v18 =	vshrl.u32 v13, $0x3;
	v16 =	vshrl.u32 v12, $0x3;
	v17 =	vshll.u32 v12, $0x1D  }
0x1a8: {  	v19 =	vshll.u32 v13, $0x1D;
	v20 =	vshrl.u32 v10, $0x3;
	v21 =	vshll.u32 v10, $0x1D  }
0x1a9: {  	v22 =	vshrl.u32 v14, $0x3;
	v23 =	vshll.u32 v14, $0x1D;
	v24 =	vshrl.u32 v9, $0x3  }
0x1aa: {  	v25 =	vshll.u32 v9, $0x1D;
	v26 =	vshrl.u32 v15, $0x3;
	v27 =	vshll.u32 v15, $0x1D  }
0x1ab: {  	v16 =	vor.u32 v16, v17;
	v17 =	vshrl.u32 v11, $0x3;
	v28 =	vshll.u32 v11, $0x1D  }
0x1ac: {  	v18 =	vor.u32 v18, v19;
	v19 =	vor.u32 v20, v21;
	v20 =	vor.u32 v22, v23  }
0x1ad: {  	v4 =	vadd.s32 v4, v12;
	v12 =	vor.u32 v24, v25;
	v21 =	vor.u32 v26, v27  }
0x1ae: {  	v7 =	vadd.s32 v7, v13;
	v6 =	vadd.s32 v6, v10;
	v5 =	vadd.s32 v5, v14  }
0x1af: {  	v8 =	vadd.s32 v8, v9;
	v3 =	vadd.s32 v3, v15;
	v9 =	vor.u32 v17, v28  }
0x1b0: {  	v13 =	vxor.u32 v7, v18;
	v2 =	vadd.s32 v2, v11;
	v10 =	vxor.u32 v4, v16  }
0x1b1: {  	v11 =	vxor.u32 v6, v19;
	v14 =	vxor.u32 v5, v20;
	v12 =	vxor.u32 v8, v12  }
0x1b2: {  	v16 =	vxor.u32 v3, v21;
	v15 =	vshrl.u32 v10, $0x10;
	v9 =	vxor.u32 v2, v9  }
0x1b3: {  	v18 =	vshrl.u32 v13, $0x10;
	v19 =	vshll.u32 v13, $0x10;
	v17 =	vshll.u32 v10, $0x10  }
0x1b4: {  	v20 =	vshrl.u32 v11, $0x10;
	v21 =	vshll.u32 v11, $0x10;
	v22 =	vshrl.u32 v14, $0x10  }
0x1b5: {  	v23 =	vshll.u32 v14, $0x10;
	v24 =	vshrl.u32 v12, $0x10;
	v25 =	vshll.u32 v12, $0x10  }
0x1b6: {  	v26 =	vshrl.u32 v16, $0x10;
	v27 =	vshll.u32 v16, $0x10;
	v28 =	vshrl.u32 v9, $0x10  }
0x1b7: {  	v15 =	vor.u32 v15, v17;
	v17 =	vor.u32 v18, v19;
	v18 =	vshll.u32 v9, $0x10  }
0x1b8: {  	v19 =	vor.u32 v20, v21;
	v20 =	vor.u32 v22, v23;
	v21 =	vor.u32 v24, v25  }
0x1b9: {  	v7 =	vadd.s32 v7, v13;
	v4 =	vadd.s32 v4, v10;
	v10 =	vor.u32 v26, v27  }
0x1ba: {  	v6 =	vadd.s32 v6, v11;
	v5 =	vadd.s32 v5, v14;
	v8 =	vadd.s32 v8, v12  }
0x1bb: {  	v3 =	vadd.s32 v3, v16;
	v2 =	vadd.s32 v2, v9;
	v9 =	vor.u32 v28, v18  }
0x1bc: {  	v11 =	vxor.u32 v4, v15;
	v12 =	vxor.u32 v7, v17;
	v13 =	vxor.u32 v6, v19  }
0x1bd: {  	v14 =	vxor.u32 v5, v20;
	v15 =	vxor.u32 v8, v21;
	v10 =	vxor.u32 v3, v10  }
0x1be: {  	v16 =	vshrl.u32 v11, $0x8;
	v17 =	vshll.u32 v11, $0x18;
	v9 =	vxor.u32 v2, v9  }
0x1bf: {  	v18 =	vshrl.u32 v12, $0x8;
	v19 =	vshll.u32 v12, $0x18;
	v20 =	vshrl.u32 v13, $0x8  }
0x1c0: {  	v21 =	vshll.u32 v13, $0x18;
	v22 =	vshrl.u32 v14, $0x8;
	v23 =	vshll.u32 v14, $0x18  }
0x1c1: {  	v24 =	vshrl.u32 v15, $0x8;
	v25 =	vshll.u32 v15, $0x18;
	v26 =	vshrl.u32 v10, $0x8  }
0x1c2: {  	v27 =	vshll.u32 v10, $0x18;
	v28 =	vshrl.u32 v9, $0x8;
	v29 =	vshll.u32 v9, $0x18  }
0x1c3: {  	v16 =	vor.u32 v16, v17;
	v17 =	vor.u32 v18, v19;
	v18 =	vor.u32 v20, v21  }
0x1c4: {  	v19 =	vor.u32 v22, v23;
	v20 =	vor.u32 v24, v25;
	v21 =	vor.u32 v26, v27  }
0x1c5: {  	v4 =	vadd.s32 v4, v11;
	v7 =	vadd.s32 v7, v12;
	v6 =	vadd.s32 v6, v13  }
0x1c6: {  	v5 =	vadd.s32 v5, v14;
	v8 =	vadd.s32 v8, v15;
	v3 =	vadd.s32 v3, v10  }
0x1c7: {  	v2 =	vadd.s32 v2, v9;
	v10 =	vxor.u32 v4, v16;
	v9 =	vor.u32 v28, v29  }
0x1c8: {  	v11 =	vxor.u32 v7, v17;
	v12 =	vxor.u32 v6, v18;
	v13 =	vxor.u32 v5, v19  }
0x1c9: {  	v14 =	vxor.u32 v8, v20;
	v15 =	vxor.u32 v3, v21;
	v9 =	vxor.u32 v2, v9  }
0x1ca: {  	v10 =	vadd.s32 $0x74298878, v10;
	v11 =	vadd.s32 $0x74298878, v11;
	v12 =	vadd.s32 $0x74298878, v12  }
0x1cb: {  	v13 =	vadd.s32 $0x74298878, v13;
	v14 =	vadd.s32 $0x74298878, v14;
	v15 =	vadd.s32 $0x74298878, v15  }
0x1cc: {  	v4 =	vadd.s32 v10, v4;
	v16 =	vshrl.u32 v10, $0x13;
	v9 =	vadd.s32 $0x74298878, v9  }
0x1cd: {  	v10 =	vshll.u32 v10, $0xD;
	v7 =	vadd.s32 v11, v7;
	v17 =	vshrl.u32 v11, $0x13  }
0x1ce: {  	v11 =	vshll.u32 v11, $0xD;
	v6 =	vadd.s32 v12, v6;
	v18 =	vshrl.u32 v12, $0x13  }
0x1cf: {  	v12 =	vshll.u32 v12, $0xD;
	v5 =	vadd.s32 v13, v5;
	v19 =	vshrl.u32 v13, $0x13  }
0x1d0: {  	v13 =	vshll.u32 v13, $0xD;
	v8 =	vadd.s32 v14, v8;
	v20 =	vshrl.u32 v14, $0x13  }
0x1d1: {  	v14 =	vshll.u32 v14, $0xD;
	v3 =	vadd.s32 v15, v3;
	v21 =	vshrl.u32 v15, $0x13  }
0x1d2: {  	v15 =	vshll.u32 v15, $0xD;
	v2 =	vadd.s32 v9, v2;
	v22 =	vshrl.u32 v9, $0x13  }
0x1d3: {  	v4 =	vadd.s32 $0x937513E4, v4;
	v10 =	vor.u32 v16, v10;
	v9 =	vshll.u32 v9, $0xD  }
0x1d4: {  	v7 =	vadd.s32 $0x937513E4, v7;
	v11 =	vor.u32 v17, v11;
	v6 =	vadd.s32 $0x937513E4, v6  }
0x1d5: {  	v12 =	vor.u32 v18, v12;
	v5 =	vadd.s32 $0x937513E4, v5;
	v13 =	vor.u32 v19, v13  }
0x1d6: {  	v8 =	vadd.s32 $0x937513E4, v8;
	v14 =	vor.u32 v20, v14;
	v3 =	vadd.s32 $0x937513E4, v3  }
0x1d7: {  	v15 =	vor.u32 v21, v15;
	v2 =	vadd.s32 $0x937513E4, v2;
	v9 =	vor.u32 v22, v9  }
0x1d8: {  	v10 =	vxor.u32 v4, v10;
	v11 =	vxor.u32 v7, v11;
	v12 =	vxor.u32 v6, v12  }
0x1d9: {  	v13 =	vxor.u32 v5, v13;
	v14 =	vxor.u32 v8, v14;
	v15 =	vxor.u32 v3, v15  }
0x1da: {  	v16 =	vshrl.u32 v10, $0x11;
	v17 =	vshll.u32 v10, $0xF;
	v9 =	vxor.u32 v2, v9  }
0x1db: {  	v18 =	vshrl.u32 v11, $0x11;
	v19 =	vshll.u32 v11, $0xF;
	v20 =	vshrl.u32 v12, $0x11  }
0x1dc: {  	v21 =	vshll.u32 v12, $0xF;
	v22 =	vshrl.u32 v13, $0x11;
	v23 =	vshll.u32 v13, $0xF  }
0x1dd: {  	v24 =	vshrl.u32 v14, $0x11;
	v25 =	vshll.u32 v14, $0xF;
	v26 =	vshrl.u32 v15, $0x11  }
0x1de: {  	v27 =	vshll.u32 v15, $0xF;
	v28 =	vshrl.u32 v9, $0x11;
	v29 =	vshll.u32 v9, $0xF  }
0x1df: {  	v16 =	vor.u32 v16, v17;
	v17 =	vor.u32 v18, v19;
	v18 =	vor.u32 v20, v21  }
0x1e0: {  	v19 =	vor.u32 v22, v23;
	v20 =	vor.u32 v24, v25;
	v21 =	vor.u32 v26, v27  }
0x1e1: {  	v4 =	vadd.s32 v4, v10;
	v7 =	vadd.s32 v7, v11;
	v6 =	vadd.s32 v6, v12  }
0x1e2: {  	v5 =	vadd.s32 v5, v13;
	v8 =	vadd.s32 v8, v14;
	v3 =	vadd.s32 v3, v15  }
0x1e3: {  	v2 =	vadd.s32 v2, v9;
	v10 =	vxor.u32 v4, v16;
	v9 =	vor.u32 v28, v29  }
0x1e4: {  	v11 =	vxor.u32 v7, v17;
	v12 =	vxor.u32 v6, v18;
	v13 =	vxor.u32 v5, v19  }
0x1e5: {  	v14 =	vxor.u32 v8, v20;
	v15 =	vxor.u32 v3, v21;
	v9 =	vxor.u32 v2, v9  }
0x1e6: {  	v16 =	vshrl.u32 v10, $0x6;
	v17 =	vshll.u32 v10, $0x1A;
	v18 =	vshrl.u32 v11, $0x6  }
0x1e7: {  	v19 =	vshll.u32 v11, $0x1A;
	v20 =	vshrl.u32 v12, $0x6;
	v21 =	vshll.u32 v12, $0x1A  }
0x1e8: {  	v22 =	vshrl.u32 v13, $0x6;
	v23 =	vshll.u32 v13, $0x1A;
	v24 =	vshrl.u32 v14, $0x6  }
0x1e9: {  	v25 =	vshll.u32 v14, $0x1A;
	v26 =	vshrl.u32 v15, $0x6;
	v27 =	vshll.u32 v15, $0x1A  }
0x1ea: {  	v16 =	vor.u32 v16, v17;
	v17 =	vshrl.u32 v9, $0x6;
	v28 =	vshll.u32 v9, $0x1A  }
0x1eb: {  	v18 =	vor.u32 v18, v19;
	v19 =	vor.u32 v20, v21;
	v20 =	vor.u32 v22, v23  }
0x1ec: {  	v4 =	vadd.s32 v4, v10;
	v10 =	vor.u32 v24, v25;
	v21 =	vor.u32 v26, v27  }
0x1ed: {  	v7 =	vadd.s32 v7, v11;
	v6 =	vadd.s32 v6, v12;
	v5 =	vadd.s32 v5, v13  }
0x1ee: {  	v8 =	vadd.s32 v8, v14;
	v3 =	vadd.s32 v3, v15;
	v11 =	vor.u32 v17, v28  }
0x1ef: {  	v2 =	vadd.s32 v2, v9;
	v12 =	vxor.u32 v4, v16;
	v13 =	vxor.u32 v7, v18  }
0x1f0: {  	v9 =	vxor.u32 v6, v19;
	v14 =	vxor.u32 v5, v20;
	v10 =	vxor.u32 v8, v10  }
0x1f1: {  	v16 =	vxor.u32 v3, v21;
	v15 =	vshrl.u32 v12, $0x1A;
	v11 =	vxor.u32 v2, v11  }
0x1f2: {  	v17 =	vshll.u32 v12, $0x6;
	v18 =	vshrl.u32 v13, $0x1A;
	v19 =	vshll.u32 v13, $0x6  }
0x1f3: {  	v20 =	vshrl.u32 v9, $0x1A;
	v21 =	vshll.u32 v9, $0x6;
	v22 =	vshrl.u32 v14, $0x1A  }
0x1f4: {  	v23 =	vshll.u32 v14, $0x6;
	v24 =	vshrl.u32 v10, $0x1A;
	v25 =	vshll.u32 v10, $0x6  }
0x1f5: {  	v26 =	vshrl.u32 v16, $0x1A;
	v27 =	vshll.u32 v16, $0x6;
	v28 =	vshrl.u32 v11, $0x1A  }
0x1f6: {  	v15 =	vor.u32 v15, v17;
	v17 =	vor.u32 v18, v19;
	v18 =	vshll.u32 v11, $0x6  }
0x1f7: {  	v19 =	vor.u32 v20, v21;
	v20 =	vor.u32 v22, v23;
	v21 =	vor.u32 v24, v25  }
0x1f8: {  	v4 =	vadd.s32 v4, v12;
	v7 =	vadd.s32 v7, v13;
	v12 =	vor.u32 v26, v27  }
0x1f9: {  	v6 =	vadd.s32 v6, v9;
	v5 =	vadd.s32 v5, v14;
	v8 =	vadd.s32 v8, v10  }
0x1fa: {  	v3 =	vadd.s32 v3, v16;
	v2 =	vadd.s32 v2, v11;
	v9 =	vor.u32 v28, v18  }
0x1fb: {  	v10 =	vxor.u32 v4, v15;
	v11 =	vxor.u32 v7, v17;
	v13 =	vxor.u32 v6, v19  }
0x1fc: {  	v14 =	vxor.u32 v5, v20;
	v15 =	vxor.u32 v8, v21;
	v12 =	vxor.u32 v3, v12  }
0x1fd: {  	v10 =	vadd.s32 $0xFC8D804B, v10;
	v11 =	vadd.s32 $0xFC8D804B, v11;
	v9 =	vxor.u32 v2, v9  }
0x1fe: {  	v13 =	vadd.s32 $0xFC8D804B, v13;
	v14 =	vadd.s32 $0xFC8D804B, v14;
	v15 =	vadd.s32 $0xFC8D804B, v15  }
0x1ff: {  	v12 =	vadd.s32 $0xFC8D804B, v12;
	v4 =	vadd.s32 v10, v4;
	v9 =	vadd.s32 $0xFC8D804B, v9  }
0x200: {  	v16 =	vshrl.u32 v10, $0xF;
	v10 =	vshll.u32 v10, $0x11;
	v7 =	vadd.s32 v11, v7  }
0x201: {  	v17 =	vshrl.u32 v11, $0xF;
	v11 =	vshll.u32 v11, $0x11;
	v6 =	vadd.s32 v13, v6  }
0x202: {  	v18 =	vshrl.u32 v13, $0xF;
	v13 =	vshll.u32 v13, $0x11;
	v5 =	vadd.s32 v14, v5  }
0x203: {  	v19 =	vshrl.u32 v14, $0xF;
	v14 =	vshll.u32 v14, $0x11;
	v8 =	vadd.s32 v15, v8  }
0x204: {  	v20 =	vshrl.u32 v15, $0xF;
	v15 =	vshll.u32 v15, $0x11;
	v3 =	vadd.s32 v12, v3  }
0x205: {  	v21 =	vshrl.u32 v12, $0xF;
	v12 =	vshll.u32 v12, $0x11;
	v2 =	vadd.s32 v9, v2  }
0x206: {  	v4 =	vadd.s32 $0x74298876, v4;
	v22 =	vshrl.u32 v9, $0xF;
	v9 =	vshll.u32 v9, $0x11  }
0x207: {  	v10 =	vor.u32 v16, v10;
	v7 =	vadd.s32 $0x74298876, v7;
	v11 =	vor.u32 v17, v11  }
0x208: {  	v6 =	vadd.s32 $0x74298876, v6;
	v13 =	vor.u32 v18, v13;
	v5 =	vadd.s32 $0x74298876, v5  }
0x209: {  	v14 =	vor.u32 v19, v14;
	v8 =	vadd.s32 $0x74298876, v8;
	v15 =	vor.u32 v20, v15  }
0x20a: {  	v3 =	vadd.s32 $0x74298876, v3;
	v12 =	vor.u32 v21, v12;
	v2 =	vadd.s32 $0x74298876, v2  }
0x20b: {  	v10 =	vxor.u32 v4, v10;
	v11 =	vxor.u32 v7, v11;
	v9 =	vor.u32 v22, v9  }
0x20c: {  	v13 =	vxor.u32 v6, v13;
	v14 =	vxor.u32 v5, v14;
	v15 =	vxor.u32 v8, v15  }
0x20d: {  	v12 =	vxor.u32 v3, v12;
	v16 =	vshrl.u32 v10, $0x3;
	v9 =	vxor.u32 v2, v9  }
0x20e: {  	v17 =	vshll.u32 v10, $0x1D;
	v18 =	vshrl.u32 v11, $0x3;
	v19 =	vshll.u32 v11, $0x1D  }
0x20f: {  	v20 =	vshrl.u32 v13, $0x3;
	v21 =	vshll.u32 v13, $0x1D;
	v22 =	vshrl.u32 v14, $0x3  }
0x210: {  	v23 =	vshll.u32 v14, $0x1D;
	v24 =	vshrl.u32 v15, $0x3;
	v25 =	vshll.u32 v15, $0x1D  }
0x211: {  	v26 =	vshrl.u32 v12, $0x3;
	v27 =	vshll.u32 v12, $0x1D;
	v28 =	vshrl.u32 v9, $0x3  }
0x212: {  	v16 =	vor.u32 v16, v17;
	v17 =	vor.u32 v18, v19;
	v18 =	vshll.u32 v9, $0x1D  }
0x213: {  	v19 =	vor.u32 v20, v21;
	v20 =	vor.u32 v22, v23;
	v21 =	vor.u32 v24, v25  }
0x214: {  	v4 =	vadd.s32 v4, v10;
	v7 =	vadd.s32 v7, v11;
	v10 =	vor.u32 v26, v27  }
0x215: {  	v6 =	vadd.s32 v6, v13;
	v5 =	vadd.s32 v5, v14;
	v8 =	vadd.s32 v8, v15  }
0x216: {  	v3 =	vadd.s32 v3, v12;
	v2 =	vadd.s32 v2, v9;
	v9 =	vor.u32 v28, v18  }
0x217: {  	v11 =	vxor.u32 v4, v16;
	v12 =	vxor.u32 v7, v17;
	v13 =	vxor.u32 v6, v19  }
0x218: {  	v14 =	vxor.u32 v5, v20;
	v15 =	vxor.u32 v8, v21;
	v10 =	vxor.u32 v3, v10  }
0x219: {  	v16 =	vshrl.u32 v11, $0x10;
	v17 =	vshll.u32 v11, $0x10;
	v9 =	vxor.u32 v2, v9  }
0x21a: {  	v18 =	vshrl.u32 v12, $0x10;
	v19 =	vshll.u32 v12, $0x10;
	v20 =	vshrl.u32 v13, $0x10  }
0x21b: {  	v21 =	vshll.u32 v13, $0x10;
	v22 =	vshrl.u32 v14, $0x10;
	v23 =	vshll.u32 v14, $0x10  }
0x21c: {  	v24 =	vshrl.u32 v15, $0x10;
	v25 =	vshll.u32 v15, $0x10;
	v26 =	vshrl.u32 v10, $0x10  }
0x21d: {  	v27 =	vshll.u32 v10, $0x10;
	v28 =	vshrl.u32 v9, $0x10;
	v29 =	vshll.u32 v9, $0x10  }
0x21e: {  	v16 =	vor.u32 v16, v17;
	v17 =	vor.u32 v18, v19;
	v18 =	vor.u32 v20, v21  }
0x21f: {  	v19 =	vor.u32 v22, v23;
	v20 =	vor.u32 v24, v25;
	v21 =	vor.u32 v26, v27  }
0x220: {  	v4 =	vadd.s32 v4, v11;
	v7 =	vadd.s32 v7, v12;
	v6 =	vadd.s32 v6, v13  }
0x221: {  	v5 =	vadd.s32 v5, v14;
	v8 =	vadd.s32 v8, v15;
	v3 =	vadd.s32 v3, v10  }
0x222: {  	v2 =	vadd.s32 v2, v9;
	v10 =	vxor.u32 v4, v16;
	v9 =	vor.u32 v28, v29  }
0x223: {  	v11 =	vxor.u32 v7, v17;
	v12 =	vxor.u32 v6, v18;
	v13 =	vxor.u32 v5, v19  }
0x224: {  	v14 =	vxor.u32 v8, v20;
	v15 =	vxor.u32 v3, v21;
	v9 =	vxor.u32 v2, v9  }
0x225: {  	v16 =	vshrl.u32 v10, $0x8;
	v17 =	vshll.u32 v10, $0x18;
	v18 =	vshrl.u32 v11, $0x8  }
0x226: {  	v19 =	vshll.u32 v11, $0x18;
	v20 =	vshrl.u32 v12, $0x8;
	v21 =	vshll.u32 v12, $0x18  }
0x227: {  	v22 =	vshrl.u32 v13, $0x8;
	v23 =	vshll.u32 v13, $0x18;
	v24 =	vshrl.u32 v14, $0x8  }
0x228: {  	v25 =	vshll.u32 v14, $0x18;
	v26 =	vshrl.u32 v15, $0x8;
	v27 =	vshll.u32 v15, $0x18  }
0x229: {  	v16 =	vor.u32 v16, v17;
	v17 =	vshrl.u32 v9, $0x8;
	v28 =	vshll.u32 v9, $0x18  }
0x22a: {  	v18 =	vor.u32 v18, v19;
	v19 =	vor.u32 v20, v21;
	v20 =	vor.u32 v22, v23  }
0x22b: {  	v4 =	vadd.s32 v4, v10;
	v10 =	vor.u32 v24, v25;
	v21 =	vor.u32 v26, v27  }
0x22c: {  	v7 =	vadd.s32 v7, v11;
	v6 =	vadd.s32 v6, v12;
	v5 =	vadd.s32 v5, v13  }
0x22d: {  	v8 =	vadd.s32 v8, v14;
	v3 =	vadd.s32 v3, v15;
	v11 =	vor.u32 v17, v28  }
0x22e: {  	v2 =	vadd.s32 v2, v9;
	v12 =	vxor.u32 v4, v16;
	v13 =	vxor.u32 v7, v18  }
0x22f: {  	v9 =	vxor.u32 v6, v19;
	v14 =	vxor.u32 v5, v20;
	v10 =	vxor.u32 v8, v10  }
0x230: {  	v15 =	vxor.u32 v3, v21;
	v12 =	vadd.s32 $0x937513E8, v12;
	v11 =	vxor.u32 v2, v11  }
0x231: {  	v13 =	vadd.s32 $0x937513E8, v13;
	v9 =	vadd.s32 $0x937513E8, v9;
	v14 =	vadd.s32 $0x937513E8, v14  }
0x232: {  	v10 =	vadd.s32 $0x937513E8, v10;
	v15 =	vadd.s32 $0x937513E8, v15;
	v11 =	vadd.s32 $0x937513E8, v11  }
0x233: {  	v4 =	vadd.s32 v12, v4;
	v16 =	vshrl.u32 v12, $0x13;
	v12 =	vshll.u32 v12, $0xD  }
0x234: {  	v7 =	vadd.s32 v13, v7;
	v17 =	vshrl.u32 v13, $0x13;
	v13 =	vshll.u32 v13, $0xD  }
0x235: {  	v6 =	vadd.s32 v9, v6;
	v18 =	vshrl.u32 v9, $0x13;
	v9 =	vshll.u32 v9, $0xD  }
0x236: {  	v5 =	vadd.s32 v14, v5;
	v19 =	vshrl.u32 v14, $0x13;
	v14 =	vshll.u32 v14, $0xD  }
0x237: {  	v8 =	vadd.s32 v10, v8;
	v20 =	vshrl.u32 v10, $0x13;
	v10 =	vshll.u32 v10, $0xD  }
0x238: {  	v3 =	vadd.s32 v15, v3;
	v21 =	vshrl.u32 v15, $0x13;
	v15 =	vshll.u32 v15, $0xD  }
0x239: {  	v2 =	vadd.s32 v11, v2;
	v22 =	vshrl.u32 v11, $0x13;
	v11 =	vshll.u32 v11, $0xD  }
0x23a: {  	v4 =	vadd.s32 $0xFC8D8048, v4;
	v12 =	vor.u32 v16, v12;
	v7 =	vadd.s32 $0xFC8D8048, v7  }
0x23b: {  	v13 =	vor.u32 v17, v13;
	v6 =	vadd.s32 $0xFC8D8048, v6;
	v9 =	vor.u32 v18, v9  }
0x23c: {  	v5 =	vadd.s32 $0xFC8D8048, v5;
	v14 =	vor.u32 v19, v14;
	v8 =	vadd.s32 $0xFC8D8048, v8  }
0x23d: {  	v10 =	vor.u32 v20, v10;
	v3 =	vadd.s32 $0xFC8D8048, v3;
	v15 =	vor.u32 v21, v15  }
0x23e: {  	v12 =	vxor.u32 v4, v12;
	v2 =	vadd.s32 $0xFC8D8048, v2;
	v11 =	vor.u32 v22, v11  }
0x23f: {  	v13 =	vxor.u32 v7, v13;
	v9 =	vxor.u32 v6, v9;
	v14 =	vxor.u32 v5, v14  }
0x240: {  	v10 =	vxor.u32 v8, v10;
	v15 =	vxor.u32 v3, v15;
	v11 =	vxor.u32 v2, v11  }
0x241: {  	v16 =	vshrl.u32 v12, $0x11;
	v17 =	vshll.u32 v12, $0xF;
	v18 =	vshrl.u32 v13, $0x11  }
0x242: {  	v19 =	vshll.u32 v13, $0xF;
	v20 =	vshrl.u32 v9, $0x11;
	v21 =	vshll.u32 v9, $0xF  }
0x243: {  	v22 =	vshrl.u32 v14, $0x11;
	v23 =	vshll.u32 v14, $0xF;
	v24 =	vshrl.u32 v10, $0x11  }
0x244: {  	v25 =	vshll.u32 v10, $0xF;
	v26 =	vshrl.u32 v15, $0x11;
	v27 =	vshll.u32 v15, $0xF  }
0x245: {  	v16 =	vor.u32 v16, v17;
	v17 =	vshrl.u32 v11, $0x11;
	v28 =	vshll.u32 v11, $0xF  }
0x246: {  	v18 =	vor.u32 v18, v19;
	v19 =	vor.u32 v20, v21;
	v20 =	vor.u32 v22, v23  }
0x247: {  	v4 =	vadd.s32 v4, v12;
	v12 =	vor.u32 v24, v25;
	v21 =	vor.u32 v26, v27  }
0x248: {  	v7 =	vadd.s32 v7, v13;
	v6 =	vadd.s32 v6, v9;
	v5 =	vadd.s32 v5, v14  }
0x249: {  	v8 =	vadd.s32 v8, v10;
	v3 =	vadd.s32 v3, v15;
	v9 =	vor.u32 v17, v28  }
0x24a: {  	v2 =	vadd.s32 v2, v11;
	v10 =	vxor.u32 v4, v16;
	v13 =	vxor.u32 v7, v18  }
0x24b: {  	v11 =	vxor.u32 v6, v19;
	v14 =	vxor.u32 v5, v20;
	v12 =	vxor.u32 v8, v12  }
0x24c: {  	v16 =	vxor.u32 v3, v21;
	v15 =	vshrl.u32 v10, $0x6;
	v9 =	vxor.u32 v2, v9  }
0x24d: {  	v17 =	vshll.u32 v10, $0x1A;
	v18 =	vshrl.u32 v13, $0x6;
	v19 =	vshll.u32 v13, $0x1A  }
0x24e: {  	v20 =	vshrl.u32 v11, $0x6;
	v21 =	vshll.u32 v11, $0x1A;
	v22 =	vshrl.u32 v14, $0x6  }
0x24f: {  	v23 =	vshll.u32 v14, $0x1A;
	v24 =	vshrl.u32 v12, $0x6;
	v25 =	vshll.u32 v12, $0x1A  }
0x250: {  	v26 =	vshrl.u32 v16, $0x6;
	v27 =	vshll.u32 v16, $0x1A;
	v28 =	vshrl.u32 v9, $0x6  }
0x251: {  	v15 =	vor.u32 v15, v17;
	v17 =	vor.u32 v18, v19;
	v18 =	vshll.u32 v9, $0x1A  }
0x252: {  	v19 =	vor.u32 v20, v21;
	v20 =	vor.u32 v22, v23;
	v21 =	vor.u32 v24, v25  }
0x253: {  	v4 =	vadd.s32 v4, v10;
	v7 =	vadd.s32 v7, v13;
	v10 =	vor.u32 v26, v27  }
0x254: {  	v6 =	vadd.s32 v6, v11;
	v5 =	vadd.s32 v5, v14;
	v8 =	vadd.s32 v8, v12  }
0x255: {  	v3 =	vadd.s32 v3, v16;
	v2 =	vadd.s32 v2, v9;
	v9 =	vor.u32 v28, v18  }
0x256: {  	v11 =	vxor.u32 v4, v15;
	v12 =	vxor.u32 v7, v17;
	v13 =	vxor.u32 v6, v19  }
0x257: {  	v14 =	vxor.u32 v5, v20;
	v15 =	vxor.u32 v8, v21;
	v10 =	vxor.u32 v3, v10  }
0x258: {  	v16 =	vshrl.u32 v11, $0x1A;
	v17 =	vshll.u32 v11, $0x6;
	v9 =	vxor.u32 v2, v9  }
0x259: {  	v18 =	vshrl.u32 v12, $0x1A;
	v19 =	vshll.u32 v12, $0x6;
	v20 =	vshrl.u32 v13, $0x1A  }
0x25a: {  	v21 =	vshll.u32 v13, $0x6;
	v22 =	vshrl.u32 v14, $0x1A;
	v23 =	vshll.u32 v14, $0x6  }
0x25b: {  	v24 =	vshrl.u32 v15, $0x1A;
	v25 =	vshll.u32 v15, $0x6;
	v26 =	vshrl.u32 v10, $0x1A  }
0x25c: {  	v27 =	vshll.u32 v10, $0x6;
	v28 =	vshrl.u32 v9, $0x1A;
	v29 =	vshll.u32 v9, $0x6  }
0x25d: {  	v16 =	vor.u32 v16, v17;
	v17 =	vor.u32 v18, v19;
	v18 =	vor.u32 v20, v21  }
0x25e: {  	v19 =	vor.u32 v22, v23;
	v20 =	vor.u32 v24, v25;
	v21 =	vor.u32 v26, v27  }
0x25f: {  	v4 =	vadd.s32 v4, v11;
	v7 =	vadd.s32 v7, v12;
	v6 =	vadd.s32 v6, v13  }
0x260: {  	v5 =	vadd.s32 v5, v14;
	v8 =	vadd.s32 v8, v15;
	v3 =	vadd.s32 v3, v10  }
0x261: {  	v2 =	vadd.s32 v2, v9;
	v10 =	vxor.u32 v4, v16;
	v9 =	vor.u32 v28, v29  }
0x262: {  	v11 =	vxor.u32 v7, v17;
	v12 =	vxor.u32 v6, v18;
	v13 =	vxor.u32 v5, v19  }
0x263: {  	v14 =	vxor.u32 v8, v20;
	v15 =	vxor.u32 v3, v21;
	v9 =	vxor.u32 v2, v9  }
0x264: {  	v10 =	vadd.s32 $0x7429887B, v10;
	v11 =	vadd.s32 $0x7429887B, v11;
	v12 =	vadd.s32 $0x7429887B, v12  }
0x265: {  	v13 =	vadd.s32 $0x7429887B, v13;
	v14 =	vadd.s32 $0x7429887B, v14;
	v15 =	vadd.s32 $0x7429887B, v15  }
0x266: {  	v4 =	vadd.s32 $0x937513E4, v4;
	v7 =	vadd.s32 $0x937513E4, v7;
	v9 =	vadd.s32 $0x7429887B, v9  }
0x267: {  	v6 =	vadd.s32 $0x937513E4, v6;
	v5 =	vadd.s32 $0x937513E4, v5;
	v8 =	vadd.s32 $0x937513E4, v8  }
0x268: {  	v3 =	vadd.s32 $0x937513E4, v3;
	v2 =	vadd.s32 $0x937513E4, v2;
	v4 =	vxor.u32 v4, v10  }
0x269: {  	v7 =	vxor.u32 v7, v11;
	v6 =	vxor.u32 v6, v12;
	v5 =	vxor.u32 v5, v13  }
0x26a: {  	v8 =	vxor.u32 v8, v14;
	v3 =	vxor.u32 v3, v15;
	v2 =	vxor.u32 v2, v9  }
0x26b: {  	v4 =	vshrl.u32 v4, $0x9;
	v7 =	vshrl.u32 v7, $0x9;
	v6 =	vshrl.u32 v6, $0x9  }
0x26c: {  	v5 =	vshrl.u32 v5, $0x9;
	v8 =	vshrl.u32 v8, $0x9;
	v3 =	vshrl.u32 v3, $0x9  }
0x26d: {  	v4 =	vor.u32 $0x3F800000, v4;
	v7 =	vor.u32 $0x3F800000, v7;
	v2 =	vshrl.u32 v2, $0x9  }
.Ltmp0:
0x26e: {  	v6 =	vor.u32 $0x3F800000, v6;
	v5 =	vor.u32 $0x3F800000, v5;
	v8 =	vor.u32 $0x3F800000, v8;
	(pc) =	sbr.rel @p0 .LBB2_3-.Ltmp0, $4  }
0x26f: {  	v3 =	vor.u32 $0x3F800000, v3;
	v4 =	vadd.f32 $-1.000000000e+00, v4;
	v2 =	vor.u32 $0x3F800000, v2  }
0x270: {  	v9 =	vadd.f32 $-1.000000000e+00, v7;
	v7 =	vadd.f32 $-1.000000000e+00, v6  }
0x271: {  	v6 =	vadd.f32 $-1.000000000e+00, v5;
	[tilespmem:s13+$0xFFFFFFC0] =	vst v4;
	v4 =	vadd.f32 $-1.000000000e+00, v8  }
0x272: {  	s16 =	sadd.s32 $0x80, s16;
	v5 =	vadd.f32 $-1.000000000e+00, v3;
	v3 =	vadd.f32 $-1.000000000e+00, v2;
	[tilespmem:s13+$0xFFFFFFD0] =	vst v9  }
0x273: {  	s14 =	sshrl.u32 s14, $0x3  }
0x274: {  	[tilespmem:s13+$0xFFFFFFE0] =	vst v7;
	s15 =	sshll.u32 s12, $0x7;
	s14 =	smul.u32 $0x3C000, s14  }
0x275: {  	[tilespmem:s13+$0xFFFFFFF0] =	vst v6;
	s15 =	sand.u32 $0x380, s15  }
0x276: {  	[tilespmem:s13+$0x0] =	vst v4;
	s12 =	sadd.s32 $0x1, s12;
	s14 =	sor.u32 s15, s14  }
0x277: {  	[tilespmem:s13+$0x10] =	vst v5;
	p0 =	sne.s32 s12, $0x10;
	s14 =	sshrl.u32 s14, $0x3  }
.Ltmp1:
0x278: {  	[tilespmem:s13+$0x30] =	vst v3;
	s31 =	sadd.s32 s3, s14;
	(pc) =	sbr.rel @p0 .LBB2_2-.Ltmp1, $4  }
0x279: {  	[hbm4b:s31+s7] =	stream.strided.scatter [tilespmem:s2], [sflag:$0x1], $0x7800, s8, s7, $0x38;
	[tilespmem:$0x7800] =	vst v63  }
0x27a: {  	_ =	swait.ge [sflag:s9], $0x7800  }
0x27b: {  	[sflag:s9] =	ssyncset.done $0x0  }
0x27c: {  	s11 =	sadd.s32 $0x186A0, s11;
	[sflag:s9] =	ssyncadd.s32 $0xFFFF8800  }
0x27d: {  	s10 =	sadd.s32 $0x1, s10  }
0x27e: {  	p0 =	sne.s32 s10, s5  }
.Ltmp2:
0x27f: {  	_ = 	snop;
	(pc) =	sbr.rel @p0 .LBB2_1-.Ltmp2, $1  }
0x280: {  	_ =	sdelay $0x3  }
0x281: {  	_ =	sfence.sel $0x180000  }
0x282: {  	[bflag:$0x0] =	sbarrier.arrive $0xFFFF  }
0x283: {  	p0 =	sne.s32 s1, $0x0;
	_ =	strace $0x90000047  }
0x284: {  	s0 =	sadd.s32 @!p0 $0x100000, s0;
	[bflag:$0x2] =	sbarrier.arrive $0xFFFF  }
0x285: {  	[sflag:s0] =	ssyncadd.tile.s32 @!p0 $0x1;
	_ =	shalt  }
.Lfunc_end2:
_tile_overlayer_lowered:
.L_overlay_start_2:
0x286: {  	(tag) =	ssettag $0x2  }
0x287: {  	s0 =	rddreg [dreg:$0x0];
	s2 =	stileid.u32  }
0x288: {  	s1 =	rddreg [dreg:$0x1];
	p0 =	sne.s32 s2, $0x0  }
0x289: {  	s3 =	rddreg [dreg:$0x2];
	[bflag:$0x3] =	sbarrier.arrive $0xFFFF;
	s2 =	simm.s32 @!p0 $0x1C02  }
0x28a: {  	[timem:s3], [sflag:s2] =	dma.local @!p0 [hbm:s0], s1  }
0x28b: {  	s0 =	simm.s32 @!p0 $0x2  }
0x28c: {  	_ =	swait.ge @!p0 [sflag:s0], s1  }
0x28d: {  	s1 =	ssub.s32 @!p0 $0x0, s1;
	[sflag:s0] =	ssyncset.done @!p0 $0x0  }
0x28e: {  	[sflag:s0] =	ssyncadd.s32 @!p0 s1  }
0x28f: {  	[bflag:$0x3] =	sbarrier.arrive $0xFFFF  }
0x290: {  	_ =	shalt  }

</sc_bundles>
